<compile_context>
chip_gen: v7x
topology: tpu7x:2x2x1
jax: 0.10.2.dev20260603
libtpu: 0.0.44.dev20260713+nightly
codegen_flags: <defaults>
</compile_context>

<pallas_src>
import jax
import jax.numpy as jnp
from jax import lax
from jax.experimental import pallas as pl
from jax.experimental.pallas import tpu as pltpu
from jax.experimental.pallas import tpu_sc as plsc

NC, NS = 2, 16
NW = NC * NS
PADROWS = 2048
DEG = 5
D = 128


def _inv_body(idx_hbm, inv_hbm, idxv, invloc):
    nd = idx_hbm.shape[0]
    n_pad = inv_hbm.shape[0]
    per_w = n_pad // NW
    wid = lax.axis_index("s") * NC + lax.axis_index("c")
    lo = wid * per_w
    @pl.loop(0, per_w // 16)
    def _init(t):
        n = lo + t * 16 + lax.iota(jnp.int32, 16)
        invloc[pl.ds(t * 16, 16)] = nd + (n & (PADROWS - 1))

    ch = 10000

    @pl.loop(0, nd // ch)
    def _scan(c):
        pltpu.sync_copy(idx_hbm.at[pl.ds(c * ch, ch)], idxv)

        @pl.loop(0, ch // 16)
        def _vreg(t):
            v = idxv[pl.ds(t * 16, 16)]
            p = c * ch + t * 16 + lax.iota(jnp.int32, 16)
            m = (v >= lo) & (v < lo + per_w)
            plsc.store_scatter(invloc, [v - lo], p, mask=m)

    pltpu.sync_copy(invloc, inv_hbm.at[pl.ds(lo, per_w)])


def _sc_inv(idx, n_pad):
    mesh = plsc.VectorSubcoreMesh(core_axis_name="c", subcore_axis_name="s")
    f = pl.kernel(
        _inv_body,
        out_type=jax.ShapeDtypeStruct((n_pad,), jnp.int32),
        mesh=mesh,
        scratch_types=[
            pltpu.VMEM((10000,), jnp.int32),
            pltpu.VMEM((n_pad // NW,), jnp.int32),
        ],
        compiler_params=pltpu.CompilerParams(needs_layout_passes=False),
    )
    return f(idx)


_CHUNK = 112
NBUF = 4


def _gather_body(hext, inv, jkm, out, j_all, src_all,
                 rows0, rows1, rows2, rows3,
                 semi, semr0, semr1, semr2, semr3,
                 semo0, semo1, semo2, semo3):
    n_pad = inv.shape[0]
    per_w = n_pad // NW
    n_chunks = per_w // _CHUNK
    wid = lax.axis_index("s") * NC + lax.axis_index("c")
    lo = wid * per_w
    rows = (rows0, rows1, rows2, rows3)
    semr = (semr0, semr1, semr2, semr3)
    semo = (semo0, semo1, semo2, semo3)

    for k in range(DEG):
        pltpu.sync_copy(jkm.at[pl.ds(k * n_pad + lo, per_w)],
                        j_all.at[pl.ds(k * per_w, per_w)])

    def fire(k):
        @pl.loop(0, n_chunks)
        def _fire(cc):
            s = pl.ds(k * per_w + cc * _CHUNK, _CHUNK)
            pltpu.async_copy(inv.at[j_all.at[s]], src_all.at[s], semi)

    def drain(k):
        @pl.loop(0, n_chunks)
        def _drain(cc):
            s = pl.ds(k * per_w + cc * _CHUNK, _CHUNK)
            pltpu.make_async_copy(inv.at[j_all.at[s]], src_all.at[s],
                                  semi).wait()

    def pipeline(k):
        def g_start(cc, b):
            s = pl.ds(k * per_w + cc * _CHUNK, _CHUNK)
            pltpu.async_copy(hext.at[src_all.at[s]], rows[b], semr[b])

        def g_wait(cc, b):
            s = pl.ds(k * per_w + cc * _CHUNK, _CHUNK)
            pltpu.make_async_copy(hext.at[src_all.at[s]], rows[b],
                                  semr[b]).wait()

        def o_ref(cc):
            return out.at[pl.ds(lo + cc * _CHUNK, _CHUNK), pl.ds(k * D, D)]

        def o_start(cc, b):
            pltpu.async_copy(rows[b], o_ref(cc), semo[b])

        def o_wait(cc, b):
            pltpu.make_async_copy(rows[b], o_ref(cc), semo[b]).wait()

        @pl.loop(0, n_chunks // NBUF)
        def _pipe(t):
            for q in range(NBUF):
                cc = t * NBUF + q

                @pl.when(t > 0)
                def _():
                    o_wait(cc - NBUF, q)
                g_start(cc, q)
            for q in range(NBUF):
                cc = t * NBUF + q
                g_wait(cc, q)
                o_start(cc, q)

        for q in range(NBUF):
            o_wait(n_chunks - NBUF + q, q)

    fire(0)
    for k in range(DEG):
        drain(k)
        if k + 1 < DEG:
            fire(k + 1)
        pipeline(k)


def _sc_gather(hext, inv, jkm, n_pad):
    mesh = plsc.VectorSubcoreMesh(core_axis_name="c", subcore_axis_name="s")
    per_w = n_pad // NW
    f = pl.kernel(
        _gather_body,
        out_type=jax.ShapeDtypeStruct((n_pad, DEG * D), jnp.float32),
        mesh=mesh,
        scratch_types=[
            pltpu.VMEM((DEG * per_w,), jnp.int32),
            pltpu.VMEM((DEG * per_w,), jnp.int32),
            pltpu.VMEM((_CHUNK, D), jnp.float32),
            pltpu.VMEM((_CHUNK, D), jnp.float32),
            pltpu.VMEM((_CHUNK, D), jnp.float32),
            pltpu.VMEM((_CHUNK, D), jnp.float32),
            pltpu.SemaphoreType.DMA,
            pltpu.SemaphoreType.DMA,
            pltpu.SemaphoreType.DMA,
            pltpu.SemaphoreType.DMA,
            pltpu.SemaphoreType.DMA,
            pltpu.SemaphoreType.DMA,
            pltpu.SemaphoreType.DMA,
            pltpu.SemaphoreType.DMA,
            pltpu.SemaphoreType.DMA,
        ],
    )
    return f(hext, inv, jkm)


def _mlp_body(x_ref, w1_ref, b1_ref, w2_ref, b2_ref, o_ref):
    x16 = x_ref[...].astype(jnp.bfloat16)
    z = jnp.dot(x16, w1_ref[...], preferred_element_type=jnp.float32)
    z = jnp.maximum(z + b1_ref[...], 0.0).astype(jnp.bfloat16)
    y = jnp.dot(z, w2_ref[...], preferred_element_type=jnp.float32)
    o_ref[...] = y + b2_ref[...]


def _tc_mlp(x, W1t, b1, W2t, b2, n_rows, bn):
    grid = (n_rows // bn,)
    return pl.pallas_call(
        _mlp_body,
        out_shape=jax.ShapeDtypeStruct((n_rows, D), jnp.float32),
        grid=grid,
        in_specs=[
            pl.BlockSpec((bn, DEG * D), lambda i: (i, 0)),
            pl.BlockSpec((DEG * D, D), lambda i: (0, 0)),
            pl.BlockSpec((1, D), lambda i: (0, 0)),
            pl.BlockSpec((D, D), lambda i: (0, 0)),
            pl.BlockSpec((1, D), lambda i: (0, 0)),
        ],
        out_specs=pl.BlockSpec((bn, D), lambda i: (i, 0)),
    )(x, W1t, b1, W2t, b2)


def kernel(h, h_above, idx, i, j, W1, b1, W2, b2):
    ND = h.shape[0]
    N = h_above.shape[0]
    n_pad = ((N + NW * _CHUNK - 1) // (NW * _CHUNK)) * (NW * _CHUNK)

    inv = _sc_inv(idx.astype(jnp.int32), n_pad)

    hext = jnp.concatenate([h, jnp.zeros((PADROWS, D), h.dtype)], axis=0)
    jkm = jnp.zeros((DEG, n_pad), jnp.int32).at[:, :N].set(
        j.reshape(N, DEG).T.astype(jnp.int32)).reshape(-1)

    x = _sc_gather(hext, inv, jkm, n_pad)

    out = _tc_mlp(x, W1.T.astype(jnp.bfloat16), b1.reshape(1, D),
                  W2.T.astype(jnp.bfloat16), b2.reshape(1, D), N, 1000)
    return out

# --- scband reference (transcript-rebuilt; emitter-appended) ---
"""Pipeline reference for scband-push-info-up-22625887715771 (READ-ONLY COPY).

The authoritative reference and input builder live on the scoring server;
editing this copy changes nothing except your own understanding.
"""

import jax, jax.numpy as jnp
import numpy as np

N = 100000      # num up nodes (h_above rows)
ND = 50000      # num down nodes (h rows)
D = 128         # in_planes
OUT = 128       # out_planes
DEG = 5         # every dst node receives exactly 5 messages (DGL mailbox view)
E = N * DEG


def setup_inputs(seed: int = 0) -> dict:
    key = jax.random.key(seed)
    ks = jax.random.split(key, 9)
    h = jax.random.normal(ks[0], (ND, D), dtype=jnp.float32)
    h_above = jax.random.normal(ks[1], (N, D), dtype=jnp.float32)
    idx = jax.random.randint(ks[2], (ND,), 0, N)
    # every node i receives exactly DEG=5 incoming edges (degree-5 graph, like DGL fixture)
    i = jnp.repeat(jnp.arange(N, dtype=jnp.int32), DEG)
    j = jax.random.randint(ks[3], (E,), 0, N)
    # Concat_MLP_Aggregation params (torch nn.Linear convention: W [out, in])
    lim1 = 1.0 / np.sqrt(D * DEG)
    W1 = jax.random.uniform(ks[4], (OUT, D * DEG), dtype=jnp.float32, minval=-lim1, maxval=lim1)
    b1 = jax.random.uniform(ks[5], (OUT,), dtype=jnp.float32, minval=-lim1, maxval=lim1)
    lim2 = 1.0 / np.sqrt(OUT)
    W2 = jax.random.uniform(ks[6], (OUT, OUT), dtype=jnp.float32, minval=-lim2, maxval=lim2)
    b2 = jax.random.uniform(ks[7], (OUT,), dtype=jnp.float32, minval=-lim2, maxval=lim2)
    return {"h": h, "h_above": h_above, "idx": idx, "i": i, "j": j,
            "W1": W1, "b1": b1, "W2": W2, "b2": b2}


def reference(h, h_above, idx, i, j, W1, b1, W2, b2):
    # new_h = zeros; new_h[idx] = h   (scatter-overwrite)
    new_h = jnp.zeros((h_above.shape[0], h.shape[1]), dtype=h.dtype).at[idx].set(h)
    # copy_u: gather source features along edges (j -> i)
    msgs = jnp.take(new_h, j, axis=0)            # [E, D]
    # DGL degree bucketing: group the 5 messages of each dst node (stable sort by dst)
    order = jnp.argsort(i)                        # stable in jax
    concat_neigh_h = msgs[order].reshape(-1, DEG * h.shape[1])  # [N, 5*D]
    # Concat_MLP_Aggregation: FFC1 -> relu -> FFC2
    z = jax.nn.relu(concat_neigh_h @ W1.T + b1)
    h_up_down = z @ W2.T + b2
    return h_up_down

if __name__ == "__main__":
    import jax
    _d = setup_inputs()
    print(jax.jit(kernel)(*tuple(_d.values())))

</pallas_src>

<mosaic_0001>
#map = affine_map<(d0, d1) -> (0, 0)>
#map1 = affine_map<(d0, d1) -> (0)>
module attributes {stable_mosaic.version = 14 : i64} {
  func.func @_gather_body(%arg0: i32, %arg1: i32, %arg2: memref<52048x128xf32, #tpu.memory_space<hbm>>, %arg3: memref<100352xi32, #tpu.memory_space<hbm>>, %arg4: memref<501760xi32, #tpu.memory_space<hbm>>, %arg5: memref<100352x640xf32, #tpu.memory_space<hbm>>, %arg6: memref<15680xi32, #tpu.memory_space<vmem>>, %arg7: memref<15680xi32, #tpu.memory_space<vmem>>, %arg8: memref<112x128xf32, #tpu.memory_space<vmem>>, %arg9: memref<112x128xf32, #tpu.memory_space<vmem>>, %arg10: memref<112x128xf32, #tpu.memory_space<vmem>>, %arg11: memref<112x128xf32, #tpu.memory_space<vmem>>, %arg12: memref<!tpu.dma_semaphore, #tpu.memory_space<semaphore_mem>>, %arg13: memref<!tpu.dma_semaphore, #tpu.memory_space<semaphore_mem>>, %arg14: memref<!tpu.dma_semaphore, #tpu.memory_space<semaphore_mem>>, %arg15: memref<!tpu.dma_semaphore, #tpu.memory_space<semaphore_mem>>, %arg16: memref<!tpu.dma_semaphore, #tpu.memory_space<semaphore_mem>>, %arg17: memref<!tpu.dma_semaphore, #tpu.memory_space<semaphore_mem>>, %arg18: memref<!tpu.dma_semaphore, #tpu.memory_space<semaphore_mem>>, %arg19: memref<!tpu.dma_semaphore, #tpu.memory_space<semaphore_mem>>, %arg20: memref<!tpu.dma_semaphore, #tpu.memory_space<semaphore_mem>>) attributes {dimension_semantics = [#tpu.dimension_semantics<core_parallel>, #tpu.dimension_semantics<subcore_parallel>], iteration_bounds = array<i64: 2, 16>, scalar_prefetch = 0 : i64, scratch_operands = 15 : i64, tpu.core_type = #tpu.core_type<sc_vector_subcore>, window_params = [{transform_indices = #map}, {transform_indices = #map1}, {transform_indices = #map1}, {transform_indices = #map}]} {
    %mul3A = arith.constant 2 : i32
    %mul3A_0 = arith.muli %arg1, %mul3A : i32
    %add3A = arith.addi %mul3A_0, %arg0 : i32
    %mul3A_1 = arith.constant 3136 : i32
    %mul3A_2 = arith.muli %add3A, %mul3A_1 : i32
    %add3A_3 = arith.constant 0 : i32
    %add3A_4 = arith.addi %add3A_3, %mul3A_2 : i32
    "tpu.region"() ({
      %run_scoped3A = tpu.sem_alloc : memref<!tpu.dma_semaphore, #tpu.memory_space<semaphore_mem>>
      %dma_start3A = arith.constant 0 : i32
      %dma_start3A_206 = tpu.memref_slice %arg6[%dma_start3A] : memref<15680xi32, #tpu.memory_space<vmem>> -> memref<3136xi32, #tpu.memory_space<vmem>>
      %dma_start3A_207 = tpu.memref_slice %arg4[%add3A_4] : memref<501760xi32, #tpu.memory_space<hbm>> -> memref<3136xi32, #tpu.memory_space<hbm>>
      %dma_start3A_208 = arith.constant 0 : i32
      %dma_start3A_209 = tpu.memref_slice %arg6[%dma_start3A_208] : memref<15680xi32, #tpu.memory_space<vmem>> -> memref<3136xi32, #tpu.memory_space<vmem>>
      %dma_start3A_210 = tpu.memref_slice %arg4[%add3A_4] : memref<501760xi32, #tpu.memory_space<hbm>> -> memref<3136xi32, #tpu.memory_space<hbm>>
      tpu.enqueue_dma source(%dma_start3A_210 : memref<3136xi32, #tpu.memory_space<hbm>>) target(%dma_start3A_209 : memref<3136xi32, #tpu.memory_space<vmem>>) target_semaphore(%run_scoped3A : memref<!tpu.dma_semaphore, #tpu.memory_space<semaphore_mem>>)
      %dma_wait3A_211 = arith.constant 0 : i32
      %dma_wait3A_212 = tpu.memref_slice %arg6[%dma_wait3A_211] : memref<15680xi32, #tpu.memory_space<vmem>> -> memref<3136xi32, #tpu.memory_space<vmem>>
      %dma_wait3A_213 = tpu.memref_slice %arg4[%add3A_4] : memref<501760xi32, #tpu.memory_space<hbm>> -> memref<3136xi32, #tpu.memory_space<hbm>>
      %dma_wait3A_214 = arith.constant 0 : i32
      %dma_wait3A_215 = tpu.memref_slice %arg6[%dma_wait3A_214] : memref<15680xi32, #tpu.memory_space<vmem>> -> memref<3136xi32, #tpu.memory_space<vmem>>
      %dma_wait3A_216 = tpu.memref_slice %arg4[%add3A_4] : memref<501760xi32, #tpu.memory_space<hbm>> -> memref<3136xi32, #tpu.memory_space<hbm>>
      tpu.wait_dma2 semaphore(%run_scoped3A : memref<!tpu.dma_semaphore, #tpu.memory_space<semaphore_mem>>) src(%dma_wait3A_216 : memref<3136xi32, #tpu.memory_space<hbm>>) dst(%dma_wait3A_215 : memref<3136xi32, #tpu.memory_space<vmem>>)
      tpu.yield
    }) : () -> ()
    %add3A_5 = arith.constant 100352 : i32
    %add3A_6 = arith.addi %add3A_5, %mul3A_2 : i32
    "tpu.region"() ({
      %run_scoped3A = tpu.sem_alloc : memref<!tpu.dma_semaphore, #tpu.memory_space<semaphore_mem>>
      %dma_start3A = arith.constant 3136 : i32
      %dma_start3A_206 = tpu.memref_slice %arg6[%dma_start3A] : memref<15680xi32, #tpu.memory_space<vmem>> -> memref<3136xi32, #tpu.memory_space<vmem>>
      %dma_start3A_207 = tpu.memref_slice %arg4[%add3A_6] : memref<501760xi32, #tpu.memory_space<hbm>> -> memref<3136xi32, #tpu.memory_space<hbm>>
      %dma_start3A_208 = arith.constant 3136 : i32
      %dma_start3A_209 = tpu.memref_slice %arg6[%dma_start3A_208] : memref<15680xi32, #tpu.memory_space<vmem>> -> memref<3136xi32, #tpu.memory_space<vmem>>
      %dma_start3A_210 = tpu.memref_slice %arg4[%add3A_6] : memref<501760xi32, #tpu.memory_space<hbm>> -> memref<3136xi32, #tpu.memory_space<hbm>>
      tpu.enqueue_dma source(%dma_start3A_210 : memref<3136xi32, #tpu.memory_space<hbm>>) target(%dma_start3A_209 : memref<3136xi32, #tpu.memory_space<vmem>>) target_semaphore(%run_scoped3A : memref<!tpu.dma_semaphore, #tpu.memory_space<semaphore_mem>>)
      %dma_wait3A_211 = arith.constant 3136 : i32
      %dma_wait3A_212 = tpu.memref_slice %arg6[%dma_wait3A_211] : memref<15680xi32, #tpu.memory_space<vmem>> -> memref<3136xi32, #tpu.memory_space<vmem>>
      %dma_wait3A_213 = tpu.memref_slice %arg4[%add3A_6] : memref<501760xi32, #tpu.memory_space<hbm>> -> memref<3136xi32, #tpu.memory_space<hbm>>
      %dma_wait3A_214 = arith.constant 3136 : i32
      %dma_wait3A_215 = tpu.memref_slice %arg6[%dma_wait3A_214] : memref<15680xi32, #tpu.memory_space<vmem>> -> memref<3136xi32, #tpu.memory_space<vmem>>
      %dma_wait3A_216 = tpu.memref_slice %arg4[%add3A_6] : memref<501760xi32, #tpu.memory_space<hbm>> -> memref<3136xi32, #tpu.memory_space<hbm>>
      tpu.wait_dma2 semaphore(%run_scoped3A : memref<!tpu.dma_semaphore, #tpu.memory_space<semaphore_mem>>) src(%dma_wait3A_216 : memref<3136xi32, #tpu.memory_space<hbm>>) dst(%dma_wait3A_215 : memref<3136xi32, #tpu.memory_space<vmem>>)
      tpu.yield
    }) : () -> ()
    %add3A_7 = arith.constant 200704 : i32
    %add3A_8 = arith.addi %add3A_7, %mul3A_2 : i32
    "tpu.region"() ({
      %run_scoped3A = tpu.sem_alloc : memref<!tpu.dma_semaphore, #tpu.memory_space<semaphore_mem>>
      %dma_start3A = arith.constant 6272 : i32
      %dma_start3A_206 = tpu.memref_slice %arg6[%dma_start3A] : memref<15680xi32, #tpu.memory_space<vmem>> -> memref<3136xi32, #tpu.memory_space<vmem>>
      %dma_start3A_207 = tpu.memref_slice %arg4[%add3A_8] : memref<501760xi32, #tpu.memory_space<hbm>> -> memref<3136xi32, #tpu.memory_space<hbm>>
      %dma_start3A_208 = arith.constant 6272 : i32
      %dma_start3A_209 = tpu.memref_slice %arg6[%dma_start3A_208] : memref<15680xi32, #tpu.memory_space<vmem>> -> memref<3136xi32, #tpu.memory_space<vmem>>
      %dma_start3A_210 = tpu.memref_slice %arg4[%add3A_8] : memref<501760xi32, #tpu.memory_space<hbm>> -> memref<3136xi32, #tpu.memory_space<hbm>>
      tpu.enqueue_dma source(%dma_start3A_210 : memref<3136xi32, #tpu.memory_space<hbm>>) target(%dma_start3A_209 : memref<3136xi32, #tpu.memory_space<vmem>>) target_semaphore(%run_scoped3A : memref<!tpu.dma_semaphore, #tpu.memory_space<semaphore_mem>>)
      %dma_wait3A_211 = arith.constant 6272 : i32
      %dma_wait3A_212 = tpu.memref_slice %arg6[%dma_wait3A_211] : memref<15680xi32, #tpu.memory_space<vmem>> -> memref<3136xi32, #tpu.memory_space<vmem>>
      %dma_wait3A_213 = tpu.memref_slice %arg4[%add3A_8] : memref<501760xi32, #tpu.memory_space<hbm>> -> memref<3136xi32, #tpu.memory_space<hbm>>
      %dma_wait3A_214 = arith.constant 6272 : i32
      %dma_wait3A_215 = tpu.memref_slice %arg6[%dma_wait3A_214] : memref<15680xi32, #tpu.memory_space<vmem>> -> memref<3136xi32, #tpu.memory_space<vmem>>
      %dma_wait3A_216 = tpu.memref_slice %arg4[%add3A_8] : memref<501760xi32, #tpu.memory_space<hbm>> -> memref<3136xi32, #tpu.memory_space<hbm>>
      tpu.wait_dma2 semaphore(%run_scoped3A : memref<!tpu.dma_semaphore, #tpu.memory_space<semaphore_mem>>) src(%dma_wait3A_216 : memref<3136xi32, #tpu.memory_space<hbm>>) dst(%dma_wait3A_215 : memref<3136xi32, #tpu.memory_space<vmem>>)
      tpu.yield
    }) : () -> ()
    %add3A_9 = arith.constant 301056 : i32
    %add3A_10 = arith.addi %add3A_9, %mul3A_2 : i32
    "tpu.region"() ({
      %run_scoped3A = tpu.sem_alloc : memref<!tpu.dma_semaphore, #tpu.memory_space<semaphore_mem>>
      %dma_start3A = arith.constant 9408 : i32
      %dma_start3A_206 = tpu.memref_slice %arg6[%dma_start3A] : memref<15680xi32, #tpu.memory_space<vmem>> -> memref<3136xi32, #tpu.memory_space<vmem>>
      %dma_start3A_207 = tpu.memref_slice %arg4[%add3A_10] : memref<501760xi32, #tpu.memory_space<hbm>> -> memref<3136xi32, #tpu.memory_space<hbm>>
      %dma_start3A_208 = arith.constant 9408 : i32
      %dma_start3A_209 = tpu.memref_slice %arg6[%dma_start3A_208] : memref<15680xi32, #tpu.memory_space<vmem>> -> memref<3136xi32, #tpu.memory_space<vmem>>
      %dma_start3A_210 = tpu.memref_slice %arg4[%add3A_10] : memref<501760xi32, #tpu.memory_space<hbm>> -> memref<3136xi32, #tpu.memory_space<hbm>>
      tpu.enqueue_dma source(%dma_start3A_210 : memref<3136xi32, #tpu.memory_space<hbm>>) target(%dma_start3A_209 : memref<3136xi32, #tpu.memory_space<vmem>>) target_semaphore(%run_scoped3A : memref<!tpu.dma_semaphore, #tpu.memory_space<semaphore_mem>>)
      %dma_wait3A_211 = arith.constant 9408 : i32
      %dma_wait3A_212 = tpu.memref_slice %arg6[%dma_wait3A_211] : memref<15680xi32, #tpu.memory_space<vmem>> -> memref<3136xi32, #tpu.memory_space<vmem>>
      %dma_wait3A_213 = tpu.memref_slice %arg4[%add3A_10] : memref<501760xi32, #tpu.memory_space<hbm>> -> memref<3136xi32, #tpu.memory_space<hbm>>
      %dma_wait3A_214 = arith.constant 9408 : i32
      %dma_wait3A_215 = tpu.memref_slice %arg6[%dma_wait3A_214] : memref<15680xi32, #tpu.memory_space<vmem>> -> memref<3136xi32, #tpu.memory_space<vmem>>
      %dma_wait3A_216 = tpu.memref_slice %arg4[%add3A_10] : memref<501760xi32, #tpu.memory_space<hbm>> -> memref<3136xi32, #tpu.memory_space<hbm>>
      tpu.wait_dma2 semaphore(%run_scoped3A : memref<!tpu.dma_semaphore, #tpu.memory_space<semaphore_mem>>) src(%dma_wait3A_216 : memref<3136xi32, #tpu.memory_space<hbm>>) dst(%dma_wait3A_215 : memref<3136xi32, #tpu.memory_space<vmem>>)
      tpu.yield
    }) : () -> ()
    %add3A_11 = arith.constant 401408 : i32
    %add3A_12 = arith.addi %add3A_11, %mul3A_2 : i32
    "tpu.region"() ({
      %run_scoped3A = tpu.sem_alloc : memref<!tpu.dma_semaphore, #tpu.memory_space<semaphore_mem>>
      %dma_start3A = arith.constant 12544 : i32
      %dma_start3A_206 = tpu.memref_slice %arg6[%dma_start3A] : memref<15680xi32, #tpu.memory_space<vmem>> -> memref<3136xi32, #tpu.memory_space<vmem>>
      %dma_start3A_207 = tpu.memref_slice %arg4[%add3A_12] : memref<501760xi32, #tpu.memory_space<hbm>> -> memref<3136xi32, #tpu.memory_space<hbm>>
      %dma_start3A_208 = arith.constant 12544 : i32
      %dma_start3A_209 = tpu.memref_slice %arg6[%dma_start3A_208] : memref<15680xi32, #tpu.memory_space<vmem>> -> memref<3136xi32, #tpu.memory_space<vmem>>
      %dma_start3A_210 = tpu.memref_slice %arg4[%add3A_12] : memref<501760xi32, #tpu.memory_space<hbm>> -> memref<3136xi32, #tpu.memory_space<hbm>>
      tpu.enqueue_dma source(%dma_start3A_210 : memref<3136xi32, #tpu.memory_space<hbm>>) target(%dma_start3A_209 : memref<3136xi32, #tpu.memory_space<vmem>>) target_semaphore(%run_scoped3A : memref<!tpu.dma_semaphore, #tpu.memory_space<semaphore_mem>>)
      %dma_wait3A_211 = arith.constant 12544 : i32
      %dma_wait3A_212 = tpu.memref_slice %arg6[%dma_wait3A_211] : memref<15680xi32, #tpu.memory_space<vmem>> -> memref<3136xi32, #tpu.memory_space<vmem>>
      %dma_wait3A_213 = tpu.memref_slice %arg4[%add3A_12] : memref<501760xi32, #tpu.memory_space<hbm>> -> memref<3136xi32, #tpu.memory_space<hbm>>
      %dma_wait3A_214 = arith.constant 12544 : i32
      %dma_wait3A_215 = tpu.memref_slice %arg6[%dma_wait3A_214] : memref<15680xi32, #tpu.memory_space<vmem>> -> memref<3136xi32, #tpu.memory_space<vmem>>
      %dma_wait3A_216 = tpu.memref_slice %arg4[%add3A_12] : memref<501760xi32, #tpu.memory_space<hbm>> -> memref<3136xi32, #tpu.memory_space<hbm>>
      tpu.wait_dma2 semaphore(%run_scoped3A : memref<!tpu.dma_semaphore, #tpu.memory_space<semaphore_mem>>) src(%dma_wait3A_216 : memref<3136xi32, #tpu.memory_space<hbm>>) dst(%dma_wait3A_215 : memref<3136xi32, #tpu.memory_space<vmem>>)
      tpu.yield
    }) : () -> ()
    %scan3A = arith.constant 0 : i32
    %scan3A_13 = arith.constant 28 : i32
    %scan3A_14 = arith.addi %scan3A, %scan3A_13 : i32
    %scan3A_15 = arith.constant 1 : i32
    scf.for %scan3A_206 = %scan3A to %scan3A_14 step %scan3A_15  : i32 {
      %mul3A_207 = arith.constant 1 : i32
      %mul3A_208 = arith.muli %scan3A_206, %mul3A_207 : i32
      %add3A_209 = arith.constant 0 : i32
      %add3A_210 = arith.addi %add3A_209, %mul3A_208 : i32
      %mul3A_211 = arith.constant 112 : i32
      %mul3A_212 = arith.muli %add3A_210, %mul3A_211 : i32
      %add3A_213 = arith.constant 0 : i32
      %add3A_214 = arith.addi %add3A_213, %mul3A_212 : i32
      %dma_start3A = tpu.memref_slice %arg7[%add3A_214] : memref<15680xi32, #tpu.memory_space<vmem>> -> memref<112xi32, #tpu.memory_space<vmem>>
      %dma_start3A_215 = tpu.memref_slice %arg6[%add3A_214] : memref<15680xi32, #tpu.memory_space<vmem>> -> memref<112xi32, #tpu.memory_space<vmem>>
      %dma_start3A_216 = arith.constant 0 : i32
      %dma_start3A_217 = tpu.memref_slice %arg3[%dma_start3A_216] : memref<100352xi32, #tpu.memory_space<hbm>> -> memref<100352xi32, #tpu.memory_space<hbm>>
      tpu.enqueue_indirect_dma source(%dma_start3A_217 : memref<100352xi32, #tpu.memory_space<hbm>>) target(%dma_start3A : memref<112xi32, #tpu.memory_space<vmem>>) offsets(%dma_start3A_215 : memref<112xi32, #tpu.memory_space<vmem>>) semaphore(%arg12 : memref<!tpu.dma_semaphore, #tpu.memory_space<semaphore_mem>>)
    }
    %scan3A_16 = arith.constant 28 : i32
    %scan3A_17 = arith.constant 0 : i32
    %scan3A_18 = arith.constant 28 : i32
    %scan3A_19 = arith.addi %scan3A_17, %scan3A_18 : i32
    %scan3A_20 = arith.constant 1 : i32
    scf.for %scan3A_206 = %scan3A_17 to %scan3A_19 step %scan3A_20  : i32 {
      %mul3A_207 = arith.constant 1 : i32
      %mul3A_208 = arith.muli %scan3A_206, %mul3A_207 : i32
      %add3A_209 = arith.constant 0 : i32
      %add3A_210 = arith.addi %add3A_209, %mul3A_208 : i32
      %mul3A_211 = arith.constant 112 : i32
      %mul3A_212 = arith.muli %add3A_210, %mul3A_211 : i32
      %add3A_213 = arith.constant 0 : i32
      %add3A_214 = arith.addi %add3A_213, %mul3A_212 : i32
      %dma_wait3A_215 = tpu.memref_slice %arg7[%add3A_214] : memref<15680xi32, #tpu.memory_space<vmem>> -> memref<112xi32, #tpu.memory_space<vmem>>
      %dma_wait3A_216 = tpu.memref_slice %arg6[%add3A_214] : memref<15680xi32, #tpu.memory_space<vmem>> -> memref<112xi32, #tpu.memory_space<vmem>>
      %dma_wait3A_217 = arith.constant 0 : i32
      %dma_wait3A_218 = tpu.memref_slice %arg3[%dma_wait3A_217] : memref<100352xi32, #tpu.memory_space<hbm>> -> memref<100352xi32, #tpu.memory_space<hbm>>
      tpu.wait_indirect_dma semaphore(%arg12 : memref<!tpu.dma_semaphore, #tpu.memory_space<semaphore_mem>>) src(%dma_wait3A_218 : memref<100352xi32, #tpu.memory_space<hbm>>) dst(%dma_wait3A_215 : memref<112xi32, #tpu.memory_space<vmem>>)
    }
    %scan3A_21 = arith.constant 28 : i32
    %scan3A_22 = arith.constant 0 : i32
    %scan3A_23 = arith.constant 28 : i32
    %scan3A_24 = arith.addi %scan3A_22, %scan3A_23 : i32
    %scan3A_25 = arith.constant 1 : i32
    scf.for %scan3A_206 = %scan3A_22 to %scan3A_24 step %scan3A_25  : i32 {
      %mul3A_207 = arith.constant 1 : i32
      %mul3A_208 = arith.muli %scan3A_206, %mul3A_207 : i32
      %add3A_209 = arith.constant 0 : i32
      %add3A_210 = arith.addi %add3A_209, %mul3A_208 : i32
      %mul3A_211 = arith.constant 112 : i32
      %mul3A_212 = arith.muli %add3A_210, %mul3A_211 : i32
      %add3A_213 = arith.constant 3136 : i32
      %add3A_214 = arith.addi %add3A_213, %mul3A_212 : i32
      %dma_start3A = tpu.memref_slice %arg7[%add3A_214] : memref<15680xi32, #tpu.memory_space<vmem>> -> memref<112xi32, #tpu.memory_space<vmem>>
      %dma_start3A_215 = tpu.memref_slice %arg6[%add3A_214] : memref<15680xi32, #tpu.memory_space<vmem>> -> memref<112xi32, #tpu.memory_space<vmem>>
      %dma_start3A_216 = arith.constant 0 : i32
      %dma_start3A_217 = tpu.memref_slice %arg3[%dma_start3A_216] : memref<100352xi32, #tpu.memory_space<hbm>> -> memref<100352xi32, #tpu.memory_space<hbm>>
      tpu.enqueue_indirect_dma source(%dma_start3A_217 : memref<100352xi32, #tpu.memory_space<hbm>>) target(%dma_start3A : memref<112xi32, #tpu.memory_space<vmem>>) offsets(%dma_start3A_215 : memref<112xi32, #tpu.memory_space<vmem>>) semaphore(%arg12 : memref<!tpu.dma_semaphore, #tpu.memory_space<semaphore_mem>>)
    }
    %scan3A_26 = arith.constant 28 : i32
    %scan3A_27 = arith.constant 0 : i32
    %scan3A_28 = arith.constant 7 : i32
    %scan3A_29 = arith.addi %scan3A_27, %scan3A_28 : i32
    %scan3A_30 = arith.constant 1 : i32
    scf.for %scan3A_206 = %scan3A_27 to %scan3A_29 step %scan3A_30  : i32 {
      %mul3A_207 = arith.constant 1 : i32
      %mul3A_208 = arith.muli %scan3A_206, %mul3A_207 : i32
      %add3A_209 = arith.constant 0 : i32
      %add3A_210 = arith.addi %add3A_209, %mul3A_208 : i32
      %mul3A_211 = arith.constant 4 : i32
      %mul3A_212 = arith.muli %add3A_210, %mul3A_211 : i32
      %add3A_213 = arith.constant 0 : i32
      %add3A_214 = arith.addi %mul3A_212, %add3A_213 : i32
      %gt3A = arith.constant 0 : i32
      %gt3A_215 = arith.cmpi sgt, %add3A_210, %gt3A : i32
      %convert_element_type3A = arith.extui %gt3A_215 : i1 to i32
      %cond3A = arith.constant 0 : i32
      %cond3A_216 = arith.cmpi ne, %convert_element_type3A, %cond3A : i32
      scf.if %cond3A_216 {
        %sub3A = arith.constant 4 : i32
        %sub3A_351 = arith.subi %add3A_214, %sub3A : i32
        %mul3A_352 = arith.constant 112 : i32
        %mul3A_353 = arith.muli %sub3A_351, %mul3A_352 : i32
        %add3A_354 = arith.addi %mul3A_2, %mul3A_353 : i32
        %dma_wait3A_355 = arith.constant 0 : i32
        %dma_wait3A_356 = tpu.memref_slice %arg5[%add3A_354, %dma_wait3A_355] : memref<100352x640xf32, #tpu.memory_space<hbm>> -> memref<112x128xf32, #tpu.memory_space<hbm>>
        %dma_wait3A_357 = arith.constant 0 : i32
        %dma_wait3A_358 = tpu.memref_slice %arg5[%add3A_354, %dma_wait3A_357] : memref<100352x640xf32, #tpu.memory_space<hbm>> -> memref<112x128xf32, #tpu.memory_space<hbm>>
        tpu.wait_dma2 semaphore(%arg17 : memref<!tpu.dma_semaphore, #tpu.memory_space<semaphore_mem>>) src(%arg8 : memref<112x128xf32, #tpu.memory_space<vmem>>) dst(%dma_wait3A_358 : memref<112x128xf32, #tpu.memory_space<hbm>>)
      } else {
      }
      %mul3A_217 = arith.constant 112 : i32
      %mul3A_218 = arith.muli %add3A_214, %mul3A_217 : i32
      %add3A_219 = arith.constant 0 : i32
      %add3A_220 = arith.addi %add3A_219, %mul3A_218 : i32
      %dma_start3A = tpu.memref_slice %arg7[%add3A_220] : memref<15680xi32, #tpu.memory_space<vmem>> -> memref<112xi32, #tpu.memory_space<vmem>>
      %dma_start3A_221 = arith.constant 0 : i32
      %dma_start3A_222 = arith.constant 0 : i32
      %dma_start3A_223 = tpu.memref_slice %arg2[%dma_start3A_221, %dma_start3A_222] : memref<52048x128xf32, #tpu.memory_space<hbm>> -> memref<52048x128xf32, #tpu.memory_space<hbm>>
      tpu.enqueue_indirect_dma source(%dma_start3A_223 : memref<52048x128xf32, #tpu.memory_space<hbm>>) target(%arg8 : memref<112x128xf32, #tpu.memory_space<vmem>>) offsets(%dma_start3A : memref<112xi32, #tpu.memory_space<vmem>>) semaphore(%arg13 : memref<!tpu.dma_semaphore, #tpu.memory_space<semaphore_mem>>)
      %mul3A_224 = arith.constant 4 : i32
      %mul3A_225 = arith.muli %add3A_210, %mul3A_224 : i32
      %add3A_226 = arith.constant 1 : i32
      %add3A_227 = arith.addi %mul3A_225, %add3A_226 : i32
      %gt3A_228 = arith.constant 0 : i32
      %gt3A_229 = arith.cmpi sgt, %add3A_210, %gt3A_228 : i32
      %convert_element_type3A_230 = arith.extui %gt3A_229 : i1 to i32
      %cond3A_231 = arith.constant 0 : i32
      %cond3A_232 = arith.cmpi ne, %convert_element_type3A_230, %cond3A_231 : i32
      scf.if %cond3A_232 {
        %sub3A = arith.constant 4 : i32
        %sub3A_351 = arith.subi %add3A_227, %sub3A : i32
        %mul3A_352 = arith.constant 112 : i32
        %mul3A_353 = arith.muli %sub3A_351, %mul3A_352 : i32
        %add3A_354 = arith.addi %mul3A_2, %mul3A_353 : i32
        %dma_wait3A_355 = arith.constant 0 : i32
        %dma_wait3A_356 = tpu.memref_slice %arg5[%add3A_354, %dma_wait3A_355] : memref<100352x640xf32, #tpu.memory_space<hbm>> -> memref<112x128xf32, #tpu.memory_space<hbm>>
        %dma_wait3A_357 = arith.constant 0 : i32
        %dma_wait3A_358 = tpu.memref_slice %arg5[%add3A_354, %dma_wait3A_357] : memref<100352x640xf32, #tpu.memory_space<hbm>> -> memref<112x128xf32, #tpu.memory_space<hbm>>
        tpu.wait_dma2 semaphore(%arg18 : memref<!tpu.dma_semaphore, #tpu.memory_space<semaphore_mem>>) src(%arg9 : memref<112x128xf32, #tpu.memory_space<vmem>>) dst(%dma_wait3A_358 : memref<112x128xf32, #tpu.memory_space<hbm>>)
      } else {
      }
      %mul3A_233 = arith.constant 112 : i32
      %mul3A_234 = arith.muli %add3A_227, %mul3A_233 : i32
      %add3A_235 = arith.constant 0 : i32
      %add3A_236 = arith.addi %add3A_235, %mul3A_234 : i32
      %dma_start3A_237 = tpu.memref_slice %arg7[%add3A_236] : memref<15680xi32, #tpu.memory_space<vmem>> -> memref<112xi32, #tpu.memory_space<vmem>>
      %dma_start3A_238 = arith.constant 0 : i32
      %dma_start3A_239 = arith.constant 0 : i32
      %dma_start3A_240 = tpu.memref_slice %arg2[%dma_start3A_238, %dma_start3A_239] : memref<52048x128xf32, #tpu.memory_space<hbm>> -> memref<52048x128xf32, #tpu.memory_space<hbm>>
      tpu.enqueue_indirect_dma source(%dma_start3A_240 : memref<52048x128xf32, #tpu.memory_space<hbm>>) target(%arg9 : memref<112x128xf32, #tpu.memory_space<vmem>>) offsets(%dma_start3A_237 : memref<112xi32, #tpu.memory_space<vmem>>) semaphore(%arg14 : memref<!tpu.dma_semaphore, #tpu.memory_space<semaphore_mem>>)
      %mul3A_241 = arith.constant 4 : i32
      %mul3A_242 = arith.muli %add3A_210, %mul3A_241 : i32
      %add3A_243 = arith.constant 2 : i32
      %add3A_244 = arith.addi %mul3A_242, %add3A_243 : i32
      %gt3A_245 = arith.constant 0 : i32
      %gt3A_246 = arith.cmpi sgt, %add3A_210, %gt3A_245 : i32
      %convert_element_type3A_247 = arith.extui %gt3A_246 : i1 to i32
      %cond3A_248 = arith.constant 0 : i32
      %cond3A_249 = arith.cmpi ne, %convert_element_type3A_247, %cond3A_248 : i32
      scf.if %cond3A_249 {
        %sub3A = arith.constant 4 : i32
        %sub3A_351 = arith.subi %add3A_244, %sub3A : i32
        %mul3A_352 = arith.constant 112 : i32
        %mul3A_353 = arith.muli %sub3A_351, %mul3A_352 : i32
        %add3A_354 = arith.addi %mul3A_2, %mul3A_353 : i32
        %dma_wait3A_355 = arith.constant 0 : i32
        %dma_wait3A_356 = tpu.memref_slice %arg5[%add3A_354, %dma_wait3A_355] : memref<100352x640xf32, #tpu.memory_space<hbm>> -> memref<112x128xf32, #tpu.memory_space<hbm>>
        %dma_wait3A_357 = arith.constant 0 : i32
        %dma_wait3A_358 = tpu.memref_slice %arg5[%add3A_354, %dma_wait3A_357] : memref<100352x640xf32, #tpu.memory_space<hbm>> -> memref<112x128xf32, #tpu.memory_space<hbm>>
        tpu.wait_dma2 semaphore(%arg19 : memref<!tpu.dma_semaphore, #tpu.memory_space<semaphore_mem>>) src(%arg10 : memref<112x128xf32, #tpu.memory_space<vmem>>) dst(%dma_wait3A_358 : memref<112x128xf32, #tpu.memory_space<hbm>>)
      } else {
      }
      %mul3A_250 = arith.constant 112 : i32
      %mul3A_251 = arith.muli %add3A_244, %mul3A_250 : i32
      %add3A_252 = arith.constant 0 : i32
      %add3A_253 = arith.addi %add3A_252, %mul3A_251 : i32
      %dma_start3A_254 = tpu.memref_slice %arg7[%add3A_253] : memref<15680xi32, #tpu.memory_space<vmem>> -> memref<112xi32, #tpu.memory_space<vmem>>
      %dma_start3A_255 = arith.constant 0 : i32
      %dma_start3A_256 = arith.constant 0 : i32
      %dma_start3A_257 = tpu.memref_slice %arg2[%dma_start3A_255, %dma_start3A_256] : memref<52048x128xf32, #tpu.memory_space<hbm>> -> memref<52048x128xf32, #tpu.memory_space<hbm>>
      tpu.enqueue_indirect_dma source(%dma_start3A_257 : memref<52048x128xf32, #tpu.memory_space<hbm>>) target(%arg10 : memref<112x128xf32, #tpu.memory_space<vmem>>) offsets(%dma_start3A_254 : memref<112xi32, #tpu.memory_space<vmem>>) semaphore(%arg15 : memref<!tpu.dma_semaphore, #tpu.memory_space<semaphore_mem>>)
      %mul3A_258 = arith.constant 4 : i32
      %mul3A_259 = arith.muli %add3A_210, %mul3A_258 : i32
      %add3A_260 = arith.constant 3 : i32
      %add3A_261 = arith.addi %mul3A_259, %add3A_260 : i32
      %gt3A_262 = arith.constant 0 : i32
      %gt3A_263 = arith.cmpi sgt, %add3A_210, %gt3A_262 : i32
      %convert_element_type3A_264 = arith.extui %gt3A_263 : i1 to i32
      %cond3A_265 = arith.constant 0 : i32
      %cond3A_266 = arith.cmpi ne, %convert_element_type3A_264, %cond3A_265 : i32
      scf.if %cond3A_266 {
        %sub3A = arith.constant 4 : i32
        %sub3A_351 = arith.subi %add3A_261, %sub3A : i32
        %mul3A_352 = arith.constant 112 : i32
        %mul3A_353 = arith.muli %sub3A_351, %mul3A_352 : i32
        %add3A_354 = arith.addi %mul3A_2, %mul3A_353 : i32
        %dma_wait3A_355 = arith.constant 0 : i32
        %dma_wait3A_356 = tpu.memref_slice %arg5[%add3A_354, %dma_wait3A_355] : memref<100352x640xf32, #tpu.memory_space<hbm>> -> memref<112x128xf32, #tpu.memory_space<hbm>>
        %dma_wait3A_357 = arith.constant 0 : i32
        %dma_wait3A_358 = tpu.memref_slice %arg5[%add3A_354, %dma_wait3A_357] : memref<100352x640xf32, #tpu.memory_space<hbm>> -> memref<112x128xf32, #tpu.memory_space<hbm>>
        tpu.wait_dma2 semaphore(%arg20 : memref<!tpu.dma_semaphore, #tpu.memory_space<semaphore_mem>>) src(%arg11 : memref<112x128xf32, #tpu.memory_space<vmem>>) dst(%dma_wait3A_358 : memref<112x128xf32, #tpu.memory_space<hbm>>)
      } else {
      }
      %mul3A_267 = arith.constant 112 : i32
      %mul3A_268 = arith.muli %add3A_261, %mul3A_267 : i32
      %add3A_269 = arith.constant 0 : i32
      %add3A_270 = arith.addi %add3A_269, %mul3A_268 : i32
      %dma_start3A_271 = tpu.memref_slice %arg7[%add3A_270] : memref<15680xi32, #tpu.memory_space<vmem>> -> memref<112xi32, #tpu.memory_space<vmem>>
      %dma_start3A_272 = arith.constant 0 : i32
      %dma_start3A_273 = arith.constant 0 : i32
      %dma_start3A_274 = tpu.memref_slice %arg2[%dma_start3A_272, %dma_start3A_273] : memref<52048x128xf32, #tpu.memory_space<hbm>> -> memref<52048x128xf32, #tpu.memory_space<hbm>>
      tpu.enqueue_indirect_dma source(%dma_start3A_274 : memref<52048x128xf32, #tpu.memory_space<hbm>>) target(%arg11 : memref<112x128xf32, #tpu.memory_space<vmem>>) offsets(%dma_start3A_271 : memref<112xi32, #tpu.memory_space<vmem>>) semaphore(%arg16 : memref<!tpu.dma_semaphore, #tpu.memory_space<semaphore_mem>>)
      %mul3A_275 = arith.constant 4 : i32
      %mul3A_276 = arith.muli %add3A_210, %mul3A_275 : i32
      %add3A_277 = arith.constant 0 : i32
      %add3A_278 = arith.addi %mul3A_276, %add3A_277 : i32
      %mul3A_279 = arith.constant 112 : i32
      %mul3A_280 = arith.muli %add3A_278, %mul3A_279 : i32
      %add3A_281 = arith.constant 0 : i32
      %add3A_282 = arith.addi %add3A_281, %mul3A_280 : i32
      %dma_wait3A_283 = tpu.memref_slice %arg7[%add3A_282] : memref<15680xi32, #tpu.memory_space<vmem>> -> memref<112xi32, #tpu.memory_space<vmem>>
      %dma_wait3A_284 = arith.constant 0 : i32
      %dma_wait3A_285 = arith.constant 0 : i32
      %dma_wait3A_286 = tpu.memref_slice %arg2[%dma_wait3A_284, %dma_wait3A_285] : memref<52048x128xf32, #tpu.memory_space<hbm>> -> memref<52048x128xf32, #tpu.memory_space<hbm>>
      tpu.wait_indirect_dma semaphore(%arg13 : memref<!tpu.dma_semaphore, #tpu.memory_space<semaphore_mem>>) src(%dma_wait3A_286 : memref<52048x128xf32, #tpu.memory_space<hbm>>) dst(%arg8 : memref<112x128xf32, #tpu.memory_space<vmem>>)
      %mul3A_287 = arith.constant 112 : i32
      %mul3A_288 = arith.muli %add3A_278, %mul3A_287 : i32
      %add3A_289 = arith.addi %mul3A_2, %mul3A_288 : i32
      %dma_start3A_290 = arith.constant 0 : i32
      %dma_start3A_291 = tpu.memref_slice %arg5[%add3A_289, %dma_start3A_290] : memref<100352x640xf32, #tpu.memory_space<hbm>> -> memref<112x128xf32, #tpu.memory_space<hbm>>
      %dma_start3A_292 = arith.constant 0 : i32
      %dma_start3A_293 = tpu.memref_slice %arg5[%add3A_289, %dma_start3A_292] : memref<100352x640xf32, #tpu.memory_space<hbm>> -> memref<112x128xf32, #tpu.memory_space<hbm>>
      tpu.enqueue_dma source(%arg8 : memref<112x128xf32, #tpu.memory_space<vmem>>) target(%dma_start3A_293 : memref<112x128xf32, #tpu.memory_space<hbm>>) target_semaphore(%arg17 : memref<!tpu.dma_semaphore, #tpu.memory_space<semaphore_mem>>)
      %mul3A_294 = arith.constant 4 : i32
      %mul3A_295 = arith.muli %add3A_210, %mul3A_294 : i32
      %add3A_296 = arith.constant 1 : i32
      %add3A_297 = arith.addi %mul3A_295, %add3A_296 : i32
      %mul3A_298 = arith.constant 112 : i32
      %mul3A_299 = arith.muli %add3A_297, %mul3A_298 : i32
      %add3A_300 = arith.constant 0 : i32
      %add3A_301 = arith.addi %add3A_300, %mul3A_299 : i32
      %dma_wait3A_302 = tpu.memref_slice %arg7[%add3A_301] : memref<15680xi32, #tpu.memory_space<vmem>> -> memref<112xi32, #tpu.memory_space<vmem>>
      %dma_wait3A_303 = arith.constant 0 : i32
      %dma_wait3A_304 = arith.constant 0 : i32
      %dma_wait3A_305 = tpu.memref_slice %arg2[%dma_wait3A_303, %dma_wait3A_304] : memref<52048x128xf32, #tpu.memory_space<hbm>> -> memref<52048x128xf32, #tpu.memory_space<hbm>>
      tpu.wait_indirect_dma semaphore(%arg14 : memref<!tpu.dma_semaphore, #tpu.memory_space<semaphore_mem>>) src(%dma_wait3A_305 : memref<52048x128xf32, #tpu.memory_space<hbm>>) dst(%arg9 : memref<112x128xf32, #tpu.memory_space<vmem>>)
      %mul3A_306 = arith.constant 112 : i32
      %mul3A_307 = arith.muli %add3A_297, %mul3A_306 : i32
      %add3A_308 = arith.addi %mul3A_2, %mul3A_307 : i32
      %dma_start3A_309 = arith.constant 0 : i32
      %dma_start3A_310 = tpu.memref_slice %arg5[%add3A_308, %dma_start3A_309] : memref<100352x640xf32, #tpu.memory_space<hbm>> -> memref<112x128xf32, #tpu.memory_space<hbm>>
      %dma_start3A_311 = arith.constant 0 : i32
      %dma_start3A_312 = tpu.memref_slice %arg5[%add3A_308, %dma_start3A_311] : memref<100352x640xf32, #tpu.memory_space<hbm>> -> memref<112x128xf32, #tpu.memory_space<hbm>>
      tpu.enqueue_dma source(%arg9 : memref<112x128xf32, #tpu.memory_space<vmem>>) target(%dma_start3A_312 : memref<112x128xf32, #tpu.memory_space<hbm>>) target_semaphore(%arg18 : memref<!tpu.dma_semaphore, #tpu.memory_space<semaphore_mem>>)
      %mul3A_313 = arith.constant 4 : i32
      %mul3A_314 = arith.muli %add3A_210, %mul3A_313 : i32
      %add3A_315 = arith.constant 2 : i32
      %add3A_316 = arith.addi %mul3A_314, %add3A_315 : i32
      %mul3A_317 = arith.constant 112 : i32
      %mul3A_318 = arith.muli %add3A_316, %mul3A_317 : i32
      %add3A_319 = arith.constant 0 : i32
      %add3A_320 = arith.addi %add3A_319, %mul3A_318 : i32
      %dma_wait3A_321 = tpu.memref_slice %arg7[%add3A_320] : memref<15680xi32, #tpu.memory_space<vmem>> -> memref<112xi32, #tpu.memory_space<vmem>>
      %dma_wait3A_322 = arith.constant 0 : i32
      %dma_wait3A_323 = arith.constant 0 : i32
      %dma_wait3A_324 = tpu.memref_slice %arg2[%dma_wait3A_322, %dma_wait3A_323] : memref<52048x128xf32, #tpu.memory_space<hbm>> -> memref<52048x128xf32, #tpu.memory_space<hbm>>
      tpu.wait_indirect_dma semaphore(%arg15 : memref<!tpu.dma_semaphore, #tpu.memory_space<semaphore_mem>>) src(%dma_wait3A_324 : memref<52048x128xf32, #tpu.memory_space<hbm>>) dst(%arg10 : memref<112x128xf32, #tpu.memory_space<vmem>>)
      %mul3A_325 = arith.constant 112 : i32
      %mul3A_326 = arith.muli %add3A_316, %mul3A_325 : i32
      %add3A_327 = arith.addi %mul3A_2, %mul3A_326 : i32
      %dma_start3A_328 = arith.constant 0 : i32
      %dma_start3A_329 = tpu.memref_slice %arg5[%add3A_327, %dma_start3A_328] : memref<100352x640xf32, #tpu.memory_space<hbm>> -> memref<112x128xf32, #tpu.memory_space<hbm>>
      %dma_start3A_330 = arith.constant 0 : i32
      %dma_start3A_331 = tpu.memref_slice %arg5[%add3A_327, %dma_start3A_330] : memref<100352x640xf32, #tpu.memory_space<hbm>> -> memref<112x128xf32, #tpu.memory_space<hbm>>
      tpu.enqueue_dma source(%arg10 : memref<112x128xf32, #tpu.memory_space<vmem>>) target(%dma_start3A_331 : memref<112x128xf32, #tpu.memory_space<hbm>>) target_semaphore(%arg19 : memref<!tpu.dma_semaphore, #tpu.memory_space<semaphore_mem>>)
      %mul3A_332 = arith.constant 4 : i32
      %mul3A_333 = arith.muli %add3A_210, %mul3A_332 : i32
      %add3A_334 = arith.constant 3 : i32
      %add3A_335 = arith.addi %mul3A_333, %add3A_334 : i32
      %mul3A_336 = arith.constant 112 : i32
      %mul3A_337 = arith.muli %add3A_335, %mul3A_336 : i32
      %add3A_338 = arith.constant 0 : i32
      %add3A_339 = arith.addi %add3A_338, %mul3A_337 : i32
      %dma_wait3A_340 = tpu.memref_slice %arg7[%add3A_339] : memref<15680xi32, #tpu.memory_space<vmem>> -> memref<112xi32, #tpu.memory_space<vmem>>
      %dma_wait3A_341 = arith.constant 0 : i32
      %dma_wait3A_342 = arith.constant 0 : i32
      %dma_wait3A_343 = tpu.memref_slice %arg2[%dma_wait3A_341, %dma_wait3A_342] : memref<52048x128xf32, #tpu.memory_space<hbm>> -> memref<52048x128xf32, #tpu.memory_space<hbm>>
      tpu.wait_indirect_dma semaphore(%arg16 : memref<!tpu.dma_semaphore, #tpu.memory_space<semaphore_mem>>) src(%dma_wait3A_343 : memref<52048x128xf32, #tpu.memory_space<hbm>>) dst(%arg11 : memref<112x128xf32, #tpu.memory_space<vmem>>)
      %mul3A_344 = arith.constant 112 : i32
      %mul3A_345 = arith.muli %add3A_335, %mul3A_344 : i32
      %add3A_346 = arith.addi %mul3A_2, %mul3A_345 : i32
      %dma_start3A_347 = arith.constant 0 : i32
      %dma_start3A_348 = tpu.memref_slice %arg5[%add3A_346, %dma_start3A_347] : memref<100352x640xf32, #tpu.memory_space<hbm>> -> memref<112x128xf32, #tpu.memory_space<hbm>>
      %dma_start3A_349 = arith.constant 0 : i32
      %dma_start3A_350 = tpu.memref_slice %arg5[%add3A_346, %dma_start3A_349] : memref<100352x640xf32, #tpu.memory_space<hbm>> -> memref<112x128xf32, #tpu.memory_space<hbm>>
      tpu.enqueue_dma source(%arg11 : memref<112x128xf32, #tpu.memory_space<vmem>>) target(%dma_start3A_350 : memref<112x128xf32, #tpu.memory_space<hbm>>) target_semaphore(%arg20 : memref<!tpu.dma_semaphore, #tpu.memory_space<semaphore_mem>>)
    }
    %scan3A_31 = arith.constant 7 : i32
    %add3A_32 = arith.constant 2688 : i32
    %add3A_33 = arith.addi %mul3A_2, %add3A_32 : i32
    %dma_wait3A = arith.constant 0 : i32
    %dma_wait3A_34 = tpu.memref_slice %arg5[%add3A_33, %dma_wait3A] : memref<100352x640xf32, #tpu.memory_space<hbm>> -> memref<112x128xf32, #tpu.memory_space<hbm>>
    %dma_wait3A_35 = arith.constant 0 : i32
    %dma_wait3A_36 = tpu.memref_slice %arg5[%add3A_33, %dma_wait3A_35] : memref<100352x640xf32, #tpu.memory_space<hbm>> -> memref<112x128xf32, #tpu.memory_space<hbm>>
    tpu.wait_dma2 semaphore(%arg17 : memref<!tpu.dma_semaphore, #tpu.memory_space<semaphore_mem>>) src(%arg8 : memref<112x128xf32, #tpu.memory_space<vmem>>) dst(%dma_wait3A_36 : memref<112x128xf32, #tpu.memory_space<hbm>>)
    %add3A_37 = arith.constant 2800 : i32
    %add3A_38 = arith.addi %mul3A_2, %add3A_37 : i32
    %dma_wait3A_39 = arith.constant 0 : i32
    %dma_wait3A_40 = tpu.memref_slice %arg5[%add3A_38, %dma_wait3A_39] : memref<100352x640xf32, #tpu.memory_space<hbm>> -> memref<112x128xf32, #tpu.memory_space<hbm>>
    %dma_wait3A_41 = arith.constant 0 : i32
    %dma_wait3A_42 = tpu.memref_slice %arg5[%add3A_38, %dma_wait3A_41] : memref<100352x640xf32, #tpu.memory_space<hbm>> -> memref<112x128xf32, #tpu.memory_space<hbm>>
    tpu.wait_dma2 semaphore(%arg18 : memref<!tpu.dma_semaphore, #tpu.memory_space<semaphore_mem>>) src(%arg9 : memref<112x128xf32, #tpu.memory_space<vmem>>) dst(%dma_wait3A_42 : memref<112x128xf32, #tpu.memory_space<hbm>>)
    %add3A_43 = arith.constant 2912 : i32
    %add3A_44 = arith.addi %mul3A_2, %add3A_43 : i32
    %dma_wait3A_45 = arith.constant 0 : i32
    %dma_wait3A_46 = tpu.memref_slice %arg5[%add3A_44, %dma_wait3A_45] : memref<100352x640xf32, #tpu.memory_space<hbm>> -> memref<112x128xf32, #tpu.memory_space<hbm>>
    %dma_wait3A_47 = arith.constant 0 : i32
    %dma_wait3A_48 = tpu.memref_slice %arg5[%add3A_44, %dma_wait3A_47] : memref<100352x640xf32, #tpu.memory_space<hbm>> -> memref<112x128xf32, #tpu.memory_space<hbm>>
    tpu.wait_dma2 semaphore(%arg19 : memref<!tpu.dma_semaphore, #tpu.memory_space<semaphore_mem>>) src(%arg10 : memref<112x128xf32, #tpu.memory_space<vmem>>) dst(%dma_wait3A_48 : memref<112x128xf32, #tpu.memory_space<hbm>>)
    %add3A_49 = arith.constant 3024 : i32
    %add3A_50 = arith.addi %mul3A_2, %add3A_49 : i32
    %dma_wait3A_51 = arith.constant 0 : i32
    %dma_wait3A_52 = tpu.memref_slice %arg5[%add3A_50, %dma_wait3A_51] : memref<100352x640xf32, #tpu.memory_space<hbm>> -> memref<112x128xf32, #tpu.memory_space<hbm>>
    %dma_wait3A_53 = arith.constant 0 : i32
    %dma_wait3A_54 = tpu.memref_slice %arg5[%add3A_50, %dma_wait3A_53] : memref<100352x640xf32, #tpu.memory_space<hbm>> -> memref<112x128xf32, #tpu.memory_space<hbm>>
    tpu.wait_dma2 semaphore(%arg20 : memref<!tpu.dma_semaphore, #tpu.memory_space<semaphore_mem>>) src(%arg11 : memref<112x128xf32, #tpu.memory_space<vmem>>) dst(%dma_wait3A_54 : memref<112x128xf32, #tpu.memory_space<hbm>>)
    %scan3A_55 = arith.constant 0 : i32
    %scan3A_56 = arith.constant 28 : i32
    %scan3A_57 = arith.addi %scan3A_55, %scan3A_56 : i32
    %scan3A_58 = arith.constant 1 : i32
    scf.for %scan3A_206 = %scan3A_55 to %scan3A_57 step %scan3A_58  : i32 {
      %mul3A_207 = arith.constant 1 : i32
      %mul3A_208 = arith.muli %scan3A_206, %mul3A_207 : i32
      %add3A_209 = arith.constant 0 : i32
      %add3A_210 = arith.addi %add3A_209, %mul3A_208 : i32
      %mul3A_211 = arith.constant 112 : i32
      %mul3A_212 = arith.muli %add3A_210, %mul3A_211 : i32
      %add3A_213 = arith.constant 3136 : i32
      %add3A_214 = arith.addi %add3A_213, %mul3A_212 : i32
      %dma_wait3A_215 = tpu.memref_slice %arg7[%add3A_214] : memref<15680xi32, #tpu.memory_space<vmem>> -> memref<112xi32, #tpu.memory_space<vmem>>
      %dma_wait3A_216 = tpu.memref_slice %arg6[%add3A_214] : memref<15680xi32, #tpu.memory_space<vmem>> -> memref<112xi32, #tpu.memory_space<vmem>>
      %dma_wait3A_217 = arith.constant 0 : i32
      %dma_wait3A_218 = tpu.memref_slice %arg3[%dma_wait3A_217] : memref<100352xi32, #tpu.memory_space<hbm>> -> memref<100352xi32, #tpu.memory_space<hbm>>
      tpu.wait_indirect_dma semaphore(%arg12 : memref<!tpu.dma_semaphore, #tpu.memory_space<semaphore_mem>>) src(%dma_wait3A_218 : memref<100352xi32, #tpu.memory_space<hbm>>) dst(%dma_wait3A_215 : memref<112xi32, #tpu.memory_space<vmem>>)
    }
    %scan3A_59 = arith.constant 28 : i32
    %scan3A_60 = arith.constant 0 : i32
    %scan3A_61 = arith.constant 28 : i32
    %scan3A_62 = arith.addi %scan3A_60, %scan3A_61 : i32
    %scan3A_63 = arith.constant 1 : i32
    scf.for %scan3A_206 = %scan3A_60 to %scan3A_62 step %scan3A_63  : i32 {
      %mul3A_207 = arith.constant 1 : i32
      %mul3A_208 = arith.muli %scan3A_206, %mul3A_207 : i32
      %add3A_209 = arith.constant 0 : i32
      %add3A_210 = arith.addi %add3A_209, %mul3A_208 : i32
      %mul3A_211 = arith.constant 112 : i32
      %mul3A_212 = arith.muli %add3A_210, %mul3A_211 : i32
      %add3A_213 = arith.constant 6272 : i32
      %add3A_214 = arith.addi %add3A_213, %mul3A_212 : i32
      %dma_start3A = tpu.memref_slice %arg7[%add3A_214] : memref<15680xi32, #tpu.memory_space<vmem>> -> memref<112xi32, #tpu.memory_space<vmem>>
      %dma_start3A_215 = tpu.memref_slice %arg6[%add3A_214] : memref<15680xi32, #tpu.memory_space<vmem>> -> memref<112xi32, #tpu.memory_space<vmem>>
      %dma_start3A_216 = arith.constant 0 : i32
      %dma_start3A_217 = tpu.memref_slice %arg3[%dma_start3A_216] : memref<100352xi32, #tpu.memory_space<hbm>> -> memref<100352xi32, #tpu.memory_space<hbm>>
      tpu.enqueue_indirect_dma source(%dma_start3A_217 : memref<100352xi32, #tpu.memory_space<hbm>>) target(%dma_start3A : memref<112xi32, #tpu.memory_space<vmem>>) offsets(%dma_start3A_215 : memref<112xi32, #tpu.memory_space<vmem>>) semaphore(%arg12 : memref<!tpu.dma_semaphore, #tpu.memory_space<semaphore_mem>>)
    }
    %scan3A_64 = arith.constant 28 : i32
    %scan3A_65 = arith.constant 0 : i32
    %scan3A_66 = arith.constant 7 : i32
    %scan3A_67 = arith.addi %scan3A_65, %scan3A_66 : i32
    %scan3A_68 = arith.constant 1 : i32
    scf.for %scan3A_206 = %scan3A_65 to %scan3A_67 step %scan3A_68  : i32 {
      %mul3A_207 = arith.constant 1 : i32
      %mul3A_208 = arith.muli %scan3A_206, %mul3A_207 : i32
      %add3A_209 = arith.constant 0 : i32
      %add3A_210 = arith.addi %add3A_209, %mul3A_208 : i32
      %mul3A_211 = arith.constant 4 : i32
      %mul3A_212 = arith.muli %add3A_210, %mul3A_211 : i32
      %add3A_213 = arith.constant 0 : i32
      %add3A_214 = arith.addi %mul3A_212, %add3A_213 : i32
      %gt3A = arith.constant 0 : i32
      %gt3A_215 = arith.cmpi sgt, %add3A_210, %gt3A : i32
      %convert_element_type3A = arith.extui %gt3A_215 : i1 to i32
      %cond3A = arith.constant 0 : i32
      %cond3A_216 = arith.cmpi ne, %convert_element_type3A, %cond3A : i32
      scf.if %cond3A_216 {
        %sub3A = arith.constant 4 : i32
        %sub3A_351 = arith.subi %add3A_214, %sub3A : i32
        %mul3A_352 = arith.constant 112 : i32
        %mul3A_353 = arith.muli %sub3A_351, %mul3A_352 : i32
        %add3A_354 = arith.addi %mul3A_2, %mul3A_353 : i32
        %dma_wait3A_355 = arith.constant 128 : i32
        %dma_wait3A_356 = tpu.memref_slice %arg5[%add3A_354, %dma_wait3A_355] : memref<100352x640xf32, #tpu.memory_space<hbm>> -> memref<112x128xf32, #tpu.memory_space<hbm>>
        %dma_wait3A_357 = arith.constant 128 : i32
        %dma_wait3A_358 = tpu.memref_slice %arg5[%add3A_354, %dma_wait3A_357] : memref<100352x640xf32, #tpu.memory_space<hbm>> -> memref<112x128xf32, #tpu.memory_space<hbm>>
        tpu.wait_dma2 semaphore(%arg17 : memref<!tpu.dma_semaphore, #tpu.memory_space<semaphore_mem>>) src(%arg8 : memref<112x128xf32, #tpu.memory_space<vmem>>) dst(%dma_wait3A_358 : memref<112x128xf32, #tpu.memory_space<hbm>>)
      } else {
      }
      %mul3A_217 = arith.constant 112 : i32
      %mul3A_218 = arith.muli %add3A_214, %mul3A_217 : i32
      %add3A_219 = arith.constant 3136 : i32
      %add3A_220 = arith.addi %add3A_219, %mul3A_218 : i32
      %dma_start3A = tpu.memref_slice %arg7[%add3A_220] : memref<15680xi32, #tpu.memory_space<vmem>> -> memref<112xi32, #tpu.memory_space<vmem>>
      %dma_start3A_221 = arith.constant 0 : i32
      %dma_start3A_222 = arith.constant 0 : i32
      %dma_start3A_223 = tpu.memref_slice %arg2[%dma_start3A_221, %dma_start3A_222] : memref<52048x128xf32, #tpu.memory_space<hbm>> -> memref<52048x128xf32, #tpu.memory_space<hbm>>
      tpu.enqueue_indirect_dma source(%dma_start3A_223 : memref<52048x128xf32, #tpu.memory_space<hbm>>) target(%arg8 : memref<112x128xf32, #tpu.memory_space<vmem>>) offsets(%dma_start3A : memref<112xi32, #tpu.memory_space<vmem>>) semaphore(%arg13 : memref<!tpu.dma_semaphore, #tpu.memory_space<semaphore_mem>>)
      %mul3A_224 = arith.constant 4 : i32
      %mul3A_225 = arith.muli %add3A_210, %mul3A_224 : i32
      %add3A_226 = arith.constant 1 : i32
      %add3A_227 = arith.addi %mul3A_225, %add3A_226 : i32
      %gt3A_228 = arith.constant 0 : i32
      %gt3A_229 = arith.cmpi sgt, %add3A_210, %gt3A_228 : i32
      %convert_element_type3A_230 = arith.extui %gt3A_229 : i1 to i32
      %cond3A_231 = arith.constant 0 : i32
      %cond3A_232 = arith.cmpi ne, %convert_element_type3A_230, %cond3A_231 : i32
      scf.if %cond3A_232 {
        %sub3A = arith.constant 4 : i32
        %sub3A_351 = arith.subi %add3A_227, %sub3A : i32
        %mul3A_352 = arith.constant 112 : i32
        %mul3A_353 = arith.muli %sub3A_351, %mul3A_352 : i32
        %add3A_354 = arith.addi %mul3A_2, %mul3A_353 : i32
        %dma_wait3A_355 = arith.constant 128 : i32
        %dma_wait3A_356 = tpu.memref_slice %arg5[%add3A_354, %dma_wait3A_355] : memref<100352x640xf32, #tpu.memory_space<hbm>> -> memref<112x128xf32, #tpu.memory_space<hbm>>
        %dma_wait3A_357 = arith.constant 128 : i32
        %dma_wait3A_358 = tpu.memref_slice %arg5[%add3A_354, %dma_wait3A_357] : memref<100352x640xf32, #tpu.memory_space<hbm>> -> memref<112x128xf32, #tpu.memory_space<hbm>>
        tpu.wait_dma2 semaphore(%arg18 : memref<!tpu.dma_semaphore, #tpu.memory_space<semaphore_mem>>) src(%arg9 : memref<112x128xf32, #tpu.memory_space<vmem>>) dst(%dma_wait3A_358 : memref<112x128xf32, #tpu.memory_space<hbm>>)
      } else {
      }
      %mul3A_233 = arith.constant 112 : i32
      %mul3A_234 = arith.muli %add3A_227, %mul3A_233 : i32
      %add3A_235 = arith.constant 3136 : i32
      %add3A_236 = arith.addi %add3A_235, %mul3A_234 : i32
      %dma_start3A_237 = tpu.memref_slice %arg7[%add3A_236] : memref<15680xi32, #tpu.memory_space<vmem>> -> memref<112xi32, #tpu.memory_space<vmem>>
      %dma_start3A_238 = arith.constant 0 : i32
      %dma_start3A_239 = arith.constant 0 : i32
      %dma_start3A_240 = tpu.memref_slice %arg2[%dma_start3A_238, %dma_start3A_239] : memref<52048x128xf32, #tpu.memory_space<hbm>> -> memref<52048x128xf32, #tpu.memory_space<hbm>>
      tpu.enqueue_indirect_dma source(%dma_start3A_240 : memref<52048x128xf32, #tpu.memory_space<hbm>>) target(%arg9 : memref<112x128xf32, #tpu.memory_space<vmem>>) offsets(%dma_start3A_237 : memref<112xi32, #tpu.memory_space<vmem>>) semaphore(%arg14 : memref<!tpu.dma_semaphore, #tpu.memory_space<semaphore_mem>>)
      %mul3A_241 = arith.constant 4 : i32
      %mul3A_242 = arith.muli %add3A_210, %mul3A_241 : i32
      %add3A_243 = arith.constant 2 : i32
      %add3A_244 = arith.addi %mul3A_242, %add3A_243 : i32
      %gt3A_245 = arith.constant 0 : i32
      %gt3A_246 = arith.cmpi sgt, %add3A_210, %gt3A_245 : i32
      %convert_element_type3A_247 = arith.extui %gt3A_246 : i1 to i32
      %cond3A_248 = arith.constant 0 : i32
      %cond3A_249 = arith.cmpi ne, %convert_element_type3A_247, %cond3A_248 : i32
      scf.if %cond3A_249 {
        %sub3A = arith.constant 4 : i32
        %sub3A_351 = arith.subi %add3A_244, %sub3A : i32
        %mul3A_352 = arith.constant 112 : i32
        %mul3A_353 = arith.muli %sub3A_351, %mul3A_352 : i32
        %add3A_354 = arith.addi %mul3A_2, %mul3A_353 : i32
        %dma_wait3A_355 = arith.constant 128 : i32
        %dma_wait3A_356 = tpu.memref_slice %arg5[%add3A_354, %dma_wait3A_355] : memref<100352x640xf32, #tpu.memory_space<hbm>> -> memref<112x128xf32, #tpu.memory_space<hbm>>
        %dma_wait3A_357 = arith.constant 128 : i32
        %dma_wait3A_358 = tpu.memref_slice %arg5[%add3A_354, %dma_wait3A_357] : memref<100352x640xf32, #tpu.memory_space<hbm>> -> memref<112x128xf32, #tpu.memory_space<hbm>>
        tpu.wait_dma2 semaphore(%arg19 : memref<!tpu.dma_semaphore, #tpu.memory_space<semaphore_mem>>) src(%arg10 : memref<112x128xf32, #tpu.memory_space<vmem>>) dst(%dma_wait3A_358 : memref<112x128xf32, #tpu.memory_space<hbm>>)
      } else {
      }
      %mul3A_250 = arith.constant 112 : i32
      %mul3A_251 = arith.muli %add3A_244, %mul3A_250 : i32
      %add3A_252 = arith.constant 3136 : i32
      %add3A_253 = arith.addi %add3A_252, %mul3A_251 : i32
      %dma_start3A_254 = tpu.memref_slice %arg7[%add3A_253] : memref<15680xi32, #tpu.memory_space<vmem>> -> memref<112xi32, #tpu.memory_space<vmem>>
      %dma_start3A_255 = arith.constant 0 : i32
      %dma_start3A_256 = arith.constant 0 : i32
      %dma_start3A_257 = tpu.memref_slice %arg2[%dma_start3A_255, %dma_start3A_256] : memref<52048x128xf32, #tpu.memory_space<hbm>> -> memref<52048x128xf32, #tpu.memory_space<hbm>>
      tpu.enqueue_indirect_dma source(%dma_start3A_257 : memref<52048x128xf32, #tpu.memory_space<hbm>>) target(%arg10 : memref<112x128xf32, #tpu.memory_space<vmem>>) offsets(%dma_start3A_254 : memref<112xi32, #tpu.memory_space<vmem>>) semaphore(%arg15 : memref<!tpu.dma_semaphore, #tpu.memory_space<semaphore_mem>>)
      %mul3A_258 = arith.constant 4 : i32
      %mul3A_259 = arith.muli %add3A_210, %mul3A_258 : i32
      %add3A_260 = arith.constant 3 : i32
      %add3A_261 = arith.addi %mul3A_259, %add3A_260 : i32
      %gt3A_262 = arith.constant 0 : i32
      %gt3A_263 = arith.cmpi sgt, %add3A_210, %gt3A_262 : i32
      %convert_element_type3A_264 = arith.extui %gt3A_263 : i1 to i32
      %cond3A_265 = arith.constant 0 : i32
      %cond3A_266 = arith.cmpi ne, %convert_element_type3A_264, %cond3A_265 : i32
      scf.if %cond3A_266 {
        %sub3A = arith.constant 4 : i32
        %sub3A_351 = arith.subi %add3A_261, %sub3A : i32
        %mul3A_352 = arith.constant 112 : i32
        %mul3A_353 = arith.muli %sub3A_351, %mul3A_352 : i32
        %add3A_354 = arith.addi %mul3A_2, %mul3A_353 : i32
        %dma_wait3A_355 = arith.constant 128 : i32
        %dma_wait3A_356 = tpu.memref_slice %arg5[%add3A_354, %dma_wait3A_355] : memref<100352x640xf32, #tpu.memory_space<hbm>> -> memref<112x128xf32, #tpu.memory_space<hbm>>
        %dma_wait3A_357 = arith.constant 128 : i32
        %dma_wait3A_358 = tpu.memref_slice %arg5[%add3A_354, %dma_wait3A_357] : memref<100352x640xf32, #tpu.memory_space<hbm>> -> memref<112x128xf32, #tpu.memory_space<hbm>>
        tpu.wait_dma2 semaphore(%arg20 : memref<!tpu.dma_semaphore, #tpu.memory_space<semaphore_mem>>) src(%arg11 : memref<112x128xf32, #tpu.memory_space<vmem>>) dst(%dma_wait3A_358 : memref<112x128xf32, #tpu.memory_space<hbm>>)
      } else {
      }
      %mul3A_267 = arith.constant 112 : i32
      %mul3A_268 = arith.muli %add3A_261, %mul3A_267 : i32
      %add3A_269 = arith.constant 3136 : i32
      %add3A_270 = arith.addi %add3A_269, %mul3A_268 : i32
      %dma_start3A_271 = tpu.memref_slice %arg7[%add3A_270] : memref<15680xi32, #tpu.memory_space<vmem>> -> memref<112xi32, #tpu.memory_space<vmem>>
      %dma_start3A_272 = arith.constant 0 : i32
      %dma_start3A_273 = arith.constant 0 : i32
      %dma_start3A_274 = tpu.memref_slice %arg2[%dma_start3A_272, %dma_start3A_273] : memref<52048x128xf32, #tpu.memory_space<hbm>> -> memref<52048x128xf32, #tpu.memory_space<hbm>>
      tpu.enqueue_indirect_dma source(%dma_start3A_274 : memref<52048x128xf32, #tpu.memory_space<hbm>>) target(%arg11 : memref<112x128xf32, #tpu.memory_space<vmem>>) offsets(%dma_start3A_271 : memref<112xi32, #tpu.memory_space<vmem>>) semaphore(%arg16 : memref<!tpu.dma_semaphore, #tpu.memory_space<semaphore_mem>>)
      %mul3A_275 = arith.constant 4 : i32
      %mul3A_276 = arith.muli %add3A_210, %mul3A_275 : i32
      %add3A_277 = arith.constant 0 : i32
      %add3A_278 = arith.addi %mul3A_276, %add3A_277 : i32
      %mul3A_279 = arith.constant 112 : i32
      %mul3A_280 = arith.muli %add3A_278, %mul3A_279 : i32
      %add3A_281 = arith.constant 3136 : i32
      %add3A_282 = arith.addi %add3A_281, %mul3A_280 : i32
      %dma_wait3A_283 = tpu.memref_slice %arg7[%add3A_282] : memref<15680xi32, #tpu.memory_space<vmem>> -> memref<112xi32, #tpu.memory_space<vmem>>
      %dma_wait3A_284 = arith.constant 0 : i32
      %dma_wait3A_285 = arith.constant 0 : i32
      %dma_wait3A_286 = tpu.memref_slice %arg2[%dma_wait3A_284, %dma_wait3A_285] : memref<52048x128xf32, #tpu.memory_space<hbm>> -> memref<52048x128xf32, #tpu.memory_space<hbm>>
      tpu.wait_indirect_dma semaphore(%arg13 : memref<!tpu.dma_semaphore, #tpu.memory_space<semaphore_mem>>) src(%dma_wait3A_286 : memref<52048x128xf32, #tpu.memory_space<hbm>>) dst(%arg8 : memref<112x128xf32, #tpu.memory_space<vmem>>)
      %mul3A_287 = arith.constant 112 : i32
      %mul3A_288 = arith.muli %add3A_278, %mul3A_287 : i32
      %add3A_289 = arith.addi %mul3A_2, %mul3A_288 : i32
      %dma_start3A_290 = arith.constant 128 : i32
      %dma_start3A_291 = tpu.memref_slice %arg5[%add3A_289, %dma_start3A_290] : memref<100352x640xf32, #tpu.memory_space<hbm>> -> memref<112x128xf32, #tpu.memory_space<hbm>>
      %dma_start3A_292 = arith.constant 128 : i32
      %dma_start3A_293 = tpu.memref_slice %arg5[%add3A_289, %dma_start3A_292] : memref<100352x640xf32, #tpu.memory_space<hbm>> -> memref<112x128xf32, #tpu.memory_space<hbm>>
      tpu.enqueue_dma source(%arg8 : memref<112x128xf32, #tpu.memory_space<vmem>>) target(%dma_start3A_293 : memref<112x128xf32, #tpu.memory_space<hbm>>) target_semaphore(%arg17 : memref<!tpu.dma_semaphore, #tpu.memory_space<semaphore_mem>>)
      %mul3A_294 = arith.constant 4 : i32
      %mul3A_295 = arith.muli %add3A_210, %mul3A_294 : i32
      %add3A_296 = arith.constant 1 : i32
      %add3A_297 = arith.addi %mul3A_295, %add3A_296 : i32
      %mul3A_298 = arith.constant 112 : i32
      %mul3A_299 = arith.muli %add3A_297, %mul3A_298 : i32
      %add3A_300 = arith.constant 3136 : i32
      %add3A_301 = arith.addi %add3A_300, %mul3A_299 : i32
      %dma_wait3A_302 = tpu.memref_slice %arg7[%add3A_301] : memref<15680xi32, #tpu.memory_space<vmem>> -> memref<112xi32, #tpu.memory_space<vmem>>
      %dma_wait3A_303 = arith.constant 0 : i32
      %dma_wait3A_304 = arith.constant 0 : i32
      %dma_wait3A_305 = tpu.memref_slice %arg2[%dma_wait3A_303, %dma_wait3A_304] : memref<52048x128xf32, #tpu.memory_space<hbm>> -> memref<52048x128xf32, #tpu.memory_space<hbm>>
      tpu.wait_indirect_dma semaphore(%arg14 : memref<!tpu.dma_semaphore, #tpu.memory_space<semaphore_mem>>) src(%dma_wait3A_305 : memref<52048x128xf32, #tpu.memory_space<hbm>>) dst(%arg9 : memref<112x128xf32, #tpu.memory_space<vmem>>)
      %mul3A_306 = arith.constant 112 : i32
      %mul3A_307 = arith.muli %add3A_297, %mul3A_306 : i32
      %add3A_308 = arith.addi %mul3A_2, %mul3A_307 : i32
      %dma_start3A_309 = arith.constant 128 : i32
      %dma_start3A_310 = tpu.memref_slice %arg5[%add3A_308, %dma_start3A_309] : memref<100352x640xf32, #tpu.memory_space<hbm>> -> memref<112x128xf32, #tpu.memory_space<hbm>>
      %dma_start3A_311 = arith.constant 128 : i32
      %dma_start3A_312 = tpu.memref_slice %arg5[%add3A_308, %dma_start3A_311] : memref<100352x640xf32, #tpu.memory_space<hbm>> -> memref<112x128xf32, #tpu.memory_space<hbm>>
      tpu.enqueue_dma source(%arg9 : memref<112x128xf32, #tpu.memory_space<vmem>>) target(%dma_start3A_312 : memref<112x128xf32, #tpu.memory_space<hbm>>) target_semaphore(%arg18 : memref<!tpu.dma_semaphore, #tpu.memory_space<semaphore_mem>>)
      %mul3A_313 = arith.constant 4 : i32
      %mul3A_314 = arith.muli %add3A_210, %mul3A_313 : i32
      %add3A_315 = arith.constant 2 : i32
      %add3A_316 = arith.addi %mul3A_314, %add3A_315 : i32
      %mul3A_317 = arith.constant 112 : i32
      %mul3A_318 = arith.muli %add3A_316, %mul3A_317 : i32
      %add3A_319 = arith.constant 3136 : i32
      %add3A_320 = arith.addi %add3A_319, %mul3A_318 : i32
      %dma_wait3A_321 = tpu.memref_slice %arg7[%add3A_320] : memref<15680xi32, #tpu.memory_space<vmem>> -> memref<112xi32, #tpu.memory_space<vmem>>
      %dma_wait3A_322 = arith.constant 0 : i32
      %dma_wait3A_323 = arith.constant 0 : i32
      %dma_wait3A_324 = tpu.memref_slice %arg2[%dma_wait3A_322, %dma_wait3A_323] : memref<52048x128xf32, #tpu.memory_space<hbm>> -> memref<52048x128xf32, #tpu.memory_space<hbm>>
      tpu.wait_indirect_dma semaphore(%arg15 : memref<!tpu.dma_semaphore, #tpu.memory_space<semaphore_mem>>) src(%dma_wait3A_324 : memref<52048x128xf32, #tpu.memory_space<hbm>>) dst(%arg10 : memref<112x128xf32, #tpu.memory_space<vmem>>)
      %mul3A_325 = arith.constant 112 : i32
      %mul3A_326 = arith.muli %add3A_316, %mul3A_325 : i32
      %add3A_327 = arith.addi %mul3A_2, %mul3A_326 : i32
      %dma_start3A_328 = arith.constant 128 : i32
      %dma_start3A_329 = tpu.memref_slice %arg5[%add3A_327, %dma_start3A_328] : memref<100352x640xf32, #tpu.memory_space<hbm>> -> memref<112x128xf32, #tpu.memory_space<hbm>>
      %dma_start3A_330 = arith.constant 128 : i32
      %dma_start3A_331 = tpu.memref_slice %arg5[%add3A_327, %dma_start3A_330] : memref<100352x640xf32, #tpu.memory_space<hbm>> -> memref<112x128xf32, #tpu.memory_space<hbm>>
      tpu.enqueue_dma source(%arg10 : memref<112x128xf32, #tpu.memory_space<vmem>>) target(%dma_start3A_331 : memref<112x128xf32, #tpu.memory_space<hbm>>) target_semaphore(%arg19 : memref<!tpu.dma_semaphore, #tpu.memory_space<semaphore_mem>>)
      %mul3A_332 = arith.constant 4 : i32
      %mul3A_333 = arith.muli %add3A_210, %mul3A_332 : i32
      %add3A_334 = arith.constant 3 : i32
      %add3A_335 = arith.addi %mul3A_333, %add3A_334 : i32
      %mul3A_336 = arith.constant 112 : i32
      %mul3A_337 = arith.muli %add3A_335, %mul3A_336 : i32
      %add3A_338 = arith.constant 3136 : i32
      %add3A_339 = arith.addi %add3A_338, %mul3A_337 : i32
      %dma_wait3A_340 = tpu.memref_slice %arg7[%add3A_339] : memref<15680xi32, #tpu.memory_space<vmem>> -> memref<112xi32, #tpu.memory_space<vmem>>
      %dma_wait3A_341 = arith.constant 0 : i32
      %dma_wait3A_342 = arith.constant 0 : i32
      %dma_wait3A_343 = tpu.memref_slice %arg2[%dma_wait3A_341, %dma_wait3A_342] : memref<52048x128xf32, #tpu.memory_space<hbm>> -> memref<52048x128xf32, #tpu.memory_space<hbm>>
      tpu.wait_indirect_dma semaphore(%arg16 : memref<!tpu.dma_semaphore, #tpu.memory_space<semaphore_mem>>) src(%dma_wait3A_343 : memref<52048x128xf32, #tpu.memory_space<hbm>>) dst(%arg11 : memref<112x128xf32, #tpu.memory_space<vmem>>)
      %mul3A_344 = arith.constant 112 : i32
      %mul3A_345 = arith.muli %add3A_335, %mul3A_344 : i32
      %add3A_346 = arith.addi %mul3A_2, %mul3A_345 : i32
      %dma_start3A_347 = arith.constant 128 : i32
      %dma_start3A_348 = tpu.memref_slice %arg5[%add3A_346, %dma_start3A_347] : memref<100352x640xf32, #tpu.memory_space<hbm>> -> memref<112x128xf32, #tpu.memory_space<hbm>>
      %dma_start3A_349 = arith.constant 128 : i32
      %dma_start3A_350 = tpu.memref_slice %arg5[%add3A_346, %dma_start3A_349] : memref<100352x640xf32, #tpu.memory_space<hbm>> -> memref<112x128xf32, #tpu.memory_space<hbm>>
      tpu.enqueue_dma source(%arg11 : memref<112x128xf32, #tpu.memory_space<vmem>>) target(%dma_start3A_350 : memref<112x128xf32, #tpu.memory_space<hbm>>) target_semaphore(%arg20 : memref<!tpu.dma_semaphore, #tpu.memory_space<semaphore_mem>>)
    }
    %scan3A_69 = arith.constant 7 : i32
    %add3A_70 = arith.constant 2688 : i32
    %add3A_71 = arith.addi %mul3A_2, %add3A_70 : i32
    %dma_wait3A_72 = arith.constant 128 : i32
    %dma_wait3A_73 = tpu.memref_slice %arg5[%add3A_71, %dma_wait3A_72] : memref<100352x640xf32, #tpu.memory_space<hbm>> -> memref<112x128xf32, #tpu.memory_space<hbm>>
    %dma_wait3A_74 = arith.constant 128 : i32
    %dma_wait3A_75 = tpu.memref_slice %arg5[%add3A_71, %dma_wait3A_74] : memref<100352x640xf32, #tpu.memory_space<hbm>> -> memref<112x128xf32, #tpu.memory_space<hbm>>
    tpu.wait_dma2 semaphore(%arg17 : memref<!tpu.dma_semaphore, #tpu.memory_space<semaphore_mem>>) src(%arg8 : memref<112x128xf32, #tpu.memory_space<vmem>>) dst(%dma_wait3A_75 : memref<112x128xf32, #tpu.memory_space<hbm>>)
    %add3A_76 = arith.constant 2800 : i32
    %add3A_77 = arith.addi %mul3A_2, %add3A_76 : i32
    %dma_wait3A_78 = arith.constant 128 : i32
    %dma_wait3A_79 = tpu.memref_slice %arg5[%add3A_77, %dma_wait3A_78] : memref<100352x640xf32, #tpu.memory_space<hbm>> -> memref<112x128xf32, #tpu.memory_space<hbm>>
    %dma_wait3A_80 = arith.constant 128 : i32
    %dma_wait3A_81 = tpu.memref_slice %arg5[%add3A_77, %dma_wait3A_80] : memref<100352x640xf32, #tpu.memory_space<hbm>> -> memref<112x128xf32, #tpu.memory_space<hbm>>
    tpu.wait_dma2 semaphore(%arg18 : memref<!tpu.dma_semaphore, #tpu.memory_space<semaphore_mem>>) src(%arg9 : memref<112x128xf32, #tpu.memory_space<vmem>>) dst(%dma_wait3A_81 : memref<112x128xf32, #tpu.memory_space<hbm>>)
    %add3A_82 = arith.constant 2912 : i32
    %add3A_83 = arith.addi %mul3A_2, %add3A_82 : i32
    %dma_wait3A_84 = arith.constant 128 : i32
    %dma_wait3A_85 = tpu.memref_slice %arg5[%add3A_83, %dma_wait3A_84] : memref<100352x640xf32, #tpu.memory_space<hbm>> -> memref<112x128xf32, #tpu.memory_space<hbm>>
    %dma_wait3A_86 = arith.constant 128 : i32
    %dma_wait3A_87 = tpu.memref_slice %arg5[%add3A_83, %dma_wait3A_86] : memref<100352x640xf32, #tpu.memory_space<hbm>> -> memref<112x128xf32, #tpu.memory_space<hbm>>
    tpu.wait_dma2 semaphore(%arg19 : memref<!tpu.dma_semaphore, #tpu.memory_space<semaphore_mem>>) src(%arg10 : memref<112x128xf32, #tpu.memory_space<vmem>>) dst(%dma_wait3A_87 : memref<112x128xf32, #tpu.memory_space<hbm>>)
    %add3A_88 = arith.constant 3024 : i32
    %add3A_89 = arith.addi %mul3A_2, %add3A_88 : i32
    %dma_wait3A_90 = arith.constant 128 : i32
    %dma_wait3A_91 = tpu.memref_slice %arg5[%add3A_89, %dma_wait3A_90] : memref<100352x640xf32, #tpu.memory_space<hbm>> -> memref<112x128xf32, #tpu.memory_space<hbm>>
    %dma_wait3A_92 = arith.constant 128 : i32
    %dma_wait3A_93 = tpu.memref_slice %arg5[%add3A_89, %dma_wait3A_92] : memref<100352x640xf32, #tpu.memory_space<hbm>> -> memref<112x128xf32, #tpu.memory_space<hbm>>
    tpu.wait_dma2 semaphore(%arg20 : memref<!tpu.dma_semaphore, #tpu.memory_space<semaphore_mem>>) src(%arg11 : memref<112x128xf32, #tpu.memory_space<vmem>>) dst(%dma_wait3A_93 : memref<112x128xf32, #tpu.memory_space<hbm>>)
    %scan3A_94 = arith.constant 0 : i32
    %scan3A_95 = arith.constant 28 : i32
    %scan3A_96 = arith.addi %scan3A_94, %scan3A_95 : i32
    %scan3A_97 = arith.constant 1 : i32
    scf.for %scan3A_206 = %scan3A_94 to %scan3A_96 step %scan3A_97  : i32 {
      %mul3A_207 = arith.constant 1 : i32
      %mul3A_208 = arith.muli %scan3A_206, %mul3A_207 : i32
      %add3A_209 = arith.constant 0 : i32
      %add3A_210 = arith.addi %add3A_209, %mul3A_208 : i32
      %mul3A_211 = arith.constant 112 : i32
      %mul3A_212 = arith.muli %add3A_210, %mul3A_211 : i32
      %add3A_213 = arith.constant 6272 : i32
      %add3A_214 = arith.addi %add3A_213, %mul3A_212 : i32
      %dma_wait3A_215 = tpu.memref_slice %arg7[%add3A_214] : memref<15680xi32, #tpu.memory_space<vmem>> -> memref<112xi32, #tpu.memory_space<vmem>>
      %dma_wait3A_216 = tpu.memref_slice %arg6[%add3A_214] : memref<15680xi32, #tpu.memory_space<vmem>> -> memref<112xi32, #tpu.memory_space<vmem>>
      %dma_wait3A_217 = arith.constant 0 : i32
      %dma_wait3A_218 = tpu.memref_slice %arg3[%dma_wait3A_217] : memref<100352xi32, #tpu.memory_space<hbm>> -> memref<100352xi32, #tpu.memory_space<hbm>>
      tpu.wait_indirect_dma semaphore(%arg12 : memref<!tpu.dma_semaphore, #tpu.memory_space<semaphore_mem>>) src(%dma_wait3A_218 : memref<100352xi32, #tpu.memory_space<hbm>>) dst(%dma_wait3A_215 : memref<112xi32, #tpu.memory_space<vmem>>)
    }
    %scan3A_98 = arith.constant 28 : i32
    %scan3A_99 = arith.constant 0 : i32
    %scan3A_100 = arith.constant 28 : i32
    %scan3A_101 = arith.addi %scan3A_99, %scan3A_100 : i32
    %scan3A_102 = arith.constant 1 : i32
    scf.for %scan3A_206 = %scan3A_99 to %scan3A_101 step %scan3A_102  : i32 {
      %mul3A_207 = arith.constant 1 : i32
      %mul3A_208 = arith.muli %scan3A_206, %mul3A_207 : i32
      %add3A_209 = arith.constant 0 : i32
      %add3A_210 = arith.addi %add3A_209, %mul3A_208 : i32
      %mul3A_211 = arith.constant 112 : i32
      %mul3A_212 = arith.muli %add3A_210, %mul3A_211 : i32
      %add3A_213 = arith.constant 9408 : i32
      %add3A_214 = arith.addi %add3A_213, %mul3A_212 : i32
      %dma_start3A = tpu.memref_slice %arg7[%add3A_214] : memref<15680xi32, #tpu.memory_space<vmem>> -> memref<112xi32, #tpu.memory_space<vmem>>
      %dma_start3A_215 = tpu.memref_slice %arg6[%add3A_214] : memref<15680xi32, #tpu.memory_space<vmem>> -> memref<112xi32, #tpu.memory_space<vmem>>
      %dma_start3A_216 = arith.constant 0 : i32
      %dma_start3A_217 = tpu.memref_slice %arg3[%dma_start3A_216] : memref<100352xi32, #tpu.memory_space<hbm>> -> memref<100352xi32, #tpu.memory_space<hbm>>
      tpu.enqueue_indirect_dma source(%dma_start3A_217 : memref<100352xi32, #tpu.memory_space<hbm>>) target(%dma_start3A : memref<112xi32, #tpu.memory_space<vmem>>) offsets(%dma_start3A_215 : memref<112xi32, #tpu.memory_space<vmem>>) semaphore(%arg12 : memref<!tpu.dma_semaphore, #tpu.memory_space<semaphore_mem>>)
    }
    %scan3A_103 = arith.constant 28 : i32
    %scan3A_104 = arith.constant 0 : i32
    %scan3A_105 = arith.constant 7 : i32
    %scan3A_106 = arith.addi %scan3A_104, %scan3A_105 : i32
    %scan3A_107 = arith.constant 1 : i32
    scf.for %scan3A_206 = %scan3A_104 to %scan3A_106 step %scan3A_107  : i32 {
      %mul3A_207 = arith.constant 1 : i32
      %mul3A_208 = arith.muli %scan3A_206, %mul3A_207 : i32
      %add3A_209 = arith.constant 0 : i32
      %add3A_210 = arith.addi %add3A_209, %mul3A_208 : i32
      %mul3A_211 = arith.constant 4 : i32
      %mul3A_212 = arith.muli %add3A_210, %mul3A_211 : i32
      %add3A_213 = arith.constant 0 : i32
      %add3A_214 = arith.addi %mul3A_212, %add3A_213 : i32
      %gt3A = arith.constant 0 : i32
      %gt3A_215 = arith.cmpi sgt, %add3A_210, %gt3A : i32
      %convert_element_type3A = arith.extui %gt3A_215 : i1 to i32
      %cond3A = arith.constant 0 : i32
      %cond3A_216 = arith.cmpi ne, %convert_element_type3A, %cond3A : i32
      scf.if %cond3A_216 {
        %sub3A = arith.constant 4 : i32
        %sub3A_351 = arith.subi %add3A_214, %sub3A : i32
        %mul3A_352 = arith.constant 112 : i32
        %mul3A_353 = arith.muli %sub3A_351, %mul3A_352 : i32
        %add3A_354 = arith.addi %mul3A_2, %mul3A_353 : i32
        %dma_wait3A_355 = arith.constant 256 : i32
        %dma_wait3A_356 = tpu.memref_slice %arg5[%add3A_354, %dma_wait3A_355] : memref<100352x640xf32, #tpu.memory_space<hbm>> -> memref<112x128xf32, #tpu.memory_space<hbm>>
        %dma_wait3A_357 = arith.constant 256 : i32
        %dma_wait3A_358 = tpu.memref_slice %arg5[%add3A_354, %dma_wait3A_357] : memref<100352x640xf32, #tpu.memory_space<hbm>> -> memref<112x128xf32, #tpu.memory_space<hbm>>
        tpu.wait_dma2 semaphore(%arg17 : memref<!tpu.dma_semaphore, #tpu.memory_space<semaphore_mem>>) src(%arg8 : memref<112x128xf32, #tpu.memory_space<vmem>>) dst(%dma_wait3A_358 : memref<112x128xf32, #tpu.memory_space<hbm>>)
      } else {
      }
      %mul3A_217 = arith.constant 112 : i32
      %mul3A_218 = arith.muli %add3A_214, %mul3A_217 : i32
      %add3A_219 = arith.constant 6272 : i32
      %add3A_220 = arith.addi %add3A_219, %mul3A_218 : i32
      %dma_start3A = tpu.memref_slice %arg7[%add3A_220] : memref<15680xi32, #tpu.memory_space<vmem>> -> memref<112xi32, #tpu.memory_space<vmem>>
      %dma_start3A_221 = arith.constant 0 : i32
      %dma_start3A_222 = arith.constant 0 : i32
      %dma_start3A_223 = tpu.memref_slice %arg2[%dma_start3A_221, %dma_start3A_222] : memref<52048x128xf32, #tpu.memory_space<hbm>> -> memref<52048x128xf32, #tpu.memory_space<hbm>>
      tpu.enqueue_indirect_dma source(%dma_start3A_223 : memref<52048x128xf32, #tpu.memory_space<hbm>>) target(%arg8 : memref<112x128xf32, #tpu.memory_space<vmem>>) offsets(%dma_start3A : memref<112xi32, #tpu.memory_space<vmem>>) semaphore(%arg13 : memref<!tpu.dma_semaphore, #tpu.memory_space<semaphore_mem>>)
      %mul3A_224 = arith.constant 4 : i32
      %mul3A_225 = arith.muli %add3A_210, %mul3A_224 : i32
      %add3A_226 = arith.constant 1 : i32
      %add3A_227 = arith.addi %mul3A_225, %add3A_226 : i32
      %gt3A_228 = arith.constant 0 : i32
      %gt3A_229 = arith.cmpi sgt, %add3A_210, %gt3A_228 : i32
      %convert_element_type3A_230 = arith.extui %gt3A_229 : i1 to i32
      %cond3A_231 = arith.constant 0 : i32
      %cond3A_232 = arith.cmpi ne, %convert_element_type3A_230, %cond3A_231 : i32
      scf.if %cond3A_232 {
        %sub3A = arith.constant 4 : i32
        %sub3A_351 = arith.subi %add3A_227, %sub3A : i32
        %mul3A_352 = arith.constant 112 : i32
        %mul3A_353 = arith.muli %sub3A_351, %mul3A_352 : i32
        %add3A_354 = arith.addi %mul3A_2, %mul3A_353 : i32
        %dma_wait3A_355 = arith.constant 256 : i32
        %dma_wait3A_356 = tpu.memref_slice %arg5[%add3A_354, %dma_wait3A_355] : memref<100352x640xf32, #tpu.memory_space<hbm>> -> memref<112x128xf32, #tpu.memory_space<hbm>>
        %dma_wait3A_357 = arith.constant 256 : i32
        %dma_wait3A_358 = tpu.memref_slice %arg5[%add3A_354, %dma_wait3A_357] : memref<100352x640xf32, #tpu.memory_space<hbm>> -> memref<112x128xf32, #tpu.memory_space<hbm>>
        tpu.wait_dma2 semaphore(%arg18 : memref<!tpu.dma_semaphore, #tpu.memory_space<semaphore_mem>>) src(%arg9 : memref<112x128xf32, #tpu.memory_space<vmem>>) dst(%dma_wait3A_358 : memref<112x128xf32, #tpu.memory_space<hbm>>)
      } else {
      }
      %mul3A_233 = arith.constant 112 : i32
      %mul3A_234 = arith.muli %add3A_227, %mul3A_233 : i32
      %add3A_235 = arith.constant 6272 : i32
      %add3A_236 = arith.addi %add3A_235, %mul3A_234 : i32
      %dma_start3A_237 = tpu.memref_slice %arg7[%add3A_236] : memref<15680xi32, #tpu.memory_space<vmem>> -> memref<112xi32, #tpu.memory_space<vmem>>
      %dma_start3A_238 = arith.constant 0 : i32
      %dma_start3A_239 = arith.constant 0 : i32
      %dma_start3A_240 = tpu.memref_slice %arg2[%dma_start3A_238, %dma_start3A_239] : memref<52048x128xf32, #tpu.memory_space<hbm>> -> memref<52048x128xf32, #tpu.memory_space<hbm>>
      tpu.enqueue_indirect_dma source(%dma_start3A_240 : memref<52048x128xf32, #tpu.memory_space<hbm>>) target(%arg9 : memref<112x128xf32, #tpu.memory_space<vmem>>) offsets(%dma_start3A_237 : memref<112xi32, #tpu.memory_space<vmem>>) semaphore(%arg14 : memref<!tpu.dma_semaphore, #tpu.memory_space<semaphore_mem>>)
      %mul3A_241 = arith.constant 4 : i32
      %mul3A_242 = arith.muli %add3A_210, %mul3A_241 : i32
      %add3A_243 = arith.constant 2 : i32
      %add3A_244 = arith.addi %mul3A_242, %add3A_243 : i32
      %gt3A_245 = arith.constant 0 : i32
      %gt3A_246 = arith.cmpi sgt, %add3A_210, %gt3A_245 : i32
      %convert_element_type3A_247 = arith.extui %gt3A_246 : i1 to i32
      %cond3A_248 = arith.constant 0 : i32
      %cond3A_249 = arith.cmpi ne, %convert_element_type3A_247, %cond3A_248 : i32
      scf.if %cond3A_249 {
        %sub3A = arith.constant 4 : i32
        %sub3A_351 = arith.subi %add3A_244, %sub3A : i32
        %mul3A_352 = arith.constant 112 : i32
        %mul3A_353 = arith.muli %sub3A_351, %mul3A_352 : i32
        %add3A_354 = arith.addi %mul3A_2, %mul3A_353 : i32
        %dma_wait3A_355 = arith.constant 256 : i32
        %dma_wait3A_356 = tpu.memref_slice %arg5[%add3A_354, %dma_wait3A_355] : memref<100352x640xf32, #tpu.memory_space<hbm>> -> memref<112x128xf32, #tpu.memory_space<hbm>>
        %dma_wait3A_357 = arith.constant 256 : i32
        %dma_wait3A_358 = tpu.memref_slice %arg5[%add3A_354, %dma_wait3A_357] : memref<100352x640xf32, #tpu.memory_space<hbm>> -> memref<112x128xf32, #tpu.memory_space<hbm>>
        tpu.wait_dma2 semaphore(%arg19 : memref<!tpu.dma_semaphore, #tpu.memory_space<semaphore_mem>>) src(%arg10 : memref<112x128xf32, #tpu.memory_space<vmem>>) dst(%dma_wait3A_358 : memref<112x128xf32, #tpu.memory_space<hbm>>)
      } else {
      }
      %mul3A_250 = arith.constant 112 : i32
      %mul3A_251 = arith.muli %add3A_244, %mul3A_250 : i32
      %add3A_252 = arith.constant 6272 : i32
      %add3A_253 = arith.addi %add3A_252, %mul3A_251 : i32
      %dma_start3A_254 = tpu.memref_slice %arg7[%add3A_253] : memref<15680xi32, #tpu.memory_space<vmem>> -> memref<112xi32, #tpu.memory_space<vmem>>
      %dma_start3A_255 = arith.constant 0 : i32
      %dma_start3A_256 = arith.constant 0 : i32
      %dma_start3A_257 = tpu.memref_slice %arg2[%dma_start3A_255, %dma_start3A_256] : memref<52048x128xf32, #tpu.memory_space<hbm>> -> memref<52048x128xf32, #tpu.memory_space<hbm>>
      tpu.enqueue_indirect_dma source(%dma_start3A_257 : memref<52048x128xf32, #tpu.memory_space<hbm>>) target(%arg10 : memref<112x128xf32, #tpu.memory_space<vmem>>) offsets(%dma_start3A_254 : memref<112xi32, #tpu.memory_space<vmem>>) semaphore(%arg15 : memref<!tpu.dma_semaphore, #tpu.memory_space<semaphore_mem>>)
      %mul3A_258 = arith.constant 4 : i32
      %mul3A_259 = arith.muli %add3A_210, %mul3A_258 : i32
      %add3A_260 = arith.constant 3 : i32
      %add3A_261 = arith.addi %mul3A_259, %add3A_260 : i32
      %gt3A_262 = arith.constant 0 : i32
      %gt3A_263 = arith.cmpi sgt, %add3A_210, %gt3A_262 : i32
      %convert_element_type3A_264 = arith.extui %gt3A_263 : i1 to i32
      %cond3A_265 = arith.constant 0 : i32
      %cond3A_266 = arith.cmpi ne, %convert_element_type3A_264, %cond3A_265 : i32
      scf.if %cond3A_266 {
        %sub3A = arith.constant 4 : i32
        %sub3A_351 = arith.subi %add3A_261, %sub3A : i32
        %mul3A_352 = arith.constant 112 : i32
        %mul3A_353 = arith.muli %sub3A_351, %mul3A_352 : i32
        %add3A_354 = arith.addi %mul3A_2, %mul3A_353 : i32
        %dma_wait3A_355 = arith.constant 256 : i32
        %dma_wait3A_356 = tpu.memref_slice %arg5[%add3A_354, %dma_wait3A_355] : memref<100352x640xf32, #tpu.memory_space<hbm>> -> memref<112x128xf32, #tpu.memory_space<hbm>>
        %dma_wait3A_357 = arith.constant 256 : i32
        %dma_wait3A_358 = tpu.memref_slice %arg5[%add3A_354, %dma_wait3A_357] : memref<100352x640xf32, #tpu.memory_space<hbm>> -> memref<112x128xf32, #tpu.memory_space<hbm>>
        tpu.wait_dma2 semaphore(%arg20 : memref<!tpu.dma_semaphore, #tpu.memory_space<semaphore_mem>>) src(%arg11 : memref<112x128xf32, #tpu.memory_space<vmem>>) dst(%dma_wait3A_358 : memref<112x128xf32, #tpu.memory_space<hbm>>)
      } else {
      }
      %mul3A_267 = arith.constant 112 : i32
      %mul3A_268 = arith.muli %add3A_261, %mul3A_267 : i32
      %add3A_269 = arith.constant 6272 : i32
      %add3A_270 = arith.addi %add3A_269, %mul3A_268 : i32
      %dma_start3A_271 = tpu.memref_slice %arg7[%add3A_270] : memref<15680xi32, #tpu.memory_space<vmem>> -> memref<112xi32, #tpu.memory_space<vmem>>
      %dma_start3A_272 = arith.constant 0 : i32
      %dma_start3A_273 = arith.constant 0 : i32
      %dma_start3A_274 = tpu.memref_slice %arg2[%dma_start3A_272, %dma_start3A_273] : memref<52048x128xf32, #tpu.memory_space<hbm>> -> memref<52048x128xf32, #tpu.memory_space<hbm>>
      tpu.enqueue_indirect_dma source(%dma_start3A_274 : memref<52048x128xf32, #tpu.memory_space<hbm>>) target(%arg11 : memref<112x128xf32, #tpu.memory_space<vmem>>) offsets(%dma_start3A_271 : memref<112xi32, #tpu.memory_space<vmem>>) semaphore(%arg16 : memref<!tpu.dma_semaphore, #tpu.memory_space<semaphore_mem>>)
      %mul3A_275 = arith.constant 4 : i32
      %mul3A_276 = arith.muli %add3A_210, %mul3A_275 : i32
      %add3A_277 = arith.constant 0 : i32
      %add3A_278 = arith.addi %mul3A_276, %add3A_277 : i32
      %mul3A_279 = arith.constant 112 : i32
      %mul3A_280 = arith.muli %add3A_278, %mul3A_279 : i32
      %add3A_281 = arith.constant 6272 : i32
      %add3A_282 = arith.addi %add3A_281, %mul3A_280 : i32
      %dma_wait3A_283 = tpu.memref_slice %arg7[%add3A_282] : memref<15680xi32, #tpu.memory_space<vmem>> -> memref<112xi32, #tpu.memory_space<vmem>>
      %dma_wait3A_284 = arith.constant 0 : i32
      %dma_wait3A_285 = arith.constant 0 : i32
      %dma_wait3A_286 = tpu.memref_slice %arg2[%dma_wait3A_284, %dma_wait3A_285] : memref<52048x128xf32, #tpu.memory_space<hbm>> -> memref<52048x128xf32, #tpu.memory_space<hbm>>
      tpu.wait_indirect_dma semaphore(%arg13 : memref<!tpu.dma_semaphore, #tpu.memory_space<semaphore_mem>>) src(%dma_wait3A_286 : memref<52048x128xf32, #tpu.memory_space<hbm>>) dst(%arg8 : memref<112x128xf32, #tpu.memory_space<vmem>>)
      %mul3A_287 = arith.constant 112 : i32
      %mul3A_288 = arith.muli %add3A_278, %mul3A_287 : i32
      %add3A_289 = arith.addi %mul3A_2, %mul3A_288 : i32
      %dma_start3A_290 = arith.constant 256 : i32
      %dma_start3A_291 = tpu.memref_slice %arg5[%add3A_289, %dma_start3A_290] : memref<100352x640xf32, #tpu.memory_space<hbm>> -> memref<112x128xf32, #tpu.memory_space<hbm>>
      %dma_start3A_292 = arith.constant 256 : i32
      %dma_start3A_293 = tpu.memref_slice %arg5[%add3A_289, %dma_start3A_292] : memref<100352x640xf32, #tpu.memory_space<hbm>> -> memref<112x128xf32, #tpu.memory_space<hbm>>
      tpu.enqueue_dma source(%arg8 : memref<112x128xf32, #tpu.memory_space<vmem>>) target(%dma_start3A_293 : memref<112x128xf32, #tpu.memory_space<hbm>>) target_semaphore(%arg17 : memref<!tpu.dma_semaphore, #tpu.memory_space<semaphore_mem>>)
      %mul3A_294 = arith.constant 4 : i32
      %mul3A_295 = arith.muli %add3A_210, %mul3A_294 : i32
      %add3A_296 = arith.constant 1 : i32
      %add3A_297 = arith.addi %mul3A_295, %add3A_296 : i32
      %mul3A_298 = arith.constant 112 : i32
      %mul3A_299 = arith.muli %add3A_297, %mul3A_298 : i32
      %add3A_300 = arith.constant 6272 : i32
      %add3A_301 = arith.addi %add3A_300, %mul3A_299 : i32
      %dma_wait3A_302 = tpu.memref_slice %arg7[%add3A_301] : memref<15680xi32, #tpu.memory_space<vmem>> -> memref<112xi32, #tpu.memory_space<vmem>>
      %dma_wait3A_303 = arith.constant 0 : i32
      %dma_wait3A_304 = arith.constant 0 : i32
      %dma_wait3A_305 = tpu.memref_slice %arg2[%dma_wait3A_303, %dma_wait3A_304] : memref<52048x128xf32, #tpu.memory_space<hbm>> -> memref<52048x128xf32, #tpu.memory_space<hbm>>
      tpu.wait_indirect_dma semaphore(%arg14 : memref<!tpu.dma_semaphore, #tpu.memory_space<semaphore_mem>>) src(%dma_wait3A_305 : memref<52048x128xf32, #tpu.memory_space<hbm>>) dst(%arg9 : memref<112x128xf32, #tpu.memory_space<vmem>>)
      %mul3A_306 = arith.constant 112 : i32
      %mul3A_307 = arith.muli %add3A_297, %mul3A_306 : i32
      %add3A_308 = arith.addi %mul3A_2, %mul3A_307 : i32
      %dma_start3A_309 = arith.constant 256 : i32
      %dma_start3A_310 = tpu.memref_slice %arg5[%add3A_308, %dma_start3A_309] : memref<100352x640xf32, #tpu.memory_space<hbm>> -> memref<112x128xf32, #tpu.memory_space<hbm>>
      %dma_start3A_311 = arith.constant 256 : i32
      %dma_start3A_312 = tpu.memref_slice %arg5[%add3A_308, %dma_start3A_311] : memref<100352x640xf32, #tpu.memory_space<hbm>> -> memref<112x128xf32, #tpu.memory_space<hbm>>
      tpu.enqueue_dma source(%arg9 : memref<112x128xf32, #tpu.memory_space<vmem>>) target(%dma_start3A_312 : memref<112x128xf32, #tpu.memory_space<hbm>>) target_semaphore(%arg18 : memref<!tpu.dma_semaphore, #tpu.memory_space<semaphore_mem>>)
      %mul3A_313 = arith.constant 4 : i32
      %mul3A_314 = arith.muli %add3A_210, %mul3A_313 : i32
      %add3A_315 = arith.constant 2 : i32
      %add3A_316 = arith.addi %mul3A_314, %add3A_315 : i32
      %mul3A_317 = arith.constant 112 : i32
      %mul3A_318 = arith.muli %add3A_316, %mul3A_317 : i32
      %add3A_319 = arith.constant 6272 : i32
      %add3A_320 = arith.addi %add3A_319, %mul3A_318 : i32
      %dma_wait3A_321 = tpu.memref_slice %arg7[%add3A_320] : memref<15680xi32, #tpu.memory_space<vmem>> -> memref<112xi32, #tpu.memory_space<vmem>>
      %dma_wait3A_322 = arith.constant 0 : i32
      %dma_wait3A_323 = arith.constant 0 : i32
      %dma_wait3A_324 = tpu.memref_slice %arg2[%dma_wait3A_322, %dma_wait3A_323] : memref<52048x128xf32, #tpu.memory_space<hbm>> -> memref<52048x128xf32, #tpu.memory_space<hbm>>
      tpu.wait_indirect_dma semaphore(%arg15 : memref<!tpu.dma_semaphore, #tpu.memory_space<semaphore_mem>>) src(%dma_wait3A_324 : memref<52048x128xf32, #tpu.memory_space<hbm>>) dst(%arg10 : memref<112x128xf32, #tpu.memory_space<vmem>>)
      %mul3A_325 = arith.constant 112 : i32
      %mul3A_326 = arith.muli %add3A_316, %mul3A_325 : i32
      %add3A_327 = arith.addi %mul3A_2, %mul3A_326 : i32
      %dma_start3A_328 = arith.constant 256 : i32
      %dma_start3A_329 = tpu.memref_slice %arg5[%add3A_327, %dma_start3A_328] : memref<100352x640xf32, #tpu.memory_space<hbm>> -> memref<112x128xf32, #tpu.memory_space<hbm>>
      %dma_start3A_330 = arith.constant 256 : i32
      %dma_start3A_331 = tpu.memref_slice %arg5[%add3A_327, %dma_start3A_330] : memref<100352x640xf32, #tpu.memory_space<hbm>> -> memref<112x128xf32, #tpu.memory_space<hbm>>
      tpu.enqueue_dma source(%arg10 : memref<112x128xf32, #tpu.memory_space<vmem>>) target(%dma_start3A_331 : memref<112x128xf32, #tpu.memory_space<hbm>>) target_semaphore(%arg19 : memref<!tpu.dma_semaphore, #tpu.memory_space<semaphore_mem>>)
      %mul3A_332 = arith.constant 4 : i32
      %mul3A_333 = arith.muli %add3A_210, %mul3A_332 : i32
      %add3A_334 = arith.constant 3 : i32
      %add3A_335 = arith.addi %mul3A_333, %add3A_334 : i32
      %mul3A_336 = arith.constant 112 : i32
      %mul3A_337 = arith.muli %add3A_335, %mul3A_336 : i32
      %add3A_338 = arith.constant 6272 : i32
      %add3A_339 = arith.addi %add3A_338, %mul3A_337 : i32
      %dma_wait3A_340 = tpu.memref_slice %arg7[%add3A_339] : memref<15680xi32, #tpu.memory_space<vmem>> -> memref<112xi32, #tpu.memory_space<vmem>>
      %dma_wait3A_341 = arith.constant 0 : i32
      %dma_wait3A_342 = arith.constant 0 : i32
      %dma_wait3A_343 = tpu.memref_slice %arg2[%dma_wait3A_341, %dma_wait3A_342] : memref<52048x128xf32, #tpu.memory_space<hbm>> -> memref<52048x128xf32, #tpu.memory_space<hbm>>
      tpu.wait_indirect_dma semaphore(%arg16 : memref<!tpu.dma_semaphore, #tpu.memory_space<semaphore_mem>>) src(%dma_wait3A_343 : memref<52048x128xf32, #tpu.memory_space<hbm>>) dst(%arg11 : memref<112x128xf32, #tpu.memory_space<vmem>>)
      %mul3A_344 = arith.constant 112 : i32
      %mul3A_345 = arith.muli %add3A_335, %mul3A_344 : i32
      %add3A_346 = arith.addi %mul3A_2, %mul3A_345 : i32
      %dma_start3A_347 = arith.constant 256 : i32
      %dma_start3A_348 = tpu.memref_slice %arg5[%add3A_346, %dma_start3A_347] : memref<100352x640xf32, #tpu.memory_space<hbm>> -> memref<112x128xf32, #tpu.memory_space<hbm>>
      %dma_start3A_349 = arith.constant 256 : i32
      %dma_start3A_350 = tpu.memref_slice %arg5[%add3A_346, %dma_start3A_349] : memref<100352x640xf32, #tpu.memory_space<hbm>> -> memref<112x128xf32, #tpu.memory_space<hbm>>
      tpu.enqueue_dma source(%arg11 : memref<112x128xf32, #tpu.memory_space<vmem>>) target(%dma_start3A_350 : memref<112x128xf32, #tpu.memory_space<hbm>>) target_semaphore(%arg20 : memref<!tpu.dma_semaphore, #tpu.memory_space<semaphore_mem>>)
    }
    %scan3A_108 = arith.constant 7 : i32
    %add3A_109 = arith.constant 2688 : i32
    %add3A_110 = arith.addi %mul3A_2, %add3A_109 : i32
    %dma_wait3A_111 = arith.constant 256 : i32
    %dma_wait3A_112 = tpu.memref_slice %arg5[%add3A_110, %dma_wait3A_111] : memref<100352x640xf32, #tpu.memory_space<hbm>> -> memref<112x128xf32, #tpu.memory_space<hbm>>
    %dma_wait3A_113 = arith.constant 256 : i32
    %dma_wait3A_114 = tpu.memref_slice %arg5[%add3A_110, %dma_wait3A_113] : memref<100352x640xf32, #tpu.memory_space<hbm>> -> memref<112x128xf32, #tpu.memory_space<hbm>>
    tpu.wait_dma2 semaphore(%arg17 : memref<!tpu.dma_semaphore, #tpu.memory_space<semaphore_mem>>) src(%arg8 : memref<112x128xf32, #tpu.memory_space<vmem>>) dst(%dma_wait3A_114 : memref<112x128xf32, #tpu.memory_space<hbm>>)
    %add3A_115 = arith.constant 2800 : i32
    %add3A_116 = arith.addi %mul3A_2, %add3A_115 : i32
    %dma_wait3A_117 = arith.constant 256 : i32
    %dma_wait3A_118 = tpu.memref_slice %arg5[%add3A_116, %dma_wait3A_117] : memref<100352x640xf32, #tpu.memory_space<hbm>> -> memref<112x128xf32, #tpu.memory_space<hbm>>
    %dma_wait3A_119 = arith.constant 256 : i32
    %dma_wait3A_120 = tpu.memref_slice %arg5[%add3A_116, %dma_wait3A_119] : memref<100352x640xf32, #tpu.memory_space<hbm>> -> memref<112x128xf32, #tpu.memory_space<hbm>>
    tpu.wait_dma2 semaphore(%arg18 : memref<!tpu.dma_semaphore, #tpu.memory_space<semaphore_mem>>) src(%arg9 : memref<112x128xf32, #tpu.memory_space<vmem>>) dst(%dma_wait3A_120 : memref<112x128xf32, #tpu.memory_space<hbm>>)
    %add3A_121 = arith.constant 2912 : i32
    %add3A_122 = arith.addi %mul3A_2, %add3A_121 : i32
    %dma_wait3A_123 = arith.constant 256 : i32
    %dma_wait3A_124 = tpu.memref_slice %arg5[%add3A_122, %dma_wait3A_123] : memref<100352x640xf32, #tpu.memory_space<hbm>> -> memref<112x128xf32, #tpu.memory_space<hbm>>
    %dma_wait3A_125 = arith.constant 256 : i32
    %dma_wait3A_126 = tpu.memref_slice %arg5[%add3A_122, %dma_wait3A_125] : memref<100352x640xf32, #tpu.memory_space<hbm>> -> memref<112x128xf32, #tpu.memory_space<hbm>>
    tpu.wait_dma2 semaphore(%arg19 : memref<!tpu.dma_semaphore, #tpu.memory_space<semaphore_mem>>) src(%arg10 : memref<112x128xf32, #tpu.memory_space<vmem>>) dst(%dma_wait3A_126 : memref<112x128xf32, #tpu.memory_space<hbm>>)
    %add3A_127 = arith.constant 3024 : i32
    %add3A_128 = arith.addi %mul3A_2, %add3A_127 : i32
    %dma_wait3A_129 = arith.constant 256 : i32
    %dma_wait3A_130 = tpu.memref_slice %arg5[%add3A_128, %dma_wait3A_129] : memref<100352x640xf32, #tpu.memory_space<hbm>> -> memref<112x128xf32, #tpu.memory_space<hbm>>
    %dma_wait3A_131 = arith.constant 256 : i32
    %dma_wait3A_132 = tpu.memref_slice %arg5[%add3A_128, %dma_wait3A_131] : memref<100352x640xf32, #tpu.memory_space<hbm>> -> memref<112x128xf32, #tpu.memory_space<hbm>>
    tpu.wait_dma2 semaphore(%arg20 : memref<!tpu.dma_semaphore, #tpu.memory_space<semaphore_mem>>) src(%arg11 : memref<112x128xf32, #tpu.memory_space<vmem>>) dst(%dma_wait3A_132 : memref<112x128xf32, #tpu.memory_space<hbm>>)
    %scan3A_133 = arith.constant 0 : i32
    %scan3A_134 = arith.constant 28 : i32
    %scan3A_135 = arith.addi %scan3A_133, %scan3A_134 : i32
    %scan3A_136 = arith.constant 1 : i32
    scf.for %scan3A_206 = %scan3A_133 to %scan3A_135 step %scan3A_136  : i32 {
      %mul3A_207 = arith.constant 1 : i32
      %mul3A_208 = arith.muli %scan3A_206, %mul3A_207 : i32
      %add3A_209 = arith.constant 0 : i32
      %add3A_210 = arith.addi %add3A_209, %mul3A_208 : i32
      %mul3A_211 = arith.constant 112 : i32
      %mul3A_212 = arith.muli %add3A_210, %mul3A_211 : i32
      %add3A_213 = arith.constant 9408 : i32
      %add3A_214 = arith.addi %add3A_213, %mul3A_212 : i32
      %dma_wait3A_215 = tpu.memref_slice %arg7[%add3A_214] : memref<15680xi32, #tpu.memory_space<vmem>> -> memref<112xi32, #tpu.memory_space<vmem>>
      %dma_wait3A_216 = tpu.memref_slice %arg6[%add3A_214] : memref<15680xi32, #tpu.memory_space<vmem>> -> memref<112xi32, #tpu.memory_space<vmem>>
      %dma_wait3A_217 = arith.constant 0 : i32
      %dma_wait3A_218 = tpu.memref_slice %arg3[%dma_wait3A_217] : memref<100352xi32, #tpu.memory_space<hbm>> -> memref<100352xi32, #tpu.memory_space<hbm>>
      tpu.wait_indirect_dma semaphore(%arg12 : memref<!tpu.dma_semaphore, #tpu.memory_space<semaphore_mem>>) src(%dma_wait3A_218 : memref<100352xi32, #tpu.memory_space<hbm>>) dst(%dma_wait3A_215 : memref<112xi32, #tpu.memory_space<vmem>>)
    }
    %scan3A_137 = arith.constant 28 : i32
    %scan3A_138 = arith.constant 0 : i32
    %scan3A_139 = arith.constant 28 : i32
    %scan3A_140 = arith.addi %scan3A_138, %scan3A_139 : i32
    %scan3A_141 = arith.constant 1 : i32
    scf.for %scan3A_206 = %scan3A_138 to %scan3A_140 step %scan3A_141  : i32 {
      %mul3A_207 = arith.constant 1 : i32
      %mul3A_208 = arith.muli %scan3A_206, %mul3A_207 : i32
      %add3A_209 = arith.constant 0 : i32
      %add3A_210 = arith.addi %add3A_209, %mul3A_208 : i32
      %mul3A_211 = arith.constant 112 : i32
      %mul3A_212 = arith.muli %add3A_210, %mul3A_211 : i32
      %add3A_213 = arith.constant 12544 : i32
      %add3A_214 = arith.addi %add3A_213, %mul3A_212 : i32
      %dma_start3A = tpu.memref_slice %arg7[%add3A_214] : memref<15680xi32, #tpu.memory_space<vmem>> -> memref<112xi32, #tpu.memory_space<vmem>>
      %dma_start3A_215 = tpu.memref_slice %arg6[%add3A_214] : memref<15680xi32, #tpu.memory_space<vmem>> -> memref<112xi32, #tpu.memory_space<vmem>>
      %dma_start3A_216 = arith.constant 0 : i32
      %dma_start3A_217 = tpu.memref_slice %arg3[%dma_start3A_216] : memref<100352xi32, #tpu.memory_space<hbm>> -> memref<100352xi32, #tpu.memory_space<hbm>>
      tpu.enqueue_indirect_dma source(%dma_start3A_217 : memref<100352xi32, #tpu.memory_space<hbm>>) target(%dma_start3A : memref<112xi32, #tpu.memory_space<vmem>>) offsets(%dma_start3A_215 : memref<112xi32, #tpu.memory_space<vmem>>) semaphore(%arg12 : memref<!tpu.dma_semaphore, #tpu.memory_space<semaphore_mem>>)
    }
    %scan3A_142 = arith.constant 28 : i32
    %scan3A_143 = arith.constant 0 : i32
    %scan3A_144 = arith.constant 7 : i32
    %scan3A_145 = arith.addi %scan3A_143, %scan3A_144 : i32
    %scan3A_146 = arith.constant 1 : i32
    scf.for %scan3A_206 = %scan3A_143 to %scan3A_145 step %scan3A_146  : i32 {
      %mul3A_207 = arith.constant 1 : i32
      %mul3A_208 = arith.muli %scan3A_206, %mul3A_207 : i32
      %add3A_209 = arith.constant 0 : i32
      %add3A_210 = arith.addi %add3A_209, %mul3A_208 : i32
      %mul3A_211 = arith.constant 4 : i32
      %mul3A_212 = arith.muli %add3A_210, %mul3A_211 : i32
      %add3A_213 = arith.constant 0 : i32
      %add3A_214 = arith.addi %mul3A_212, %add3A_213 : i32
      %gt3A = arith.constant 0 : i32
      %gt3A_215 = arith.cmpi sgt, %add3A_210, %gt3A : i32
      %convert_element_type3A = arith.extui %gt3A_215 : i1 to i32
      %cond3A = arith.constant 0 : i32
      %cond3A_216 = arith.cmpi ne, %convert_element_type3A, %cond3A : i32
      scf.if %cond3A_216 {
        %sub3A = arith.constant 4 : i32
        %sub3A_351 = arith.subi %add3A_214, %sub3A : i32
        %mul3A_352 = arith.constant 112 : i32
        %mul3A_353 = arith.muli %sub3A_351, %mul3A_352 : i32
        %add3A_354 = arith.addi %mul3A_2, %mul3A_353 : i32
        %dma_wait3A_355 = arith.constant 384 : i32
        %dma_wait3A_356 = tpu.memref_slice %arg5[%add3A_354, %dma_wait3A_355] : memref<100352x640xf32, #tpu.memory_space<hbm>> -> memref<112x128xf32, #tpu.memory_space<hbm>>
        %dma_wait3A_357 = arith.constant 384 : i32
        %dma_wait3A_358 = tpu.memref_slice %arg5[%add3A_354, %dma_wait3A_357] : memref<100352x640xf32, #tpu.memory_space<hbm>> -> memref<112x128xf32, #tpu.memory_space<hbm>>
        tpu.wait_dma2 semaphore(%arg17 : memref<!tpu.dma_semaphore, #tpu.memory_space<semaphore_mem>>) src(%arg8 : memref<112x128xf32, #tpu.memory_space<vmem>>) dst(%dma_wait3A_358 : memref<112x128xf32, #tpu.memory_space<hbm>>)
      } else {
      }
      %mul3A_217 = arith.constant 112 : i32
      %mul3A_218 = arith.muli %add3A_214, %mul3A_217 : i32
      %add3A_219 = arith.constant 9408 : i32
      %add3A_220 = arith.addi %add3A_219, %mul3A_218 : i32
      %dma_start3A = tpu.memref_slice %arg7[%add3A_220] : memref<15680xi32, #tpu.memory_space<vmem>> -> memref<112xi32, #tpu.memory_space<vmem>>
      %dma_start3A_221 = arith.constant 0 : i32
      %dma_start3A_222 = arith.constant 0 : i32
      %dma_start3A_223 = tpu.memref_slice %arg2[%dma_start3A_221, %dma_start3A_222] : memref<52048x128xf32, #tpu.memory_space<hbm>> -> memref<52048x128xf32, #tpu.memory_space<hbm>>
      tpu.enqueue_indirect_dma source(%dma_start3A_223 : memref<52048x128xf32, #tpu.memory_space<hbm>>) target(%arg8 : memref<112x128xf32, #tpu.memory_space<vmem>>) offsets(%dma_start3A : memref<112xi32, #tpu.memory_space<vmem>>) semaphore(%arg13 : memref<!tpu.dma_semaphore, #tpu.memory_space<semaphore_mem>>)
      %mul3A_224 = arith.constant 4 : i32
      %mul3A_225 = arith.muli %add3A_210, %mul3A_224 : i32
      %add3A_226 = arith.constant 1 : i32
      %add3A_227 = arith.addi %mul3A_225, %add3A_226 : i32
      %gt3A_228 = arith.constant 0 : i32
      %gt3A_229 = arith.cmpi sgt, %add3A_210, %gt3A_228 : i32
      %convert_element_type3A_230 = arith.extui %gt3A_229 : i1 to i32
      %cond3A_231 = arith.constant 0 : i32
      %cond3A_232 = arith.cmpi ne, %convert_element_type3A_230, %cond3A_231 : i32
      scf.if %cond3A_232 {
        %sub3A = arith.constant 4 : i32
        %sub3A_351 = arith.subi %add3A_227, %sub3A : i32
        %mul3A_352 = arith.constant 112 : i32
        %mul3A_353 = arith.muli %sub3A_351, %mul3A_352 : i32
        %add3A_354 = arith.addi %mul3A_2, %mul3A_353 : i32
        %dma_wait3A_355 = arith.constant 384 : i32
        %dma_wait3A_356 = tpu.memref_slice %arg5[%add3A_354, %dma_wait3A_355] : memref<100352x640xf32, #tpu.memory_space<hbm>> -> memref<112x128xf32, #tpu.memory_space<hbm>>
        %dma_wait3A_357 = arith.constant 384 : i32
        %dma_wait3A_358 = tpu.memref_slice %arg5[%add3A_354, %dma_wait3A_357] : memref<100352x640xf32, #tpu.memory_space<hbm>> -> memref<112x128xf32, #tpu.memory_space<hbm>>
        tpu.wait_dma2 semaphore(%arg18 : memref<!tpu.dma_semaphore, #tpu.memory_space<semaphore_mem>>) src(%arg9 : memref<112x128xf32, #tpu.memory_space<vmem>>) dst(%dma_wait3A_358 : memref<112x128xf32, #tpu.memory_space<hbm>>)
      } else {
      }
      %mul3A_233 = arith.constant 112 : i32
      %mul3A_234 = arith.muli %add3A_227, %mul3A_233 : i32
      %add3A_235 = arith.constant 9408 : i32
      %add3A_236 = arith.addi %add3A_235, %mul3A_234 : i32
      %dma_start3A_237 = tpu.memref_slice %arg7[%add3A_236] : memref<15680xi32, #tpu.memory_space<vmem>> -> memref<112xi32, #tpu.memory_space<vmem>>
      %dma_start3A_238 = arith.constant 0 : i32
      %dma_start3A_239 = arith.constant 0 : i32
      %dma_start3A_240 = tpu.memref_slice %arg2[%dma_start3A_238, %dma_start3A_239] : memref<52048x128xf32, #tpu.memory_space<hbm>> -> memref<52048x128xf32, #tpu.memory_space<hbm>>
      tpu.enqueue_indirect_dma source(%dma_start3A_240 : memref<52048x128xf32, #tpu.memory_space<hbm>>) target(%arg9 : memref<112x128xf32, #tpu.memory_space<vmem>>) offsets(%dma_start3A_237 : memref<112xi32, #tpu.memory_space<vmem>>) semaphore(%arg14 : memref<!tpu.dma_semaphore, #tpu.memory_space<semaphore_mem>>)
      %mul3A_241 = arith.constant 4 : i32
      %mul3A_242 = arith.muli %add3A_210, %mul3A_241 : i32
      %add3A_243 = arith.constant 2 : i32
      %add3A_244 = arith.addi %mul3A_242, %add3A_243 : i32
      %gt3A_245 = arith.constant 0 : i32
      %gt3A_246 = arith.cmpi sgt, %add3A_210, %gt3A_245 : i32
      %convert_element_type3A_247 = arith.extui %gt3A_246 : i1 to i32
      %cond3A_248 = arith.constant 0 : i32
      %cond3A_249 = arith.cmpi ne, %convert_element_type3A_247, %cond3A_248 : i32
      scf.if %cond3A_249 {
        %sub3A = arith.constant 4 : i32
        %sub3A_351 = arith.subi %add3A_244, %sub3A : i32
        %mul3A_352 = arith.constant 112 : i32
        %mul3A_353 = arith.muli %sub3A_351, %mul3A_352 : i32
        %add3A_354 = arith.addi %mul3A_2, %mul3A_353 : i32
        %dma_wait3A_355 = arith.constant 384 : i32
        %dma_wait3A_356 = tpu.memref_slice %arg5[%add3A_354, %dma_wait3A_355] : memref<100352x640xf32, #tpu.memory_space<hbm>> -> memref<112x128xf32, #tpu.memory_space<hbm>>
        %dma_wait3A_357 = arith.constant 384 : i32
        %dma_wait3A_358 = tpu.memref_slice %arg5[%add3A_354, %dma_wait3A_357] : memref<100352x640xf32, #tpu.memory_space<hbm>> -> memref<112x128xf32, #tpu.memory_space<hbm>>
        tpu.wait_dma2 semaphore(%arg19 : memref<!tpu.dma_semaphore, #tpu.memory_space<semaphore_mem>>) src(%arg10 : memref<112x128xf32, #tpu.memory_space<vmem>>) dst(%dma_wait3A_358 : memref<112x128xf32, #tpu.memory_space<hbm>>)
      } else {
      }
      %mul3A_250 = arith.constant 112 : i32
      %mul3A_251 = arith.muli %add3A_244, %mul3A_250 : i32
      %add3A_252 = arith.constant 9408 : i32
      %add3A_253 = arith.addi %add3A_252, %mul3A_251 : i32
      %dma_start3A_254 = tpu.memref_slice %arg7[%add3A_253] : memref<15680xi32, #tpu.memory_space<vmem>> -> memref<112xi32, #tpu.memory_space<vmem>>
      %dma_start3A_255 = arith.constant 0 : i32
      %dma_start3A_256 = arith.constant 0 : i32
      %dma_start3A_257 = tpu.memref_slice %arg2[%dma_start3A_255, %dma_start3A_256] : memref<52048x128xf32, #tpu.memory_space<hbm>> -> memref<52048x128xf32, #tpu.memory_space<hbm>>
      tpu.enqueue_indirect_dma source(%dma_start3A_257 : memref<52048x128xf32, #tpu.memory_space<hbm>>) target(%arg10 : memref<112x128xf32, #tpu.memory_space<vmem>>) offsets(%dma_start3A_254 : memref<112xi32, #tpu.memory_space<vmem>>) semaphore(%arg15 : memref<!tpu.dma_semaphore, #tpu.memory_space<semaphore_mem>>)
      %mul3A_258 = arith.constant 4 : i32
      %mul3A_259 = arith.muli %add3A_210, %mul3A_258 : i32
      %add3A_260 = arith.constant 3 : i32
      %add3A_261 = arith.addi %mul3A_259, %add3A_260 : i32
      %gt3A_262 = arith.constant 0 : i32
      %gt3A_263 = arith.cmpi sgt, %add3A_210, %gt3A_262 : i32
      %convert_element_type3A_264 = arith.extui %gt3A_263 : i1 to i32
      %cond3A_265 = arith.constant 0 : i32
      %cond3A_266 = arith.cmpi ne, %convert_element_type3A_264, %cond3A_265 : i32
      scf.if %cond3A_266 {
        %sub3A = arith.constant 4 : i32
        %sub3A_351 = arith.subi %add3A_261, %sub3A : i32
        %mul3A_352 = arith.constant 112 : i32
        %mul3A_353 = arith.muli %sub3A_351, %mul3A_352 : i32
        %add3A_354 = arith.addi %mul3A_2, %mul3A_353 : i32
        %dma_wait3A_355 = arith.constant 384 : i32
        %dma_wait3A_356 = tpu.memref_slice %arg5[%add3A_354, %dma_wait3A_355] : memref<100352x640xf32, #tpu.memory_space<hbm>> -> memref<112x128xf32, #tpu.memory_space<hbm>>
        %dma_wait3A_357 = arith.constant 384 : i32
        %dma_wait3A_358 = tpu.memref_slice %arg5[%add3A_354, %dma_wait3A_357] : memref<100352x640xf32, #tpu.memory_space<hbm>> -> memref<112x128xf32, #tpu.memory_space<hbm>>
        tpu.wait_dma2 semaphore(%arg20 : memref<!tpu.dma_semaphore, #tpu.memory_space<semaphore_mem>>) src(%arg11 : memref<112x128xf32, #tpu.memory_space<vmem>>) dst(%dma_wait3A_358 : memref<112x128xf32, #tpu.memory_space<hbm>>)
      } else {
      }
      %mul3A_267 = arith.constant 112 : i32
      %mul3A_268 = arith.muli %add3A_261, %mul3A_267 : i32
      %add3A_269 = arith.constant 9408 : i32
      %add3A_270 = arith.addi %add3A_269, %mul3A_268 : i32
      %dma_start3A_271 = tpu.memref_slice %arg7[%add3A_270] : memref<15680xi32, #tpu.memory_space<vmem>> -> memref<112xi32, #tpu.memory_space<vmem>>
      %dma_start3A_272 = arith.constant 0 : i32
      %dma_start3A_273 = arith.constant 0 : i32
      %dma_start3A_274 = tpu.memref_slice %arg2[%dma_start3A_272, %dma_start3A_273] : memref<52048x128xf32, #tpu.memory_space<hbm>> -> memref<52048x128xf32, #tpu.memory_space<hbm>>
      tpu.enqueue_indirect_dma source(%dma_start3A_274 : memref<52048x128xf32, #tpu.memory_space<hbm>>) target(%arg11 : memref<112x128xf32, #tpu.memory_space<vmem>>) offsets(%dma_start3A_271 : memref<112xi32, #tpu.memory_space<vmem>>) semaphore(%arg16 : memref<!tpu.dma_semaphore, #tpu.memory_space<semaphore_mem>>)
      %mul3A_275 = arith.constant 4 : i32
      %mul3A_276 = arith.muli %add3A_210, %mul3A_275 : i32
      %add3A_277 = arith.constant 0 : i32
      %add3A_278 = arith.addi %mul3A_276, %add3A_277 : i32
      %mul3A_279 = arith.constant 112 : i32
      %mul3A_280 = arith.muli %add3A_278, %mul3A_279 : i32
      %add3A_281 = arith.constant 9408 : i32
      %add3A_282 = arith.addi %add3A_281, %mul3A_280 : i32
      %dma_wait3A_283 = tpu.memref_slice %arg7[%add3A_282] : memref<15680xi32, #tpu.memory_space<vmem>> -> memref<112xi32, #tpu.memory_space<vmem>>
      %dma_wait3A_284 = arith.constant 0 : i32
      %dma_wait3A_285 = arith.constant 0 : i32
      %dma_wait3A_286 = tpu.memref_slice %arg2[%dma_wait3A_284, %dma_wait3A_285] : memref<52048x128xf32, #tpu.memory_space<hbm>> -> memref<52048x128xf32, #tpu.memory_space<hbm>>
      tpu.wait_indirect_dma semaphore(%arg13 : memref<!tpu.dma_semaphore, #tpu.memory_space<semaphore_mem>>) src(%dma_wait3A_286 : memref<52048x128xf32, #tpu.memory_space<hbm>>) dst(%arg8 : memref<112x128xf32, #tpu.memory_space<vmem>>)
      %mul3A_287 = arith.constant 112 : i32
      %mul3A_288 = arith.muli %add3A_278, %mul3A_287 : i32
      %add3A_289 = arith.addi %mul3A_2, %mul3A_288 : i32
      %dma_start3A_290 = arith.constant 384 : i32
      %dma_start3A_291 = tpu.memref_slice %arg5[%add3A_289, %dma_start3A_290] : memref<100352x640xf32, #tpu.memory_space<hbm>> -> memref<112x128xf32, #tpu.memory_space<hbm>>
      %dma_start3A_292 = arith.constant 384 : i32
      %dma_start3A_293 = tpu.memref_slice %arg5[%add3A_289, %dma_start3A_292] : memref<100352x640xf32, #tpu.memory_space<hbm>> -> memref<112x128xf32, #tpu.memory_space<hbm>>
      tpu.enqueue_dma source(%arg8 : memref<112x128xf32, #tpu.memory_space<vmem>>) target(%dma_start3A_293 : memref<112x128xf32, #tpu.memory_space<hbm>>) target_semaphore(%arg17 : memref<!tpu.dma_semaphore, #tpu.memory_space<semaphore_mem>>)
      %mul3A_294 = arith.constant 4 : i32
      %mul3A_295 = arith.muli %add3A_210, %mul3A_294 : i32
      %add3A_296 = arith.constant 1 : i32
      %add3A_297 = arith.addi %mul3A_295, %add3A_296 : i32
      %mul3A_298 = arith.constant 112 : i32
      %mul3A_299 = arith.muli %add3A_297, %mul3A_298 : i32
      %add3A_300 = arith.constant 9408 : i32
      %add3A_301 = arith.addi %add3A_300, %mul3A_299 : i32
      %dma_wait3A_302 = tpu.memref_slice %arg7[%add3A_301] : memref<15680xi32, #tpu.memory_space<vmem>> -> memref<112xi32, #tpu.memory_space<vmem>>
      %dma_wait3A_303 = arith.constant 0 : i32
      %dma_wait3A_304 = arith.constant 0 : i32
      %dma_wait3A_305 = tpu.memref_slice %arg2[%dma_wait3A_303, %dma_wait3A_304] : memref<52048x128xf32, #tpu.memory_space<hbm>> -> memref<52048x128xf32, #tpu.memory_space<hbm>>
      tpu.wait_indirect_dma semaphore(%arg14 : memref<!tpu.dma_semaphore, #tpu.memory_space<semaphore_mem>>) src(%dma_wait3A_305 : memref<52048x128xf32, #tpu.memory_space<hbm>>) dst(%arg9 : memref<112x128xf32, #tpu.memory_space<vmem>>)
      %mul3A_306 = arith.constant 112 : i32
      %mul3A_307 = arith.muli %add3A_297, %mul3A_306 : i32
      %add3A_308 = arith.addi %mul3A_2, %mul3A_307 : i32
      %dma_start3A_309 = arith.constant 384 : i32
      %dma_start3A_310 = tpu.memref_slice %arg5[%add3A_308, %dma_start3A_309] : memref<100352x640xf32, #tpu.memory_space<hbm>> -> memref<112x128xf32, #tpu.memory_space<hbm>>
      %dma_start3A_311 = arith.constant 384 : i32
      %dma_start3A_312 = tpu.memref_slice %arg5[%add3A_308, %dma_start3A_311] : memref<100352x640xf32, #tpu.memory_space<hbm>> -> memref<112x128xf32, #tpu.memory_space<hbm>>
      tpu.enqueue_dma source(%arg9 : memref<112x128xf32, #tpu.memory_space<vmem>>) target(%dma_start3A_312 : memref<112x128xf32, #tpu.memory_space<hbm>>) target_semaphore(%arg18 : memref<!tpu.dma_semaphore, #tpu.memory_space<semaphore_mem>>)
      %mul3A_313 = arith.constant 4 : i32
      %mul3A_314 = arith.muli %add3A_210, %mul3A_313 : i32
      %add3A_315 = arith.constant 2 : i32
      %add3A_316 = arith.addi %mul3A_314, %add3A_315 : i32
      %mul3A_317 = arith.constant 112 : i32
      %mul3A_318 = arith.muli %add3A_316, %mul3A_317 : i32
      %add3A_319 = arith.constant 9408 : i32
      %add3A_320 = arith.addi %add3A_319, %mul3A_318 : i32
      %dma_wait3A_321 = tpu.memref_slice %arg7[%add3A_320] : memref<15680xi32, #tpu.memory_space<vmem>> -> memref<112xi32, #tpu.memory_space<vmem>>
      %dma_wait3A_322 = arith.constant 0 : i32
      %dma_wait3A_323 = arith.constant 0 : i32
      %dma_wait3A_324 = tpu.memref_slice %arg2[%dma_wait3A_322, %dma_wait3A_323] : memref<52048x128xf32, #tpu.memory_space<hbm>> -> memref<52048x128xf32, #tpu.memory_space<hbm>>
      tpu.wait_indirect_dma semaphore(%arg15 : memref<!tpu.dma_semaphore, #tpu.memory_space<semaphore_mem>>) src(%dma_wait3A_324 : memref<52048x128xf32, #tpu.memory_space<hbm>>) dst(%arg10 : memref<112x128xf32, #tpu.memory_space<vmem>>)
      %mul3A_325 = arith.constant 112 : i32
      %mul3A_326 = arith.muli %add3A_316, %mul3A_325 : i32
      %add3A_327 = arith.addi %mul3A_2, %mul3A_326 : i32
      %dma_start3A_328 = arith.constant 384 : i32
      %dma_start3A_329 = tpu.memref_slice %arg5[%add3A_327, %dma_start3A_328] : memref<100352x640xf32, #tpu.memory_space<hbm>> -> memref<112x128xf32, #tpu.memory_space<hbm>>
      %dma_start3A_330 = arith.constant 384 : i32
      %dma_start3A_331 = tpu.memref_slice %arg5[%add3A_327, %dma_start3A_330] : memref<100352x640xf32, #tpu.memory_space<hbm>> -> memref<112x128xf32, #tpu.memory_space<hbm>>
      tpu.enqueue_dma source(%arg10 : memref<112x128xf32, #tpu.memory_space<vmem>>) target(%dma_start3A_331 : memref<112x128xf32, #tpu.memory_space<hbm>>) target_semaphore(%arg19 : memref<!tpu.dma_semaphore, #tpu.memory_space<semaphore_mem>>)
      %mul3A_332 = arith.constant 4 : i32
      %mul3A_333 = arith.muli %add3A_210, %mul3A_332 : i32
      %add3A_334 = arith.constant 3 : i32
      %add3A_335 = arith.addi %mul3A_333, %add3A_334 : i32
      %mul3A_336 = arith.constant 112 : i32
      %mul3A_337 = arith.muli %add3A_335, %mul3A_336 : i32
      %add3A_338 = arith.constant 9408 : i32
      %add3A_339 = arith.addi %add3A_338, %mul3A_337 : i32
      %dma_wait3A_340 = tpu.memref_slice %arg7[%add3A_339] : memref<15680xi32, #tpu.memory_space<vmem>> -> memref<112xi32, #tpu.memory_space<vmem>>
      %dma_wait3A_341 = arith.constant 0 : i32
      %dma_wait3A_342 = arith.constant 0 : i32
      %dma_wait3A_343 = tpu.memref_slice %arg2[%dma_wait3A_341, %dma_wait3A_342] : memref<52048x128xf32, #tpu.memory_space<hbm>> -> memref<52048x128xf32, #tpu.memory_space<hbm>>
      tpu.wait_indirect_dma semaphore(%arg16 : memref<!tpu.dma_semaphore, #tpu.memory_space<semaphore_mem>>) src(%dma_wait3A_343 : memref<52048x128xf32, #tpu.memory_space<hbm>>) dst(%arg11 : memref<112x128xf32, #tpu.memory_space<vmem>>)
      %mul3A_344 = arith.constant 112 : i32
      %mul3A_345 = arith.muli %add3A_335, %mul3A_344 : i32
      %add3A_346 = arith.addi %mul3A_2, %mul3A_345 : i32
      %dma_start3A_347 = arith.constant 384 : i32
      %dma_start3A_348 = tpu.memref_slice %arg5[%add3A_346, %dma_start3A_347] : memref<100352x640xf32, #tpu.memory_space<hbm>> -> memref<112x128xf32, #tpu.memory_space<hbm>>
      %dma_start3A_349 = arith.constant 384 : i32
      %dma_start3A_350 = tpu.memref_slice %arg5[%add3A_346, %dma_start3A_349] : memref<100352x640xf32, #tpu.memory_space<hbm>> -> memref<112x128xf32, #tpu.memory_space<hbm>>
      tpu.enqueue_dma source(%arg11 : memref<112x128xf32, #tpu.memory_space<vmem>>) target(%dma_start3A_350 : memref<112x128xf32, #tpu.memory_space<hbm>>) target_semaphore(%arg20 : memref<!tpu.dma_semaphore, #tpu.memory_space<semaphore_mem>>)
    }
    %scan3A_147 = arith.constant 7 : i32
    %add3A_148 = arith.constant 2688 : i32
    %add3A_149 = arith.addi %mul3A_2, %add3A_148 : i32
    %dma_wait3A_150 = arith.constant 384 : i32
    %dma_wait3A_151 = tpu.memref_slice %arg5[%add3A_149, %dma_wait3A_150] : memref<100352x640xf32, #tpu.memory_space<hbm>> -> memref<112x128xf32, #tpu.memory_space<hbm>>
    %dma_wait3A_152 = arith.constant 384 : i32
    %dma_wait3A_153 = tpu.memref_slice %arg5[%add3A_149, %dma_wait3A_152] : memref<100352x640xf32, #tpu.memory_space<hbm>> -> memref<112x128xf32, #tpu.memory_space<hbm>>
    tpu.wait_dma2 semaphore(%arg17 : memref<!tpu.dma_semaphore, #tpu.memory_space<semaphore_mem>>) src(%arg8 : memref<112x128xf32, #tpu.memory_space<vmem>>) dst(%dma_wait3A_153 : memref<112x128xf32, #tpu.memory_space<hbm>>)
    %add3A_154 = arith.constant 2800 : i32
    %add3A_155 = arith.addi %mul3A_2, %add3A_154 : i32
    %dma_wait3A_156 = arith.constant 384 : i32
    %dma_wait3A_157 = tpu.memref_slice %arg5[%add3A_155, %dma_wait3A_156] : memref<100352x640xf32, #tpu.memory_space<hbm>> -> memref<112x128xf32, #tpu.memory_space<hbm>>
    %dma_wait3A_158 = arith.constant 384 : i32
    %dma_wait3A_159 = tpu.memref_slice %arg5[%add3A_155, %dma_wait3A_158] : memref<100352x640xf32, #tpu.memory_space<hbm>> -> memref<112x128xf32, #tpu.memory_space<hbm>>
    tpu.wait_dma2 semaphore(%arg18 : memref<!tpu.dma_semaphore, #tpu.memory_space<semaphore_mem>>) src(%arg9 : memref<112x128xf32, #tpu.memory_space<vmem>>) dst(%dma_wait3A_159 : memref<112x128xf32, #tpu.memory_space<hbm>>)
    %add3A_160 = arith.constant 2912 : i32
    %add3A_161 = arith.addi %mul3A_2, %add3A_160 : i32
    %dma_wait3A_162 = arith.constant 384 : i32
    %dma_wait3A_163 = tpu.memref_slice %arg5[%add3A_161, %dma_wait3A_162] : memref<100352x640xf32, #tpu.memory_space<hbm>> -> memref<112x128xf32, #tpu.memory_space<hbm>>
    %dma_wait3A_164 = arith.constant 384 : i32
    %dma_wait3A_165 = tpu.memref_slice %arg5[%add3A_161, %dma_wait3A_164] : memref<100352x640xf32, #tpu.memory_space<hbm>> -> memref<112x128xf32, #tpu.memory_space<hbm>>
    tpu.wait_dma2 semaphore(%arg19 : memref<!tpu.dma_semaphore, #tpu.memory_space<semaphore_mem>>) src(%arg10 : memref<112x128xf32, #tpu.memory_space<vmem>>) dst(%dma_wait3A_165 : memref<112x128xf32, #tpu.memory_space<hbm>>)
    %add3A_166 = arith.constant 3024 : i32
    %add3A_167 = arith.addi %mul3A_2, %add3A_166 : i32
    %dma_wait3A_168 = arith.constant 384 : i32
    %dma_wait3A_169 = tpu.memref_slice %arg5[%add3A_167, %dma_wait3A_168] : memref<100352x640xf32, #tpu.memory_space<hbm>> -> memref<112x128xf32, #tpu.memory_space<hbm>>
    %dma_wait3A_170 = arith.constant 384 : i32
    %dma_wait3A_171 = tpu.memref_slice %arg5[%add3A_167, %dma_wait3A_170] : memref<100352x640xf32, #tpu.memory_space<hbm>> -> memref<112x128xf32, #tpu.memory_space<hbm>>
    tpu.wait_dma2 semaphore(%arg20 : memref<!tpu.dma_semaphore, #tpu.memory_space<semaphore_mem>>) src(%arg11 : memref<112x128xf32, #tpu.memory_space<vmem>>) dst(%dma_wait3A_171 : memref<112x128xf32, #tpu.memory_space<hbm>>)
    %scan3A_172 = arith.constant 0 : i32
    %scan3A_173 = arith.constant 28 : i32
    %scan3A_174 = arith.addi %scan3A_172, %scan3A_173 : i32
    %scan3A_175 = arith.constant 1 : i32
    scf.for %scan3A_206 = %scan3A_172 to %scan3A_174 step %scan3A_175  : i32 {
      %mul3A_207 = arith.constant 1 : i32
      %mul3A_208 = arith.muli %scan3A_206, %mul3A_207 : i32
      %add3A_209 = arith.constant 0 : i32
      %add3A_210 = arith.addi %add3A_209, %mul3A_208 : i32
      %mul3A_211 = arith.constant 112 : i32
      %mul3A_212 = arith.muli %add3A_210, %mul3A_211 : i32
      %add3A_213 = arith.constant 12544 : i32
      %add3A_214 = arith.addi %add3A_213, %mul3A_212 : i32
      %dma_wait3A_215 = tpu.memref_slice %arg7[%add3A_214] : memref<15680xi32, #tpu.memory_space<vmem>> -> memref<112xi32, #tpu.memory_space<vmem>>
      %dma_wait3A_216 = tpu.memref_slice %arg6[%add3A_214] : memref<15680xi32, #tpu.memory_space<vmem>> -> memref<112xi32, #tpu.memory_space<vmem>>
      %dma_wait3A_217 = arith.constant 0 : i32
      %dma_wait3A_218 = tpu.memref_slice %arg3[%dma_wait3A_217] : memref<100352xi32, #tpu.memory_space<hbm>> -> memref<100352xi32, #tpu.memory_space<hbm>>
      tpu.wait_indirect_dma semaphore(%arg12 : memref<!tpu.dma_semaphore, #tpu.memory_space<semaphore_mem>>) src(%dma_wait3A_218 : memref<100352xi32, #tpu.memory_space<hbm>>) dst(%dma_wait3A_215 : memref<112xi32, #tpu.memory_space<vmem>>)
    }
    %scan3A_176 = arith.constant 28 : i32
    %scan3A_177 = arith.constant 0 : i32
    %scan3A_178 = arith.constant 7 : i32
    %scan3A_179 = arith.addi %scan3A_177, %scan3A_178 : i32
    %scan3A_180 = arith.constant 1 : i32
    scf.for %scan3A_206 = %scan3A_177 to %scan3A_179 step %scan3A_180  : i32 {
      %mul3A_207 = arith.constant 1 : i32
      %mul3A_208 = arith.muli %scan3A_206, %mul3A_207 : i32
      %add3A_209 = arith.constant 0 : i32
      %add3A_210 = arith.addi %add3A_209, %mul3A_208 : i32
      %mul3A_211 = arith.constant 4 : i32
      %mul3A_212 = arith.muli %add3A_210, %mul3A_211 : i32
      %add3A_213 = arith.constant 0 : i32
      %add3A_214 = arith.addi %mul3A_212, %add3A_213 : i32
      %gt3A = arith.constant 0 : i32
      %gt3A_215 = arith.cmpi sgt, %add3A_210, %gt3A : i32
      %convert_element_type3A = arith.extui %gt3A_215 : i1 to i32
      %cond3A = arith.constant 0 : i32
      %cond3A_216 = arith.cmpi ne, %convert_element_type3A, %cond3A : i32
      scf.if %cond3A_216 {
        %sub3A = arith.constant 4 : i32
        %sub3A_351 = arith.subi %add3A_214, %sub3A : i32
        %mul3A_352 = arith.constant 112 : i32
        %mul3A_353 = arith.muli %sub3A_351, %mul3A_352 : i32
        %add3A_354 = arith.addi %mul3A_2, %mul3A_353 : i32
        %dma_wait3A_355 = arith.constant 512 : i32
        %dma_wait3A_356 = tpu.memref_slice %arg5[%add3A_354, %dma_wait3A_355] : memref<100352x640xf32, #tpu.memory_space<hbm>> -> memref<112x128xf32, #tpu.memory_space<hbm>>
        %dma_wait3A_357 = arith.constant 512 : i32
        %dma_wait3A_358 = tpu.memref_slice %arg5[%add3A_354, %dma_wait3A_357] : memref<100352x640xf32, #tpu.memory_space<hbm>> -> memref<112x128xf32, #tpu.memory_space<hbm>>
        tpu.wait_dma2 semaphore(%arg17 : memref<!tpu.dma_semaphore, #tpu.memory_space<semaphore_mem>>) src(%arg8 : memref<112x128xf32, #tpu.memory_space<vmem>>) dst(%dma_wait3A_358 : memref<112x128xf32, #tpu.memory_space<hbm>>)
      } else {
      }
      %mul3A_217 = arith.constant 112 : i32
      %mul3A_218 = arith.muli %add3A_214, %mul3A_217 : i32
      %add3A_219 = arith.constant 12544 : i32
      %add3A_220 = arith.addi %add3A_219, %mul3A_218 : i32
      %dma_start3A = tpu.memref_slice %arg7[%add3A_220] : memref<15680xi32, #tpu.memory_space<vmem>> -> memref<112xi32, #tpu.memory_space<vmem>>
      %dma_start3A_221 = arith.constant 0 : i32
      %dma_start3A_222 = arith.constant 0 : i32
      %dma_start3A_223 = tpu.memref_slice %arg2[%dma_start3A_221, %dma_start3A_222] : memref<52048x128xf32, #tpu.memory_space<hbm>> -> memref<52048x128xf32, #tpu.memory_space<hbm>>
      tpu.enqueue_indirect_dma source(%dma_start3A_223 : memref<52048x128xf32, #tpu.memory_space<hbm>>) target(%arg8 : memref<112x128xf32, #tpu.memory_space<vmem>>) offsets(%dma_start3A : memref<112xi32, #tpu.memory_space<vmem>>) semaphore(%arg13 : memref<!tpu.dma_semaphore, #tpu.memory_space<semaphore_mem>>)
      %mul3A_224 = arith.constant 4 : i32
      %mul3A_225 = arith.muli %add3A_210, %mul3A_224 : i32
      %add3A_226 = arith.constant 1 : i32
      %add3A_227 = arith.addi %mul3A_225, %add3A_226 : i32
      %gt3A_228 = arith.constant 0 : i32
      %gt3A_229 = arith.cmpi sgt, %add3A_210, %gt3A_228 : i32
      %convert_element_type3A_230 = arith.extui %gt3A_229 : i1 to i32
      %cond3A_231 = arith.constant 0 : i32
      %cond3A_232 = arith.cmpi ne, %convert_element_type3A_230, %cond3A_231 : i32
      scf.if %cond3A_232 {
        %sub3A = arith.constant 4 : i32
        %sub3A_351 = arith.subi %add3A_227, %sub3A : i32
        %mul3A_352 = arith.constant 112 : i32
        %mul3A_353 = arith.muli %sub3A_351, %mul3A_352 : i32
        %add3A_354 = arith.addi %mul3A_2, %mul3A_353 : i32
        %dma_wait3A_355 = arith.constant 512 : i32
        %dma_wait3A_356 = tpu.memref_slice %arg5[%add3A_354, %dma_wait3A_355] : memref<100352x640xf32, #tpu.memory_space<hbm>> -> memref<112x128xf32, #tpu.memory_space<hbm>>
        %dma_wait3A_357 = arith.constant 512 : i32
        %dma_wait3A_358 = tpu.memref_slice %arg5[%add3A_354, %dma_wait3A_357] : memref<100352x640xf32, #tpu.memory_space<hbm>> -> memref<112x128xf32, #tpu.memory_space<hbm>>
        tpu.wait_dma2 semaphore(%arg18 : memref<!tpu.dma_semaphore, #tpu.memory_space<semaphore_mem>>) src(%arg9 : memref<112x128xf32, #tpu.memory_space<vmem>>) dst(%dma_wait3A_358 : memref<112x128xf32, #tpu.memory_space<hbm>>)
      } else {
      }
      %mul3A_233 = arith.constant 112 : i32
      %mul3A_234 = arith.muli %add3A_227, %mul3A_233 : i32
      %add3A_235 = arith.constant 12544 : i32
      %add3A_236 = arith.addi %add3A_235, %mul3A_234 : i32
      %dma_start3A_237 = tpu.memref_slice %arg7[%add3A_236] : memref<15680xi32, #tpu.memory_space<vmem>> -> memref<112xi32, #tpu.memory_space<vmem>>
      %dma_start3A_238 = arith.constant 0 : i32
      %dma_start3A_239 = arith.constant 0 : i32
      %dma_start3A_240 = tpu.memref_slice %arg2[%dma_start3A_238, %dma_start3A_239] : memref<52048x128xf32, #tpu.memory_space<hbm>> -> memref<52048x128xf32, #tpu.memory_space<hbm>>
      tpu.enqueue_indirect_dma source(%dma_start3A_240 : memref<52048x128xf32, #tpu.memory_space<hbm>>) target(%arg9 : memref<112x128xf32, #tpu.memory_space<vmem>>) offsets(%dma_start3A_237 : memref<112xi32, #tpu.memory_space<vmem>>) semaphore(%arg14 : memref<!tpu.dma_semaphore, #tpu.memory_space<semaphore_mem>>)
      %mul3A_241 = arith.constant 4 : i32
      %mul3A_242 = arith.muli %add3A_210, %mul3A_241 : i32
      %add3A_243 = arith.constant 2 : i32
      %add3A_244 = arith.addi %mul3A_242, %add3A_243 : i32
      %gt3A_245 = arith.constant 0 : i32
      %gt3A_246 = arith.cmpi sgt, %add3A_210, %gt3A_245 : i32
      %convert_element_type3A_247 = arith.extui %gt3A_246 : i1 to i32
      %cond3A_248 = arith.constant 0 : i32
      %cond3A_249 = arith.cmpi ne, %convert_element_type3A_247, %cond3A_248 : i32
      scf.if %cond3A_249 {
        %sub3A = arith.constant 4 : i32
        %sub3A_351 = arith.subi %add3A_244, %sub3A : i32
        %mul3A_352 = arith.constant 112 : i32
        %mul3A_353 = arith.muli %sub3A_351, %mul3A_352 : i32
        %add3A_354 = arith.addi %mul3A_2, %mul3A_353 : i32
        %dma_wait3A_355 = arith.constant 512 : i32
        %dma_wait3A_356 = tpu.memref_slice %arg5[%add3A_354, %dma_wait3A_355] : memref<100352x640xf32, #tpu.memory_space<hbm>> -> memref<112x128xf32, #tpu.memory_space<hbm>>
        %dma_wait3A_357 = arith.constant 512 : i32
        %dma_wait3A_358 = tpu.memref_slice %arg5[%add3A_354, %dma_wait3A_357] : memref<100352x640xf32, #tpu.memory_space<hbm>> -> memref<112x128xf32, #tpu.memory_space<hbm>>
        tpu.wait_dma2 semaphore(%arg19 : memref<!tpu.dma_semaphore, #tpu.memory_space<semaphore_mem>>) src(%arg10 : memref<112x128xf32, #tpu.memory_space<vmem>>) dst(%dma_wait3A_358 : memref<112x128xf32, #tpu.memory_space<hbm>>)
      } else {
      }
      %mul3A_250 = arith.constant 112 : i32
      %mul3A_251 = arith.muli %add3A_244, %mul3A_250 : i32
      %add3A_252 = arith.constant 12544 : i32
      %add3A_253 = arith.addi %add3A_252, %mul3A_251 : i32
      %dma_start3A_254 = tpu.memref_slice %arg7[%add3A_253] : memref<15680xi32, #tpu.memory_space<vmem>> -> memref<112xi32, #tpu.memory_space<vmem>>
      %dma_start3A_255 = arith.constant 0 : i32
      %dma_start3A_256 = arith.constant 0 : i32
      %dma_start3A_257 = tpu.memref_slice %arg2[%dma_start3A_255, %dma_start3A_256] : memref<52048x128xf32, #tpu.memory_space<hbm>> -> memref<52048x128xf32, #tpu.memory_space<hbm>>
      tpu.enqueue_indirect_dma source(%dma_start3A_257 : memref<52048x128xf32, #tpu.memory_space<hbm>>) target(%arg10 : memref<112x128xf32, #tpu.memory_space<vmem>>) offsets(%dma_start3A_254 : memref<112xi32, #tpu.memory_space<vmem>>) semaphore(%arg15 : memref<!tpu.dma_semaphore, #tpu.memory_space<semaphore_mem>>)
      %mul3A_258 = arith.constant 4 : i32
      %mul3A_259 = arith.muli %add3A_210, %mul3A_258 : i32
      %add3A_260 = arith.constant 3 : i32
      %add3A_261 = arith.addi %mul3A_259, %add3A_260 : i32
      %gt3A_262 = arith.constant 0 : i32
      %gt3A_263 = arith.cmpi sgt, %add3A_210, %gt3A_262 : i32
      %convert_element_type3A_264 = arith.extui %gt3A_263 : i1 to i32
      %cond3A_265 = arith.constant 0 : i32
      %cond3A_266 = arith.cmpi ne, %convert_element_type3A_264, %cond3A_265 : i32
      scf.if %cond3A_266 {
        %sub3A = arith.constant 4 : i32
        %sub3A_351 = arith.subi %add3A_261, %sub3A : i32
        %mul3A_352 = arith.constant 112 : i32
        %mul3A_353 = arith.muli %sub3A_351, %mul3A_352 : i32
        %add3A_354 = arith.addi %mul3A_2, %mul3A_353 : i32
        %dma_wait3A_355 = arith.constant 512 : i32
        %dma_wait3A_356 = tpu.memref_slice %arg5[%add3A_354, %dma_wait3A_355] : memref<100352x640xf32, #tpu.memory_space<hbm>> -> memref<112x128xf32, #tpu.memory_space<hbm>>
        %dma_wait3A_357 = arith.constant 512 : i32
        %dma_wait3A_358 = tpu.memref_slice %arg5[%add3A_354, %dma_wait3A_357] : memref<100352x640xf32, #tpu.memory_space<hbm>> -> memref<112x128xf32, #tpu.memory_space<hbm>>
        tpu.wait_dma2 semaphore(%arg20 : memref<!tpu.dma_semaphore, #tpu.memory_space<semaphore_mem>>) src(%arg11 : memref<112x128xf32, #tpu.memory_space<vmem>>) dst(%dma_wait3A_358 : memref<112x128xf32, #tpu.memory_space<hbm>>)
      } else {
      }
      %mul3A_267 = arith.constant 112 : i32
      %mul3A_268 = arith.muli %add3A_261, %mul3A_267 : i32
      %add3A_269 = arith.constant 12544 : i32
      %add3A_270 = arith.addi %add3A_269, %mul3A_268 : i32
      %dma_start3A_271 = tpu.memref_slice %arg7[%add3A_270] : memref<15680xi32, #tpu.memory_space<vmem>> -> memref<112xi32, #tpu.memory_space<vmem>>
      %dma_start3A_272 = arith.constant 0 : i32
      %dma_start3A_273 = arith.constant 0 : i32
      %dma_start3A_274 = tpu.memref_slice %arg2[%dma_start3A_272, %dma_start3A_273] : memref<52048x128xf32, #tpu.memory_space<hbm>> -> memref<52048x128xf32, #tpu.memory_space<hbm>>
      tpu.enqueue_indirect_dma source(%dma_start3A_274 : memref<52048x128xf32, #tpu.memory_space<hbm>>) target(%arg11 : memref<112x128xf32, #tpu.memory_space<vmem>>) offsets(%dma_start3A_271 : memref<112xi32, #tpu.memory_space<vmem>>) semaphore(%arg16 : memref<!tpu.dma_semaphore, #tpu.memory_space<semaphore_mem>>)
      %mul3A_275 = arith.constant 4 : i32
      %mul3A_276 = arith.muli %add3A_210, %mul3A_275 : i32
      %add3A_277 = arith.constant 0 : i32
      %add3A_278 = arith.addi %mul3A_276, %add3A_277 : i32
      %mul3A_279 = arith.constant 112 : i32
      %mul3A_280 = arith.muli %add3A_278, %mul3A_279 : i32
      %add3A_281 = arith.constant 12544 : i32
      %add3A_282 = arith.addi %add3A_281, %mul3A_280 : i32
      %dma_wait3A_283 = tpu.memref_slice %arg7[%add3A_282] : memref<15680xi32, #tpu.memory_space<vmem>> -> memref<112xi32, #tpu.memory_space<vmem>>
      %dma_wait3A_284 = arith.constant 0 : i32
      %dma_wait3A_285 = arith.constant 0 : i32
      %dma_wait3A_286 = tpu.memref_slice %arg2[%dma_wait3A_284, %dma_wait3A_285] : memref<52048x128xf32, #tpu.memory_space<hbm>> -> memref<52048x128xf32, #tpu.memory_space<hbm>>
      tpu.wait_indirect_dma semaphore(%arg13 : memref<!tpu.dma_semaphore, #tpu.memory_space<semaphore_mem>>) src(%dma_wait3A_286 : memref<52048x128xf32, #tpu.memory_space<hbm>>) dst(%arg8 : memref<112x128xf32, #tpu.memory_space<vmem>>)
      %mul3A_287 = arith.constant 112 : i32
      %mul3A_288 = arith.muli %add3A_278, %mul3A_287 : i32
      %add3A_289 = arith.addi %mul3A_2, %mul3A_288 : i32
      %dma_start3A_290 = arith.constant 512 : i32
      %dma_start3A_291 = tpu.memref_slice %arg5[%add3A_289, %dma_start3A_290] : memref<100352x640xf32, #tpu.memory_space<hbm>> -> memref<112x128xf32, #tpu.memory_space<hbm>>
      %dma_start3A_292 = arith.constant 512 : i32
      %dma_start3A_293 = tpu.memref_slice %arg5[%add3A_289, %dma_start3A_292] : memref<100352x640xf32, #tpu.memory_space<hbm>> -> memref<112x128xf32, #tpu.memory_space<hbm>>
      tpu.enqueue_dma source(%arg8 : memref<112x128xf32, #tpu.memory_space<vmem>>) target(%dma_start3A_293 : memref<112x128xf32, #tpu.memory_space<hbm>>) target_semaphore(%arg17 : memref<!tpu.dma_semaphore, #tpu.memory_space<semaphore_mem>>)
      %mul3A_294 = arith.constant 4 : i32
      %mul3A_295 = arith.muli %add3A_210, %mul3A_294 : i32
      %add3A_296 = arith.constant 1 : i32
      %add3A_297 = arith.addi %mul3A_295, %add3A_296 : i32
      %mul3A_298 = arith.constant 112 : i32
      %mul3A_299 = arith.muli %add3A_297, %mul3A_298 : i32
      %add3A_300 = arith.constant 12544 : i32
      %add3A_301 = arith.addi %add3A_300, %mul3A_299 : i32
      %dma_wait3A_302 = tpu.memref_slice %arg7[%add3A_301] : memref<15680xi32, #tpu.memory_space<vmem>> -> memref<112xi32, #tpu.memory_space<vmem>>
      %dma_wait3A_303 = arith.constant 0 : i32
      %dma_wait3A_304 = arith.constant 0 : i32
      %dma_wait3A_305 = tpu.memref_slice %arg2[%dma_wait3A_303, %dma_wait3A_304] : memref<52048x128xf32, #tpu.memory_space<hbm>> -> memref<52048x128xf32, #tpu.memory_space<hbm>>
      tpu.wait_indirect_dma semaphore(%arg14 : memref<!tpu.dma_semaphore, #tpu.memory_space<semaphore_mem>>) src(%dma_wait3A_305 : memref<52048x128xf32, #tpu.memory_space<hbm>>) dst(%arg9 : memref<112x128xf32, #tpu.memory_space<vmem>>)
      %mul3A_306 = arith.constant 112 : i32
      %mul3A_307 = arith.muli %add3A_297, %mul3A_306 : i32
      %add3A_308 = arith.addi %mul3A_2, %mul3A_307 : i32
      %dma_start3A_309 = arith.constant 512 : i32
      %dma_start3A_310 = tpu.memref_slice %arg5[%add3A_308, %dma_start3A_309] : memref<100352x640xf32, #tpu.memory_space<hbm>> -> memref<112x128xf32, #tpu.memory_space<hbm>>
      %dma_start3A_311 = arith.constant 512 : i32
      %dma_start3A_312 = tpu.memref_slice %arg5[%add3A_308, %dma_start3A_311] : memref<100352x640xf32, #tpu.memory_space<hbm>> -> memref<112x128xf32, #tpu.memory_space<hbm>>
      tpu.enqueue_dma source(%arg9 : memref<112x128xf32, #tpu.memory_space<vmem>>) target(%dma_start3A_312 : memref<112x128xf32, #tpu.memory_space<hbm>>) target_semaphore(%arg18 : memref<!tpu.dma_semaphore, #tpu.memory_space<semaphore_mem>>)
      %mul3A_313 = arith.constant 4 : i32
      %mul3A_314 = arith.muli %add3A_210, %mul3A_313 : i32
      %add3A_315 = arith.constant 2 : i32
      %add3A_316 = arith.addi %mul3A_314, %add3A_315 : i32
      %mul3A_317 = arith.constant 112 : i32
      %mul3A_318 = arith.muli %add3A_316, %mul3A_317 : i32
      %add3A_319 = arith.constant 12544 : i32
      %add3A_320 = arith.addi %add3A_319, %mul3A_318 : i32
      %dma_wait3A_321 = tpu.memref_slice %arg7[%add3A_320] : memref<15680xi32, #tpu.memory_space<vmem>> -> memref<112xi32, #tpu.memory_space<vmem>>
      %dma_wait3A_322 = arith.constant 0 : i32
      %dma_wait3A_323 = arith.constant 0 : i32
      %dma_wait3A_324 = tpu.memref_slice %arg2[%dma_wait3A_322, %dma_wait3A_323] : memref<52048x128xf32, #tpu.memory_space<hbm>> -> memref<52048x128xf32, #tpu.memory_space<hbm>>
      tpu.wait_indirect_dma semaphore(%arg15 : memref<!tpu.dma_semaphore, #tpu.memory_space<semaphore_mem>>) src(%dma_wait3A_324 : memref<52048x128xf32, #tpu.memory_space<hbm>>) dst(%arg10 : memref<112x128xf32, #tpu.memory_space<vmem>>)
      %mul3A_325 = arith.constant 112 : i32
      %mul3A_326 = arith.muli %add3A_316, %mul3A_325 : i32
      %add3A_327 = arith.addi %mul3A_2, %mul3A_326 : i32
      %dma_start3A_328 = arith.constant 512 : i32
      %dma_start3A_329 = tpu.memref_slice %arg5[%add3A_327, %dma_start3A_328] : memref<100352x640xf32, #tpu.memory_space<hbm>> -> memref<112x128xf32, #tpu.memory_space<hbm>>
      %dma_start3A_330 = arith.constant 512 : i32
      %dma_start3A_331 = tpu.memref_slice %arg5[%add3A_327, %dma_start3A_330] : memref<100352x640xf32, #tpu.memory_space<hbm>> -> memref<112x128xf32, #tpu.memory_space<hbm>>
      tpu.enqueue_dma source(%arg10 : memref<112x128xf32, #tpu.memory_space<vmem>>) target(%dma_start3A_331 : memref<112x128xf32, #tpu.memory_space<hbm>>) target_semaphore(%arg19 : memref<!tpu.dma_semaphore, #tpu.memory_space<semaphore_mem>>)
      %mul3A_332 = arith.constant 4 : i32
      %mul3A_333 = arith.muli %add3A_210, %mul3A_332 : i32
      %add3A_334 = arith.constant 3 : i32
      %add3A_335 = arith.addi %mul3A_333, %add3A_334 : i32
      %mul3A_336 = arith.constant 112 : i32
      %mul3A_337 = arith.muli %add3A_335, %mul3A_336 : i32
      %add3A_338 = arith.constant 12544 : i32
      %add3A_339 = arith.addi %add3A_338, %mul3A_337 : i32
      %dma_wait3A_340 = tpu.memref_slice %arg7[%add3A_339] : memref<15680xi32, #tpu.memory_space<vmem>> -> memref<112xi32, #tpu.memory_space<vmem>>
      %dma_wait3A_341 = arith.constant 0 : i32
      %dma_wait3A_342 = arith.constant 0 : i32
      %dma_wait3A_343 = tpu.memref_slice %arg2[%dma_wait3A_341, %dma_wait3A_342] : memref<52048x128xf32, #tpu.memory_space<hbm>> -> memref<52048x128xf32, #tpu.memory_space<hbm>>
      tpu.wait_indirect_dma semaphore(%arg16 : memref<!tpu.dma_semaphore, #tpu.memory_space<semaphore_mem>>) src(%dma_wait3A_343 : memref<52048x128xf32, #tpu.memory_space<hbm>>) dst(%arg11 : memref<112x128xf32, #tpu.memory_space<vmem>>)
      %mul3A_344 = arith.constant 112 : i32
      %mul3A_345 = arith.muli %add3A_335, %mul3A_344 : i32
      %add3A_346 = arith.addi %mul3A_2, %mul3A_345 : i32
      %dma_start3A_347 = arith.constant 512 : i32
      %dma_start3A_348 = tpu.memref_slice %arg5[%add3A_346, %dma_start3A_347] : memref<100352x640xf32, #tpu.memory_space<hbm>> -> memref<112x128xf32, #tpu.memory_space<hbm>>
      %dma_start3A_349 = arith.constant 512 : i32
      %dma_start3A_350 = tpu.memref_slice %arg5[%add3A_346, %dma_start3A_349] : memref<100352x640xf32, #tpu.memory_space<hbm>> -> memref<112x128xf32, #tpu.memory_space<hbm>>
      tpu.enqueue_dma source(%arg11 : memref<112x128xf32, #tpu.memory_space<vmem>>) target(%dma_start3A_350 : memref<112x128xf32, #tpu.memory_space<hbm>>) target_semaphore(%arg20 : memref<!tpu.dma_semaphore, #tpu.memory_space<semaphore_mem>>)
    }
    %scan3A_181 = arith.constant 7 : i32
    %add3A_182 = arith.constant 2688 : i32
    %add3A_183 = arith.addi %mul3A_2, %add3A_182 : i32
    %dma_wait3A_184 = arith.constant 512 : i32
    %dma_wait3A_185 = tpu.memref_slice %arg5[%add3A_183, %dma_wait3A_184] : memref<100352x640xf32, #tpu.memory_space<hbm>> -> memref<112x128xf32, #tpu.memory_space<hbm>>
    %dma_wait3A_186 = arith.constant 512 : i32
    %dma_wait3A_187 = tpu.memref_slice %arg5[%add3A_183, %dma_wait3A_186] : memref<100352x640xf32, #tpu.memory_space<hbm>> -> memref<112x128xf32, #tpu.memory_space<hbm>>
    tpu.wait_dma2 semaphore(%arg17 : memref<!tpu.dma_semaphore, #tpu.memory_space<semaphore_mem>>) src(%arg8 : memref<112x128xf32, #tpu.memory_space<vmem>>) dst(%dma_wait3A_187 : memref<112x128xf32, #tpu.memory_space<hbm>>)
    %add3A_188 = arith.constant 2800 : i32
    %add3A_189 = arith.addi %mul3A_2, %add3A_188 : i32
    %dma_wait3A_190 = arith.constant 512 : i32
    %dma_wait3A_191 = tpu.memref_slice %arg5[%add3A_189, %dma_wait3A_190] : memref<100352x640xf32, #tpu.memory_space<hbm>> -> memref<112x128xf32, #tpu.memory_space<hbm>>
    %dma_wait3A_192 = arith.constant 512 : i32
    %dma_wait3A_193 = tpu.memref_slice %arg5[%add3A_189, %dma_wait3A_192] : memref<100352x640xf32, #tpu.memory_space<hbm>> -> memref<112x128xf32, #tpu.memory_space<hbm>>
    tpu.wait_dma2 semaphore(%arg18 : memref<!tpu.dma_semaphore, #tpu.memory_space<semaphore_mem>>) src(%arg9 : memref<112x128xf32, #tpu.memory_space<vmem>>) dst(%dma_wait3A_193 : memref<112x128xf32, #tpu.memory_space<hbm>>)
    %add3A_194 = arith.constant 2912 : i32
    %add3A_195 = arith.addi %mul3A_2, %add3A_194 : i32
    %dma_wait3A_196 = arith.constant 512 : i32
    %dma_wait3A_197 = tpu.memref_slice %arg5[%add3A_195, %dma_wait3A_196] : memref<100352x640xf32, #tpu.memory_space<hbm>> -> memref<112x128xf32, #tpu.memory_space<hbm>>
    %dma_wait3A_198 = arith.constant 512 : i32
    %dma_wait3A_199 = tpu.memref_slice %arg5[%add3A_195, %dma_wait3A_198] : memref<100352x640xf32, #tpu.memory_space<hbm>> -> memref<112x128xf32, #tpu.memory_space<hbm>>
    tpu.wait_dma2 semaphore(%arg19 : memref<!tpu.dma_semaphore, #tpu.memory_space<semaphore_mem>>) src(%arg10 : memref<112x128xf32, #tpu.memory_space<vmem>>) dst(%dma_wait3A_199 : memref<112x128xf32, #tpu.memory_space<hbm>>)
    %add3A_200 = arith.constant 3024 : i32
    %add3A_201 = arith.addi %mul3A_2, %add3A_200 : i32
    %dma_wait3A_202 = arith.constant 512 : i32
    %dma_wait3A_203 = tpu.memref_slice %arg5[%add3A_201, %dma_wait3A_202] : memref<100352x640xf32, #tpu.memory_space<hbm>> -> memref<112x128xf32, #tpu.memory_space<hbm>>
    %dma_wait3A_204 = arith.constant 512 : i32
    %dma_wait3A_205 = tpu.memref_slice %arg5[%add3A_201, %dma_wait3A_204] : memref<100352x640xf32, #tpu.memory_space<hbm>> -> memref<112x128xf32, #tpu.memory_space<hbm>>
    tpu.wait_dma2 semaphore(%arg20 : memref<!tpu.dma_semaphore, #tpu.memory_space<semaphore_mem>>) src(%arg11 : memref<112x128xf32, #tpu.memory_space<vmem>>) dst(%dma_wait3A_205 : memref<112x128xf32, #tpu.memory_space<hbm>>)
    return
  }
}

#map = affine_map<(d0, d1) -> (0)>
module attributes {stable_mosaic.version = 14 : i64} {
  func.func @_inv_body(%arg0: i32, %arg1: i32, %arg2: memref<50000xi32, #tpu.memory_space<hbm>>, %arg3: memref<100352xi32, #tpu.memory_space<hbm>>, %arg4: memref<10000xi32, #tpu.memory_space<vmem>>, %arg5: memref<3136xi32, #tpu.memory_space<vmem>>) attributes {dimension_semantics = [#tpu.dimension_semantics<core_parallel>, #tpu.dimension_semantics<subcore_parallel>], iteration_bounds = array<i64: 2, 16>, scalar_prefetch = 0 : i64, scratch_operands = 2 : i64, tpu.core_type = #tpu.core_type<sc_vector_subcore>, window_params = [{transform_indices = #map}, {transform_indices = #map}]} {
    %mul3A = arith.constant 2 : i32
    %mul3A_0 = arith.muli %arg1, %mul3A : i32
    %add3A = arith.addi %mul3A_0, %arg0 : i32
    %mul3A_1 = arith.constant 3136 : i32
    %mul3A_2 = arith.muli %add3A, %mul3A_1 : i32
    %scan3A = arith.constant 0 : i32
    %scan3A_3 = arith.constant 196 : i32
    %scan3A_4 = arith.addi %scan3A, %scan3A_3 : i32
    %scan3A_5 = arith.constant 1 : i32
    scf.for %scan3A_12 = %scan3A to %scan3A_4 step %scan3A_5  : i32 {
      %mul3A_13 = arith.constant 1 : i32
      %mul3A_14 = arith.muli %scan3A_12, %mul3A_13 : i32
      %add3A_15 = arith.constant 0 : i32
      %add3A_16 = arith.addi %add3A_15, %mul3A_14 : i32
      %mul3A_17 = arith.constant 16 : i32
      %mul3A_18 = arith.muli %add3A_16, %mul3A_17 : i32
      %add3A_19 = arith.addi %mul3A_2, %mul3A_18 : i32
      %iota3A = tpu.iota {dimensions = array<i32: 0>} : vector<16xi32>
      %add3A_20 = vector.broadcast %add3A_19 : i32 to vector<16xi32>
      %add3A_21 = arith.addi %add3A_20, %iota3A : vector<16xi32>
      %and3A = arith.constant 2047 : i32
      %and3A_22 = vector.broadcast %and3A : i32 to vector<16xi32>
      %and3A_23 = arith.andi %add3A_21, %and3A_22 : vector<16xi32>
      %add3A_24 = arith.constant 50000 : i32
      %add3A_25 = vector.broadcast %add3A_24 : i32 to vector<16xi32>
      %add3A_26 = arith.addi %add3A_25, %and3A_23 : vector<16xi32>
      %mul3A_27 = arith.constant 16 : i32
      %mul3A_28 = arith.muli %add3A_16, %mul3A_27 : i32
      %swap3A = arith.index_cast %mul3A_28 : i32 to index
      %swap3A_29 = tpu.vector_load %arg5[%swap3A] {strides = array<i32>} : memref<3136xi32, #tpu.memory_space<vmem>>, vector<16xi32>,
      tpu.vector_store %arg5[%swap3A], %add3A_26 {strides = array<i32>} : memref<3136xi32, #tpu.memory_space<vmem>>, vector<16xi32>,
    }
    %scan3A_6 = arith.constant 196 : i32
    %scan3A_7 = arith.constant 0 : i32
    %scan3A_8 = arith.constant 5 : i32
    %scan3A_9 = arith.addi %scan3A_7, %scan3A_8 : i32
    %scan3A_10 = arith.constant 1 : i32
    scf.for %scan3A_12 = %scan3A_7 to %scan3A_9 step %scan3A_10  : i32 {
      %mul3A_13 = arith.constant 1 : i32
      %mul3A_14 = arith.muli %scan3A_12, %mul3A_13 : i32
      %add3A_15 = arith.constant 0 : i32
      %add3A_16 = arith.addi %add3A_15, %mul3A_14 : i32
      %mul3A_17 = arith.constant 10000 : i32
      %mul3A_18 = arith.muli %add3A_16, %mul3A_17 : i32
      "tpu.region"() ({
        %run_scoped3A = tpu.sem_alloc : memref<!tpu.dma_semaphore, #tpu.memory_space<semaphore_mem>>
        %dma_start3A = tpu.memref_slice %arg2[%mul3A_18] : memref<50000xi32, #tpu.memory_space<hbm>> -> memref<10000xi32, #tpu.memory_space<hbm>>
        %dma_start3A_24 = tpu.memref_slice %arg2[%mul3A_18] : memref<50000xi32, #tpu.memory_space<hbm>> -> memref<10000xi32, #tpu.memory_space<hbm>>
        tpu.enqueue_dma source(%dma_start3A_24 : memref<10000xi32, #tpu.memory_space<hbm>>) target(%arg4 : memref<10000xi32, #tpu.memory_space<vmem>>) target_semaphore(%run_scoped3A : memref<!tpu.dma_semaphore, #tpu.memory_space<semaphore_mem>>)
        %dma_wait3A = tpu.memref_slice %arg2[%mul3A_18] : memref<50000xi32, #tpu.memory_space<hbm>> -> memref<10000xi32, #tpu.memory_space<hbm>>
        %dma_wait3A_25 = tpu.memref_slice %arg2[%mul3A_18] : memref<50000xi32, #tpu.memory_space<hbm>> -> memref<10000xi32, #tpu.memory_space<hbm>>
        tpu.wait_dma2 semaphore(%run_scoped3A : memref<!tpu.dma_semaphore, #tpu.memory_space<semaphore_mem>>) src(%dma_wait3A_25 : memref<10000xi32, #tpu.memory_space<hbm>>) dst(%arg4 : memref<10000xi32, #tpu.memory_space<vmem>>)
        tpu.yield
      }) : () -> ()
      %scan3A_19 = arith.constant 0 : i32
      %scan3A_20 = arith.constant 625 : i32
      %scan3A_21 = arith.addi %scan3A_19, %scan3A_20 : i32
      %scan3A_22 = arith.constant 1 : i32
      scf.for %scan3A_24 = %scan3A_19 to %scan3A_21 step %scan3A_22  : i32 {
        %mul3A_25 = arith.constant 1 : i32
        %mul3A_26 = arith.muli %scan3A_24, %mul3A_25 : i32
        %add3A_27 = arith.constant 0 : i32
        %add3A_28 = arith.addi %add3A_27, %mul3A_26 : i32
        %mul3A_29 = arith.constant 16 : i32
        %mul3A_30 = arith.muli %add3A_28, %mul3A_29 : i32
        %get3A = arith.index_cast %mul3A_30 : i32 to index
        %get3A_31 = tpu.vector_load %arg4[%get3A] {strides = array<i32>} : memref<10000xi32, #tpu.memory_space<vmem>>, vector<16xi32>,
        %mul3A_32 = arith.constant 10000 : i32
        %mul3A_33 = arith.muli %add3A_16, %mul3A_32 : i32
        %mul3A_34 = arith.constant 16 : i32
        %mul3A_35 = arith.muli %add3A_28, %mul3A_34 : i32
        %add3A_36 = arith.addi %mul3A_33, %mul3A_35 : i32
        %iota3A = tpu.iota {dimensions = array<i32: 0>} : vector<16xi32>
        %add3A_37 = vector.broadcast %add3A_36 : i32 to vector<16xi32>
        %add3A_38 = arith.addi %add3A_37, %iota3A : vector<16xi32>
        %ge3A = vector.broadcast %mul3A_2 : i32 to vector<16xi32>
        %ge3A_39 = arith.cmpi sge, %get3A_31, %ge3A : vector<16xi32>
        %add3A_40 = arith.constant 3136 : i32
        %add3A_41 = arith.addi %mul3A_2, %add3A_40 : i32
        %lt3A = vector.broadcast %add3A_41 : i32 to vector<16xi32>
        %lt3A_42 = arith.cmpi slt, %get3A_31, %lt3A : vector<16xi32>
        %and3A = arith.andi %ge3A_39, %lt3A_42 : vector<16xi1>
        %sub3A = vector.broadcast %mul3A_2 : i32 to vector<16xi32>
        %sub3A_43 = arith.subi %get3A_31, %sub3A : vector<16xi32>
        tpu.vector_store_idx %arg5[%sub3A_43], %add3A_38 masked %and3A : memref<3136xi32, #tpu.memory_space<vmem>>[vector<16xi32>], vector<16xi32>, vector<16xi1>
      }
      %scan3A_23 = arith.constant 625 : i32
    }
    %scan3A_11 = arith.constant 5 : i32
    "tpu.region"() ({
      %run_scoped3A = tpu.sem_alloc : memref<!tpu.dma_semaphore, #tpu.memory_space<semaphore_mem>>
      %dma_start3A = tpu.memref_slice %arg3[%mul3A_2] : memref<100352xi32, #tpu.memory_space<hbm>> -> memref<3136xi32, #tpu.memory_space<hbm>>
      %dma_start3A_12 = tpu.memref_slice %arg3[%mul3A_2] : memref<100352xi32, #tpu.memory_space<hbm>> -> memref<3136xi32, #tpu.memory_space<hbm>>
      tpu.enqueue_dma source(%arg5 : memref<3136xi32, #tpu.memory_space<vmem>>) target(%dma_start3A_12 : memref<3136xi32, #tpu.memory_space<hbm>>) target_semaphore(%run_scoped3A : memref<!tpu.dma_semaphore, #tpu.memory_space<semaphore_mem>>)
      %dma_wait3A = tpu.memref_slice %arg3[%mul3A_2] : memref<100352xi32, #tpu.memory_space<hbm>> -> memref<3136xi32, #tpu.memory_space<hbm>>
      %dma_wait3A_13 = tpu.memref_slice %arg3[%mul3A_2] : memref<100352xi32, #tpu.memory_space<hbm>> -> memref<3136xi32, #tpu.memory_space<hbm>>
      tpu.wait_dma2 semaphore(%run_scoped3A : memref<!tpu.dma_semaphore, #tpu.memory_space<semaphore_mem>>) src(%arg5 : memref<3136xi32, #tpu.memory_space<vmem>>) dst(%dma_wait3A_13 : memref<3136xi32, #tpu.memory_space<hbm>>)
      tpu.yield
    }) : () -> ()
    return
  }
}

module attributes {stable_mosaic.version = 14 : i64} {
  func.func @_mlp_body(%arg0: i32, %arg1: memref<1000x640xf32, #tpu.memory_space<vmem>>, %arg2: memref<640x128xbf16, #tpu.memory_space<vmem>>, %arg3: memref<1x128xf32, #tpu.memory_space<vmem>>, %arg4: memref<128x128xbf16, #tpu.memory_space<vmem>>, %arg5: memref<1x128xf32, #tpu.memory_space<vmem>>, %arg6: memref<1000x128xf32, #tpu.memory_space<vmem>>) attributes {dimension_semantics = [#tpu.dimension_semantics<arbitrary>], iteration_bounds = array<i64: 100>, scalar_prefetch = 0 : i64, scratch_operands = 0 : i64, tpu.core_type = #tpu.core_type<tc>, window_params = [{transform_indices = @transform_0, window_bounds = array<i64: 1000, 640>}, {pipeline_mode = #tpu.pipeline_mode<synchronous>, transform_indices = @transform_1, window_bounds = array<i64: 640, 128>}, {pipeline_mode = #tpu.pipeline_mode<synchronous>, transform_indices = @transform_2, window_bounds = array<i64: 1, 128>}, {pipeline_mode = #tpu.pipeline_mode<synchronous>, transform_indices = @transform_3, window_bounds = array<i64: 128, 128>}, {pipeline_mode = #tpu.pipeline_mode<synchronous>, transform_indices = @transform_4, window_bounds = array<i64: 1, 128>}, {transform_indices = @transform_5, window_bounds = array<i64: 1000, 128>}]} {
    %get3A = arith.constant 0 : index
    %get3A_0 = arith.constant 0 : index
    %get3A_1 = vector.load %arg1[%get3A, %get3A_0] : memref<1000x640xf32, #tpu.memory_space<vmem>>, vector<1000x640xf32>
    %convert_element_type3A = arith.truncf %get3A_1 : vector<1000x640xf32> to vector<1000x640xbf16>
    %get3A_2 = arith.constant 0 : index
    %get3A_3 = arith.constant 0 : index
    %get3A_4 = vector.load %arg2[%get3A_2, %get3A_3] : memref<640x128xbf16, #tpu.memory_space<vmem>>, vector<640x128xbf16>
    %dot_general3A = arith.constant dense<0.000000e+00> : vector<1000x128xf32>
    %dot_general3A_5 = tpu.matmul %convert_element_type3A, %get3A_4, %dot_general3A {dimension_numbers = #tpu.dot_dimension_numbers<[1], [0], [0], [1], [0, 0, 1, 1], [], []>, transpose_lhs_hint = false} : vector<1000x640xbf16>, vector<640x128xbf16>, vector<1000x128xf32> -> vector<1000x128xf32>
    %get3A_6 = arith.constant 0 : index
    %get3A_7 = arith.constant 0 : index
    %get3A_8 = vector.load %arg3[%get3A_6, %get3A_7] : memref<1x128xf32, #tpu.memory_space<vmem>>, vector<1x128xf32>
    %add3A = vector.broadcast %get3A_8 : vector<1x128xf32> to vector<1000x128xf32>
    %add3A_9 = arith.addf %dot_general3A_5, %add3A : vector<1000x128xf32>
    %max3A = arith.constant 0.000000e+00 : f32
    %max3A_10 = vector.broadcast %max3A : f32 to vector<1000x128xf32>
    %max3A_11 = arith.maximumf %add3A_9, %max3A_10 : vector<1000x128xf32>
    %convert_element_type3A_12 = arith.truncf %max3A_11 : vector<1000x128xf32> to vector<1000x128xbf16>
    %get3A_13 = arith.constant 0 : index
    %get3A_14 = arith.constant 0 : index
    %get3A_15 = vector.load %arg4[%get3A_13, %get3A_14] : memref<128x128xbf16, #tpu.memory_space<vmem>>, vector<128x128xbf16>
    %dot_general3A_16 = arith.constant dense<0.000000e+00> : vector<1000x128xf32>
    %dot_general3A_17 = tpu.matmul %convert_element_type3A_12, %get3A_15, %dot_general3A_16 {dimension_numbers = #tpu.dot_dimension_numbers<[1], [0], [0], [1], [0, 0, 1, 1], [], []>, transpose_lhs_hint = false} : vector<1000x128xbf16>, vector<128x128xbf16>, vector<1000x128xf32> -> vector<1000x128xf32>
    %get3A_18 = arith.constant 0 : index
    %get3A_19 = arith.constant 0 : index
    %get3A_20 = vector.load %arg5[%get3A_18, %get3A_19] : memref<1x128xf32, #tpu.memory_space<vmem>>, vector<1x128xf32>
    %add3A_21 = vector.broadcast %get3A_20 : vector<1x128xf32> to vector<1000x128xf32>
    %add3A_22 = arith.addf %dot_general3A_17, %add3A_21 : vector<1000x128xf32>
    %swap3A = arith.constant 0 : index
    %swap3A_23 = arith.constant 0 : index
    %swap3A_24 = vector.load %arg6[%swap3A, %swap3A_23] : memref<1000x128xf32, #tpu.memory_space<vmem>>, vector<1000x128xf32>
    tpu.vector_store %arg6[%swap3A, %swap3A_23], %add3A_22 {strides = array<i32>} : memref<1000x128xf32, #tpu.memory_space<vmem>>, vector<1000x128xf32>,
    return
  }
  func.func @transform_0(%arg0: i32) -> (i32, i32) {
    %c0_i32 = arith.constant 0 : i32
    %c0_i32_0 = arith.constant 0 : i32
    return %arg0, %c0_i32 : i32, i32
  }
  func.func @transform_1(%arg0: i32) -> (i32, i32) {
    %c0_i32 = arith.constant 0 : i32
    %c0_i32_0 = arith.constant 0 : i32
    %c0_i32_1 = arith.constant 0 : i32
    return %c0_i32, %c0_i32_0 : i32, i32
  }
  func.func @transform_2(%arg0: i32) -> (i32, i32) {
    %c0_i32 = arith.constant 0 : i32
    %c0_i32_0 = arith.constant 0 : i32
    %c0_i32_1 = arith.constant 0 : i32
    return %c0_i32, %c0_i32_0 : i32, i32
  }
  func.func @transform_3(%arg0: i32) -> (i32, i32) {
    %c0_i32 = arith.constant 0 : i32
    %c0_i32_0 = arith.constant 0 : i32
    %c0_i32_1 = arith.constant 0 : i32
    return %c0_i32, %c0_i32_0 : i32, i32
  }
  func.func @transform_4(%arg0: i32) -> (i32, i32) {
    %c0_i32 = arith.constant 0 : i32
    %c0_i32_0 = arith.constant 0 : i32
    %c0_i32_1 = arith.constant 0 : i32
    return %c0_i32, %c0_i32_0 : i32, i32
  }
  func.func @transform_5(%arg0: i32) -> (i32, i32) {
    %c0_i32 = arith.constant 0 : i32
    %c0_i32_0 = arith.constant 0 : i32
    return %arg0, %c0_i32 : i32, i32
  }
}

</mosaic_0001>

<sc_bundles>
// kernel: kernel.5.cloned.1.call-start
scs
__scs_entry_jumppad:
0x0: {  	(pc) =	sbr.rel $0x88, $3  }
0x1: {  	(tag) =	ssettag $0x0;
	lr =	simm.s32 $0x1  }
0x2: {  	[smem:$0x3F9A] =	sst lr;
	_ =	strace $0xD0000000  }
0x3: {  	_ = 	snop  }
0x4: {  	_ = 	snop  }
0x5: {  	_ = 	snop  }
0x6: {  	_ = 	snop  }
0x7: {  	_ = 	snop  }
__scs_overlays_trampoline_lowered:
0x8: {  	[smem:$0x3FA9] =	sst s0  }
0x9: {  	[smem:$0x3FAA] =	sst s1  }
0xa: {  	[smem:$0x3FAB] =	sst s2  }
0xb: {  	[smem:$0x3FAC] =	sst s3  }
0xc: {  	[smem:$0x3FAD] =	sst s4  }
0xd: {  	[smem:$0x3FAE] =	sst s5  }
0xe: {  	[smem:$0x3FAF] =	sst s6  }
0xf: {  	[smem:$0x3FB0] =	sst s7  }
0x10: {  	[smem:$0x3FB1] =	sst s8  }
0x11: {  	[smem:$0x3FB2] =	sst s9;
	s0 =	simm.s32 @!p0 $0x0  }
0x12: {  	s1 =	sld [smem:$0x3F98];
	s0 =	simm.s32 @p0 $0x1  }
0x13: {  	[smem:$0x3FB3] =	sst s0;
	s0 =	simm.s32 @!p1 $0x0  }
0x14: {  	s2 =	sld [smem:$0x3F97];
	s0 =	simm.s32 @p1 $0x1  }
0x15: {  	[smem:$0x3FB4] =	sst s0;
	s0 =	simm.s32 @!p2 $0x0  }
0x16: {  	s3 =	sld [smem:$0x3FDB];
	s0 =	simm.s32 @p2 $0x1  }
0x17: {  	s4 =	simm.s32 $0x1BF5;
	[smem:$0x3FB6] =	sst s0  }
0x18: {  	s0 =	sld [smem:$0x3F99];
	_ =	swait.ge [sflag:s4], $0x0  }
0x19: {  	s7 =	sld [smem:$0x3F9A]  }
0x1a: {  	s8 =	sadd.s32 $0xFFFFE003, lr  }
0x1b: {  	s9 =	sadd.s32 $0xFFFFFEF7, lr;
	s5 =	simm.s32 $0xFFFFFFFF;
	p2 =	slt.u32 s8, $0xFFFFF086  }
0x1c: {  	p1 =	slt.u32 s9, $0xF7A;
	s5 =	simm.s32 @!p2 $0x0  }
0x1d: {  	s5 =	simm.s32 @p1 $0x1;
	p0 =	seq.s32 s7, s2  }
0x1e: {  	s7 =	smul.u32 @!p0 $0xF7A, s2;
	p2 =	seq.s32 @!p0 s5, $0x0  }
0x1f: {  	s9 =	smul.u32 $0xF7A, s1;
	s8 =	simm.s32 @!p0 $0x1BF5;
	p2 =	por !p2, p0  }
0x20: {  	[sflag:s8] =	ssyncset.s32 @!p0 $0xFFFFF086;
	s6 =	sadd.s32 @!p0 s3, s7;
	s7 =	simm.s32 @!p0 $0x108  }
0x21: {  	s3 =	sadd.s32 s3, s9;
	s6 =	sadd.s32 @!p0 $0x88, s6;
	s7 =	simm.s32 @p2 $0x1082  }
0x22: {  	[simem:s7], [sflag:s8] =	dma.local @!p0 [hbm:s6], $0xF7A  }
0x23: {  	s9 =	sor.u32 $0xD0000000, s2;
	s6 =	simm.s32 $0x108;
	_ =	swait.ge @!p0 [sflag:s8], $0x0  }
0x24: {  	s3 =	sadd.s32 $0x88, s3;
	s6 =	simm.s32 @!p1 $0x1082;
	[sflag:s4] =	ssyncset.s32 $0xFFFFF086  }
0x25: {  	[simem:s6], [sflag:s4] =	dma.local [hbm:s3], $0xF7A  }
0x26: {  	[smem:$0x3F9A] =	sst s1;
	(tag) =	ssettag s2;
	_ =	strace s9  }
0x27: {  	s1 =	sld [smem:$0x3FAA]  }
0x28: {  	s2 =	sld [smem:$0x3FAB]  }
0x29: {  	s4 =	sld [smem:$0x3FAD]  }
0x2a: {  	p0 =	seq.s32 s5, $0x0;
	s5 =	sld [smem:$0x3FAE]  }
0x2b: {  	s6 =	sld [smem:$0x3FAF]  }
0x2c: {  	s7 =	sld [smem:$0x3FB0]  }
0x2d: {  	s3 =	simm.s32 $0x108;
	s8 =	sld [smem:$0x3FB1]  }
0x2e: {  	s3 =	simm.s32 @!p0 $0x1082;
	s9 =	sld [smem:$0x3FB2]  }
0x2f: {  	lr =	sadd.s32 s0, s3;
	s0 =	sld [smem:$0x3FA9]  }
0x30: {  	s3 =	sld [smem:$0x3FAC]  }
0x31: {  	[smem:$0x3FB5] =	sst s10  }
0x32: {  	s10 =	sld [smem:$0x3FB3];
	_ =	sdelay $0x3  }
0x33: {  	p0 =	seq.s32 s10, $0x1;
	s10 =	sld [smem:$0x3FB5];
	_ =	sdelay $0x3  }
0x34: {  	[smem:$0x3FB5] =	sst s10  }
0x35: {  	s10 =	sld [smem:$0x3FB4];
	_ =	sdelay $0x3  }
0x36: {  	p1 =	seq.s32 s10, $0x1;
	s10 =	sld [smem:$0x3FB5];
	_ =	sdelay $0x3  }
0x37: {  	[smem:$0x3FB5] =	sst s10  }
0x38: {  	s10 =	sld [smem:$0x3FB6]  }
0x39: {  	_ = 	snop;
	(pc) =	sbr.ind lr, $3  }
0x3a: {  	_ = 	snop  }
0x3b: {  	_ = 	snop  }
0x3c: {  	p2 =	seq.s32 s10, $0x1;
	s10 =	sld [smem:$0x3FB5]  }
0x3d: {  	_ =	shalt  }
0x3e: {  	_ =	shalt  }
0x3f: {  	_ =	shalt  }
0x40: {  	_ =	shalt  }
0x41: {  	_ =	shalt  }
0x42: {  	_ =	shalt  }
0x43: {  	_ =	shalt  }
0x44: {  	_ =	shalt  }
0x45: {  	_ =	shalt  }
0x46: {  	_ =	shalt  }
0x47: {  	_ =	shalt  }
0x48: {  	_ =	shalt  }
0x49: {  	_ =	shalt  }
0x4a: {  	_ =	shalt  }
0x4b: {  	_ =	shalt  }
0x4c: {  	_ =	shalt  }
0x4d: {  	_ =	shalt  }
0x4e: {  	_ =	shalt  }
0x4f: {  	_ =	shalt  }
0x50: {  	_ =	shalt  }
0x51: {  	_ =	shalt  }
0x52: {  	_ =	shalt  }
0x53: {  	_ =	shalt  }
0x54: {  	_ =	shalt  }
0x55: {  	_ =	shalt  }
0x56: {  	_ =	shalt  }
0x57: {  	_ =	shalt  }
0x58: {  	_ =	shalt  }
0x59: {  	_ =	shalt  }
0x5a: {  	_ =	shalt  }
0x5b: {  	_ =	shalt  }
0x5c: {  	_ =	shalt  }
0x5d: {  	_ =	shalt  }
0x5e: {  	_ =	shalt  }
0x5f: {  	_ =	shalt  }
0x60: {  	_ =	shalt  }
0x61: {  	_ =	shalt  }
0x62: {  	_ =	shalt  }
0x63: {  	_ =	shalt  }
0x64: {  	_ =	shalt  }
0x65: {  	_ =	shalt  }
0x66: {  	_ =	shalt  }
0x67: {  	_ =	shalt  }
0x68: {  	_ =	shalt  }
0x69: {  	_ =	shalt  }
0x6a: {  	_ =	shalt  }
0x6b: {  	_ =	shalt  }
0x6c: {  	_ =	shalt  }
0x6d: {  	_ =	shalt  }
0x6e: {  	_ =	shalt  }
0x6f: {  	_ =	shalt  }
0x70: {  	_ =	shalt  }
0x71: {  	_ =	shalt  }
0x72: {  	_ =	shalt  }
0x73: {  	_ =	shalt  }
0x74: {  	_ =	shalt  }
0x75: {  	_ =	shalt  }
0x76: {  	_ =	shalt  }
0x77: {  	_ =	shalt  }
0x78: {  	_ =	shalt  }
0x79: {  	_ =	shalt  }
0x7a: {  	_ =	shalt  }
0x7b: {  	_ =	shalt  }
0x7c: {  	_ =	shalt  }
0x7d: {  	_ =	shalt  }
0x7e: {  	_ =	shalt  }
0x7f: {  	_ =	shalt  }
0x80: {  	_ =	shalt  }
0x81: {  	_ =	shalt  }
0x82: {  	_ =	shalt  }
0x83: {  	_ =	shalt  }
0x84: {  	_ =	shalt  }
0x85: {  	_ =	shalt  }
0x86: {  	_ =	shalt  }
0x87: {  	_ =	shalt  }
.Lfunc_end0:
.L_simem_size_0:
called_computation_lowered:
.L_overlay_start_0:
0x88: {  	s2 =	sld [smem:$0x3FD9]  }
0x89: {  	s3 =	sld [smem:$0x3FFE];
	_ =	sdelay $0x1  }
0x8a: {  	s1 =	srdreg.scid  }
0x8b: {  	s0 =	sand.u32 $0x1, s1  }
0x8c: {  	s17 =	sshll.u32 s0, $0xA;
	s2 =	sadd.s32 s3, s2  }
0x8d: {  	s2 =	sadd.s32 s2, s17  }
0x8e: {  	[smem:$0x3FC1] =	sst s2  }
0x8f: {  	_ = 	snop  }
0x90: {  	s2 =	sld [smem:$0x3FC8];
	(tm) =	ssettm $0x1  }
0x91: {  	s18 =	sld [smem:$0x3FFB];
	_ =	sdelay $0x3  }
0x92: {  	_ =	strace s18  }
0x93: {  	s3 =	sld [smem:$0x3FFC];
	_ =	sdelay $0x3  }
0x94: {  	_ =	strace s3  }
0x95: {  	s3 =	sld [smem:$0x3FFD];
	_ =	sdelay $0x3  }
0x96: {  	_ =	strace s3  }
0x97: {  	_ =	strace $0x8FFFFFFF  }
0x98: {  	s19 =	sld [smem:$0x3FDB];
	_ =	sdelay $0x1  }
0x99: {  	s4 =	simm.s32 $_scs_section_size  }
0x9a: {  	s5 =	simm.s32 $_size__tile_overlayer_lowered;
	s6 =	simm.s32 $_tile_overlayer_lowered  }
0x9b: {  	s22 =	simm.s32 $0x1BFF;
	s21 =	sshll.u32 s6, $0x1;
	s3 =	sadd.s32 s4, s19  }
0x9c: {  	s7 =	simm.s32 $0x0;
	s20 =	sshll.u32 s5, $0x1;
	s5 =	sadd.s32 s21, s3  }
0x9d: {  	[timem:s7], [sflag:s22] =	dma.local [hbm:s5], s20  }
0x9e: {  	_ =	swait.ge [sflag:s22], s20  }
0x9f: {  	s4 =	ssub.s32 $0x0, s20;
	[sflag:s22] =	ssyncset.done $0x0  }
0xa0: {  	[sflag:s22] =	ssyncadd.s32 s4;
	_ =	sdelay $0x1  }
0xa1: {  	s23 =	simm.s32 $0x1B8B  }
0xa2: {  	_ =	swait.ge [sflag:s23], $0x1  }
0xa3: {  	[sflag:s23] =	ssyncset.done $0x0  }
0xa4: {  	s25 =	simm.s32 $0x1B8E;
	s24 =	sld [smem:$0x3FFE];
	[sflag:s23] =	ssyncadd.s32 $0xFFFFFFFF  }
0xa5: {  	s26 =	simm.s32 $execute0_lowered;
	[smem:$0x3FD2] =	sst s25  }
0xa6: {  	s5 =	sshll.u32 s26, $0x1;
	_ =	strace $0x80000046;
	[dreg:$0x1] =	wrdreg $0xFFFFFFFF  }
0xa7: {  	s28 =	simm.s32 $_size_execute0_lowered;
	s3 =	sadd.s32 s3, s5;
	[dreg:$0x0] =	wrdreg $0x0  }
0xa8: {  	s5 =	sshll.u32 s28, $0x1;
	[dreg:$0x2] =	wrdreg s3  }
0xa9: {  	[dreg:$0x3] =	wrdreg s5  }
0xaa: {  	[dreg:$0x4] =	wrdreg $0xC0  }
0xab: {  	_ =	task [dreg:s7], $0x5FFFF  }
0xac: {  	[dreg:$0x1] =	wrdreg $0xFFFFFFFF  }
0xad: {  	[dreg:$0x0] =	wrdreg $0x60  }
0xae: {  	[dreg:$0x2] =	wrdreg s2  }
0xaf: {  	[dreg:$0x3] =	wrdreg s24  }
0xb0: {  	[dreg:$0x4] =	wrdreg $0x9  }
0xb1: {  	_ =	task.clear_ibuf [dreg:s7], $0x5FFFF;
	_ =	strace $0x90000046  }
0xb2: {  	s29 =	simm.s32 $0x9;
	_ =	strace $0x80000048  }
0xb3: {  	_ =	swait.ge [sflag:s29], $0x1  }
0xb4: {  	[sflag:s29] =	ssyncadd.s32 $0xFFFFFFFF  }
0xb5: {  	_ =	strace $0x90000048  }
0xb6: {  	_ =	sfence  }
0xb7: {  	s30 =	sld [smem:$0x0];
	_ =	sdelay $0x2  }
0xb8: {  	s31 =	sshll.u32 s1, $0xD;
	s1 =	sshrl.u32 s1, $0x2  }
0xb9: {  	s3 =	sand.u32 $0x4000, s31;
	s1 =	sadd.s32 s1, s30  }
0xba: {  	s0 =	sor.u32 s3, s0;
	s1 =	sshll.u32 s1, $0x11  }
0xbb: {  	s0 =	sor.u32 s1, s0  }
0xbc: {  	s0 =	sadd.s32 $0x8F2B, s0  }
0xbd: {  	[sflag:s0] =	ssyncadd.remote.s32 $0x1  }
0xbe: {  	_ =	sfence.sel $0xFFFF  }
0xbf: {  	[dreg:$0x0] =	wrdreg $0xFFFFFFFF;
	(pc) =	sbr.abs _section_cstart, $3  }
0xc0: {  	[dreg:$0x1] =	wrdreg $0xFFFFFFFF  }
0xc1: {  	_ =	task.clear_ibuf [dreg:s7], $0x2FFFF;
	_ =	strace $0x9FFFFFFF  }
0xc2: {  	(tm) =	ssettm $0x7FFFFFFF  }
0xc3: {  	_ =	shalt  }
tec
execute0_lowered:
.L_overlay_start_1:
0x0: {  	(tag) =	ssettag $0x1  }
0x1: {  	s1 =	srdreg.scid;
	s0 =	stileid.u32  }
0x2: {  	s2 =	rddreg [dreg:$0x0];
	s4 =	sand.u32 $0x1, s1;
	s29 =	sshll.u32 s0, $0x1  }
0x3: {  	s5 =	rddreg [dreg:$0x1];
	s9 =	smul.u32 $0x1880, s0;
	s6 =	sor.u32 s4, s29  }
0x4: {  	s3 =	simm.s32 $0x0;
	s1 =	rddreg [dreg:$0x2];
	s7 =	smul.u32 $0xC40, s6  }
0x5: {  	[smem:$0x7FF] =	sst s3;
	s8 =	ssub.s32 $0x2, s4;
	s10 =	smul.u32 $0xC40, s4  }
0x6: {  	_ =	strace $0x80000047;
	s30 =	sshrl.u32 s8, $0x1;
	s6 =	sshrl.u32 s7, $0x3  }
0x7: {  	s31 =	sadd.s32 $0xC40, s7;
	v0 =	vmov s7;
	s7 =	simm.s32 $0x1;
	s5 =	sadd.s32 s6, s5  }
0x8: {  	s6 =	ssub.s32 s8, s30;
	s8 =	simm.s32 $0x2780;
	s4 =	sadd.s32 $0x2A00, s5  }
0x9: {  	v2 =	vlaneseq.u32;
	v1 =	vmov s31;
	s5 =	smax.u32 s6, $0x1;
	s6 =	sadd.s32 s10, s9;
	s9 =	simm.s32 $0x0  }
.LBB2_1:
0xa: {  	v3 =	vor.u32 s6, v2  }
0xb: {  	v3 =	vand.u32 $0x7FF, v3  }
0xc: {  	s11 =	simm.s32 $0x40;
	s13 =	simm.s32 $0x0;
	s12 =	smov.u32 s6;
	v3 =	vadd.s32 $0xC350, v3  }
.LBB2_2:
0xd: {  	p0 =	sne.s32 s11, $0x30C0  }
0xe: {  	[tilespmem:s13+$0x2780] =	vst v3;
	s12 =	sadd.s32 $0x10, s12;
	s10 =	smov.u32 s11;
	s11 =	sadd.s32 $0x40, s11  }
.Ltmp0:
0xf: {  	(pc) =	sbr.rel @p0 .LBB2_2-.Ltmp0, $4  }
0x10: {  	_ = 	snop  }
0x11: {  	v3 =	vor.u32 s12, v2  }
0x12: {  	v3 =	vand.u32 $0x7FF, v3  }
0x13: {  	s13 =	sshra.s32 s10, $0x2;
	s10 =	simm.s32 $0x0;
	v3 =	vadd.s32 $0xC350, v3  }
0x14: {  	[tilespmem:s13+$0x2780] =	vst v3;
	s11 =	simm.s32 $0x0;
	s12 =	simm.s32 $0x0  }
.LBB2_4:
0x15: {  	s13 =	smul.u32 $0x2710, s12;
	_ =	sdelay $0x1  }
0x16: {  	s13 =	sshrl.u32 s13, $0x3  }
0x17: {  	s13 =	sadd.s32 s2, s13  }
0x18: {  	[tilespmem:s10], [sflag:$0x1] =	stream.linear.gather [hbm4b:s13+s10], $0x2710, $0x38;
	[tilespmem:$0x3400] =	vst v63  }
0x19: {  	_ =	swait.ge [sflag:s7], $0x2710  }
0x1a: {  	[sflag:s7] =	ssyncset.done $0x0  }
0x1b: {  	s31 =	simm.s32 $0x0;
	[sflag:s7] =	ssyncadd.s32 $0xFFFFD8F0  }
0x1c: {  	v3 =	vld [tilespmem:s31+$0x0];
	_ =	sdelay $0x4  }
0x1d: {  	vm0 =	vge.s32 v3, v0;
	vm1 =	vlt.s32 v3, v1  }
0x1e: {  	vm0 =	vmand vm0, vm1  }
0x1f: {  	v3 =	vsub.s32 v3, v0;
	_ =	sdelay $0x3  }
0x20: {  	v4 =	vor.u32 s11, v2  }
0x21: {  	s15 =	simm.s32 $0x10;
	s14 =	simm.s32 $0x80;
	s13 =	smov.u32 s11;
	[tilespmem:v3+s8+$0x0] =	vst.idx.msk vm0, v4  }
.LBB2_5:
0x22: {  	p0 =	sne.s32 s14, $0x9C00;
	v3 =	vld [tilespmem:s15+$0x0];
	_ =	sdelay $0x4  }
0x23: {  	vm0 =	vge.s32 v3, v0;
	vm1 =	vlt.s32 v3, v1  }
0x24: {  	vm0 =	vmand vm0, vm1  }
0x25: {  	v3 =	vsub.s32 v3, v0  }
.Ltmp1:
0x26: {  	(pc) =	sbr.rel @p0 .LBB2_5-.Ltmp1, $4  }
0x27: {  	_ = 	snop  }
0x28: {  	s13 =	sadd.s32 $0x10, s13  }
0x29: {  	v4 =	vor.u32 s13, v2  }
0x2a: {  	s15 =	sshra.s32 s14, $0x2;
	s14 =	sadd.s32 $0x40, s14;
	[tilespmem:v3+s8+$0x0] =	vst.idx.msk vm0, v4  }
0x2b: {  	v3 =	vld [tilespmem:s15+$0x0];
	_ =	sdelay $0x4  }
0x2c: {  	vm0 =	vge.s32 v3, v0;
	vm1 =	vlt.s32 v3, v1  }
0x2d: {  	s12 =	sadd.s32 $0x1, s12;
	vm0 =	vmand vm0, vm1  }
0x2e: {  	p0 =	sne.s32 s12, $0x5;
	v3 =	vsub.s32 v3, v0  }
.Ltmp2:
0x2f: {  	_ = 	snop;
	(pc) =	sbr.rel @p0 .LBB2_4-.Ltmp2, $4  }
0x30: {  	_ = 	snop  }
0x31: {  	s13 =	sadd.s32 $0x10, s13  }
0x32: {  	v4 =	vor.u32 s13, v2  }
0x33: {  	s11 =	sadd.s32 $0x2710, s11;
	[tilespmem:v3+s8+$0x0] =	vst.idx.msk vm0, v4  }
0x34: {  	s9 =	sadd.s32 $0x1, s9  }
0x35: {  	p0 =	sne.s32 s9, s5  }
.Ltmp3:
0x36: {  	_ = 	snop;
	(pc) =	sbr.rel @p0 .LBB2_1-.Ltmp3, $4  }
0x37: {  	[hbm4b:s4+s3] =	stream.linear.scatter [tilespmem:s8], [sflag:$0x1], $0xC40, $0x38;
	[tilespmem:$0x3400] =	vst v63  }
0x38: {  	_ =	swait.ge [sflag:s7], $0xC40  }
0x39: {  	[sflag:s7] =	ssyncset.done $0x0  }
0x3a: {  	[sflag:s7] =	ssyncadd.s32 $0xFFFFF3C0  }
0x3b: {  	_ =	sfence.sel $0x180000  }
0x3c: {  	[bflag:$0x0] =	sbarrier.arrive $0xFFFF  }
0x3d: {  	p0 =	sne.s32 s0, $0x0;
	_ =	strace $0x90000047  }
0x3e: {  	s0 =	sadd.s32 @!p0 $0x100000, s1;
	[bflag:$0x2] =	sbarrier.arrive $0xFFFF  }
0x3f: {  	[sflag:s0] =	ssyncadd.tile.s32 @!p0 $0x1;
	_ =	shalt  }
.Lfunc_end2:
_tile_overlayer_lowered:
.L_overlay_start_2:
0x40: {  	(tag) =	ssettag $0x2  }
0x41: {  	s0 =	rddreg [dreg:$0x0];
	s2 =	stileid.u32  }
0x42: {  	s1 =	rddreg [dreg:$0x1];
	p0 =	sne.s32 s2, $0x0  }
0x43: {  	s3 =	rddreg [dreg:$0x2];
	[bflag:$0x3] =	sbarrier.arrive $0xFFFF;
	s2 =	simm.s32 @!p0 $0x1C01  }
0x44: {  	[timem:s3], [sflag:s2] =	dma.local @!p0 [hbm:s0], s1  }
0x45: {  	s0 =	simm.s32 @!p0 $0x1  }
0x46: {  	_ =	swait.ge @!p0 [sflag:s0], s1  }
0x47: {  	s1 =	ssub.s32 @!p0 $0x0, s1;
	[sflag:s0] =	ssyncset.done @!p0 $0x0  }
0x48: {  	[sflag:s0] =	ssyncadd.s32 @!p0 s1  }
0x49: {  	[bflag:$0x3] =	sbarrier.arrive $0xFFFF  }
0x4a: {  	_ =	shalt  }

// kernel: kernel.8.cloned.1.call-start
scs
__scs_entry_jumppad:
0x0: {  	(pc) =	sbr.rel $0x88, $3  }
0x1: {  	(tag) =	ssettag $0x0;
	lr =	simm.s32 $0x1  }
0x2: {  	[smem:$0x3F9A] =	sst lr;
	_ =	strace $0xD0000000  }
0x3: {  	_ = 	snop  }
0x4: {  	_ = 	snop  }
0x5: {  	_ = 	snop  }
0x6: {  	_ = 	snop  }
0x7: {  	_ = 	snop  }
__scs_overlays_trampoline_lowered:
0x8: {  	[smem:$0x3FA9] =	sst s0  }
0x9: {  	[smem:$0x3FAA] =	sst s1  }
0xa: {  	[smem:$0x3FAB] =	sst s2  }
0xb: {  	[smem:$0x3FAC] =	sst s3  }
0xc: {  	[smem:$0x3FAD] =	sst s4  }
0xd: {  	[smem:$0x3FAE] =	sst s5  }
0xe: {  	[smem:$0x3FAF] =	sst s6  }
0xf: {  	[smem:$0x3FB0] =	sst s7  }
0x10: {  	[smem:$0x3FB1] =	sst s8  }
0x11: {  	[smem:$0x3FB2] =	sst s9;
	s0 =	simm.s32 @!p0 $0x0  }
0x12: {  	s1 =	sld [smem:$0x3F98];
	s0 =	simm.s32 @p0 $0x1  }
0x13: {  	[smem:$0x3FB3] =	sst s0;
	s0 =	simm.s32 @!p1 $0x0  }
0x14: {  	s2 =	sld [smem:$0x3F97];
	s0 =	simm.s32 @p1 $0x1  }
0x15: {  	[smem:$0x3FB4] =	sst s0;
	s0 =	simm.s32 @!p2 $0x0  }
0x16: {  	s3 =	sld [smem:$0x3FDB];
	s0 =	simm.s32 @p2 $0x1  }
0x17: {  	s4 =	simm.s32 $0x1BF5;
	[smem:$0x3FB6] =	sst s0  }
0x18: {  	s0 =	sld [smem:$0x3F99];
	_ =	swait.ge [sflag:s4], $0x0  }
0x19: {  	s7 =	sld [smem:$0x3F9A]  }
0x1a: {  	s8 =	sadd.s32 $0xFFFFE003, lr  }
0x1b: {  	s9 =	sadd.s32 $0xFFFFFEF7, lr;
	s5 =	simm.s32 $0xFFFFFFFF;
	p2 =	slt.u32 s8, $0xFFFFF086  }
0x1c: {  	p1 =	slt.u32 s9, $0xF7A;
	s5 =	simm.s32 @!p2 $0x0  }
0x1d: {  	s5 =	simm.s32 @p1 $0x1;
	p0 =	seq.s32 s7, s2  }
0x1e: {  	s7 =	smul.u32 @!p0 $0xF7A, s2;
	p2 =	seq.s32 @!p0 s5, $0x0  }
0x1f: {  	s9 =	smul.u32 $0xF7A, s1;
	s8 =	simm.s32 @!p0 $0x1BF5;
	p2 =	por !p2, p0  }
0x20: {  	[sflag:s8] =	ssyncset.s32 @!p0 $0xFFFFF086;
	s6 =	sadd.s32 @!p0 s3, s7;
	s7 =	simm.s32 @!p0 $0x108  }
0x21: {  	s3 =	sadd.s32 s3, s9;
	s6 =	sadd.s32 @!p0 $0x88, s6;
	s7 =	simm.s32 @p2 $0x1082  }
0x22: {  	[simem:s7], [sflag:s8] =	dma.local @!p0 [hbm:s6], $0xF7A  }
0x23: {  	s9 =	sor.u32 $0xD0000000, s2;
	s6 =	simm.s32 $0x108;
	_ =	swait.ge @!p0 [sflag:s8], $0x0  }
0x24: {  	s3 =	sadd.s32 $0x88, s3;
	s6 =	simm.s32 @!p1 $0x1082;
	[sflag:s4] =	ssyncset.s32 $0xFFFFF086  }
0x25: {  	[simem:s6], [sflag:s4] =	dma.local [hbm:s3], $0xF7A  }
0x26: {  	[smem:$0x3F9A] =	sst s1;
	(tag) =	ssettag s2;
	_ =	strace s9  }
0x27: {  	s1 =	sld [smem:$0x3FAA]  }
0x28: {  	s2 =	sld [smem:$0x3FAB]  }
0x29: {  	s4 =	sld [smem:$0x3FAD]  }
0x2a: {  	p0 =	seq.s32 s5, $0x0;
	s5 =	sld [smem:$0x3FAE]  }
0x2b: {  	s6 =	sld [smem:$0x3FAF]  }
0x2c: {  	s7 =	sld [smem:$0x3FB0]  }
0x2d: {  	s3 =	simm.s32 $0x108;
	s8 =	sld [smem:$0x3FB1]  }
0x2e: {  	s3 =	simm.s32 @!p0 $0x1082;
	s9 =	sld [smem:$0x3FB2]  }
0x2f: {  	lr =	sadd.s32 s0, s3;
	s0 =	sld [smem:$0x3FA9]  }
0x30: {  	s3 =	sld [smem:$0x3FAC]  }
0x31: {  	[smem:$0x3FB5] =	sst s10  }
0x32: {  	s10 =	sld [smem:$0x3FB3];
	_ =	sdelay $0x3  }
0x33: {  	p0 =	seq.s32 s10, $0x1;
	s10 =	sld [smem:$0x3FB5];
	_ =	sdelay $0x3  }
0x34: {  	[smem:$0x3FB5] =	sst s10  }
0x35: {  	s10 =	sld [smem:$0x3FB4];
	_ =	sdelay $0x3  }
0x36: {  	p1 =	seq.s32 s10, $0x1;
	s10 =	sld [smem:$0x3FB5];
	_ =	sdelay $0x3  }
0x37: {  	[smem:$0x3FB5] =	sst s10  }
0x38: {  	s10 =	sld [smem:$0x3FB6]  }
0x39: {  	_ = 	snop;
	(pc) =	sbr.ind lr, $3  }
0x3a: {  	_ = 	snop  }
0x3b: {  	_ = 	snop  }
0x3c: {  	p2 =	seq.s32 s10, $0x1;
	s10 =	sld [smem:$0x3FB5]  }
0x3d: {  	_ =	shalt  }
0x3e: {  	_ =	shalt  }
0x3f: {  	_ =	shalt  }
0x40: {  	_ =	shalt  }
0x41: {  	_ =	shalt  }
0x42: {  	_ =	shalt  }
0x43: {  	_ =	shalt  }
0x44: {  	_ =	shalt  }
0x45: {  	_ =	shalt  }
0x46: {  	_ =	shalt  }
0x47: {  	_ =	shalt  }
0x48: {  	_ =	shalt  }
0x49: {  	_ =	shalt  }
0x4a: {  	_ =	shalt  }
0x4b: {  	_ =	shalt  }
0x4c: {  	_ =	shalt  }
0x4d: {  	_ =	shalt  }
0x4e: {  	_ =	shalt  }
0x4f: {  	_ =	shalt  }
0x50: {  	_ =	shalt  }
0x51: {  	_ =	shalt  }
0x52: {  	_ =	shalt  }
0x53: {  	_ =	shalt  }
0x54: {  	_ =	shalt  }
0x55: {  	_ =	shalt  }
0x56: {  	_ =	shalt  }
0x57: {  	_ =	shalt  }
0x58: {  	_ =	shalt  }
0x59: {  	_ =	shalt  }
0x5a: {  	_ =	shalt  }
0x5b: {  	_ =	shalt  }
0x5c: {  	_ =	shalt  }
0x5d: {  	_ =	shalt  }
0x5e: {  	_ =	shalt  }
0x5f: {  	_ =	shalt  }
0x60: {  	_ =	shalt  }
0x61: {  	_ =	shalt  }
0x62: {  	_ =	shalt  }
0x63: {  	_ =	shalt  }
0x64: {  	_ =	shalt  }
0x65: {  	_ =	shalt  }
0x66: {  	_ =	shalt  }
0x67: {  	_ =	shalt  }
0x68: {  	_ =	shalt  }
0x69: {  	_ =	shalt  }
0x6a: {  	_ =	shalt  }
0x6b: {  	_ =	shalt  }
0x6c: {  	_ =	shalt  }
0x6d: {  	_ =	shalt  }
0x6e: {  	_ =	shalt  }
0x6f: {  	_ =	shalt  }
0x70: {  	_ =	shalt  }
0x71: {  	_ =	shalt  }
0x72: {  	_ =	shalt  }
0x73: {  	_ =	shalt  }
0x74: {  	_ =	shalt  }
0x75: {  	_ =	shalt  }
0x76: {  	_ =	shalt  }
0x77: {  	_ =	shalt  }
0x78: {  	_ =	shalt  }
0x79: {  	_ =	shalt  }
0x7a: {  	_ =	shalt  }
0x7b: {  	_ =	shalt  }
0x7c: {  	_ =	shalt  }
0x7d: {  	_ =	shalt  }
0x7e: {  	_ =	shalt  }
0x7f: {  	_ =	shalt  }
0x80: {  	_ =	shalt  }
0x81: {  	_ =	shalt  }
0x82: {  	_ =	shalt  }
0x83: {  	_ =	shalt  }
0x84: {  	_ =	shalt  }
0x85: {  	_ =	shalt  }
0x86: {  	_ =	shalt  }
0x87: {  	_ =	shalt  }
.Lfunc_end0:
.L_simem_size_0:
called_computation.1_lowered:
.L_overlay_start_0:
0x88: {  	s2 =	sld [smem:$0x3FD9]  }
0x89: {  	s3 =	sld [smem:$0x3FFE];
	_ =	sdelay $0x1  }
0x8a: {  	s1 =	srdreg.scid  }
0x8b: {  	s0 =	sand.u32 $0x1, s1  }
0x8c: {  	s17 =	sshll.u32 s0, $0xA;
	s2 =	sadd.s32 s3, s2  }
0x8d: {  	s2 =	sadd.s32 s2, s17  }
0x8e: {  	[smem:$0x3FC1] =	sst s2  }
0x8f: {  	_ = 	snop  }
0x90: {  	s2 =	sld [smem:$0x3FD0];
	(tm) =	ssettm $0x1  }
0x91: {  	s18 =	sld [smem:$0x3FFB];
	_ =	sdelay $0x3  }
0x92: {  	_ =	strace s18  }
0x93: {  	s3 =	sld [smem:$0x3FFC];
	_ =	sdelay $0x3  }
0x94: {  	_ =	strace s3  }
0x95: {  	s3 =	sld [smem:$0x3FFD];
	_ =	sdelay $0x3  }
0x96: {  	_ =	strace s3  }
0x97: {  	_ =	strace $0x8FFFFFFF  }
0x98: {  	s19 =	sld [smem:$0x3FDB];
	_ =	sdelay $0x1  }
0x99: {  	s4 =	simm.s32 $_scs_section_size  }
0x9a: {  	s5 =	simm.s32 $_size__tile_overlayer_lowered;
	s6 =	simm.s32 $_tile_overlayer_lowered  }
0x9b: {  	s22 =	simm.s32 $0x1BFF;
	s21 =	sshll.u32 s6, $0x1;
	s3 =	sadd.s32 s4, s19  }
0x9c: {  	s7 =	simm.s32 $0x0;
	s20 =	sshll.u32 s5, $0x1;
	s5 =	sadd.s32 s21, s3  }
0x9d: {  	[timem:s7], [sflag:s22] =	dma.local [hbm:s5], s20  }
0x9e: {  	_ =	swait.ge [sflag:s22], s20  }
0x9f: {  	s4 =	ssub.s32 $0x0, s20;
	[sflag:s22] =	ssyncset.done $0x0  }
0xa0: {  	[sflag:s22] =	ssyncadd.s32 s4;
	_ =	sdelay $0x1  }
0xa1: {  	s23 =	simm.s32 $0x1B8B  }
0xa2: {  	_ =	swait.ge [sflag:s23], $0x1  }
0xa3: {  	[sflag:s23] =	ssyncset.done $0x0  }
0xa4: {  	s25 =	simm.s32 $0x1B8E;
	s24 =	sld [smem:$0x3FFE];
	[sflag:s23] =	ssyncadd.s32 $0xFFFFFFFF  }
0xa5: {  	s26 =	simm.s32 $execute0_lowered;
	[smem:$0x3FD2] =	sst s25  }
0xa6: {  	s5 =	sshll.u32 s26, $0x1;
	_ =	strace $0x80000049;
	[dreg:$0x1] =	wrdreg $0xFFFFFFFF  }
0xa7: {  	s28 =	simm.s32 $_size_execute0_lowered;
	s3 =	sadd.s32 s3, s5;
	[dreg:$0x0] =	wrdreg $0x0  }
0xa8: {  	s5 =	sshll.u32 s28, $0x1;
	[dreg:$0x2] =	wrdreg s3  }
0xa9: {  	[dreg:$0x3] =	wrdreg s5  }
0xaa: {  	[dreg:$0x4] =	wrdreg $0xC0  }
0xab: {  	_ =	task [dreg:s7], $0x5FFFF  }
0xac: {  	[dreg:$0x1] =	wrdreg $0xFFFFFFFF  }
0xad: {  	[dreg:$0x0] =	wrdreg $0x60  }
0xae: {  	[dreg:$0x2] =	wrdreg s2  }
0xaf: {  	[dreg:$0x3] =	wrdreg s24  }
0xb0: {  	[dreg:$0x4] =	wrdreg $0x9  }
0xb1: {  	_ =	task.clear_ibuf [dreg:s7], $0x5FFFF;
	_ =	strace $0x90000049  }
0xb2: {  	s29 =	simm.s32 $0x9;
	_ =	strace $0x8000004B  }
0xb3: {  	_ =	swait.ge [sflag:s29], $0x1  }
0xb4: {  	[sflag:s29] =	ssyncadd.s32 $0xFFFFFFFF  }
0xb5: {  	_ =	strace $0x9000004B  }
0xb6: {  	_ =	sfence  }
0xb7: {  	s30 =	sld [smem:$0x0];
	_ =	sdelay $0x2  }
0xb8: {  	s31 =	sshll.u32 s1, $0xD;
	s1 =	sshrl.u32 s1, $0x2  }
0xb9: {  	s3 =	sand.u32 $0x4000, s31;
	s1 =	sadd.s32 s1, s30  }
0xba: {  	s0 =	sor.u32 s3, s0;
	s1 =	sshll.u32 s1, $0x11  }
0xbb: {  	s0 =	sor.u32 s1, s0  }
0xbc: {  	s0 =	sadd.s32 $0x8F2B, s0  }
0xbd: {  	[sflag:s0] =	ssyncadd.remote.s32 $0x1  }
0xbe: {  	_ =	sfence.sel $0xFFFF  }
0xbf: {  	[dreg:$0x0] =	wrdreg $0xFFFFFFFF;
	(pc) =	sbr.abs _section_cstart, $3  }
0xc0: {  	[dreg:$0x1] =	wrdreg $0xFFFFFFFF  }
0xc1: {  	_ =	task.clear_ibuf [dreg:s7], $0x2FFFF;
	_ =	strace $0x9FFFFFFF  }
0xc2: {  	(tm) =	ssettm $0x7FFFFFFF  }
0xc3: {  	_ =	shalt  }
tec
execute0_lowered:
.L_overlay_start_1:
0x0: {  	(tag) =	ssettag $0x1  }
0x1: {  	s2 =	rddreg [dreg:$0x0];
	s0 =	srdreg.scid  }
0x2: {  	s9 =	stileid.u32;
	s1 =	rddreg [dreg:$0x1]  }
0x3: {  	s4 =	simm.s32 $0x0;
	s0 =	sand.u32 $0x1, s0;
	s3 =	sshll.u32 s9, $0x1  }
0x4: {  	[smem:$0x7FF] =	sst s4;
	s20 =	sadd.s32 $0x2A00, s1;
	s26 =	smul.u32 $0x1880, s9  }
0x5: {  	s17 =	sadd.s32 $0x15280, s1;
	s28 =	sadd.s32 $0x15300, s1;
	s29 =	sadd.s32 $0x15380, s1  }
0x6: {  	s3 =	sor.u32 s0, s3;
	_ =	strace $0x8000004A;
	[dreg:$0x8] =	wrdreg s20  }
0x7: {  	s18 =	ssub.s32 $0x2, s0;
	s0 =	smul.u32 $0xC40, s0;
	[dreg:$0x1e] =	wrdreg s28  }
0x8: {  	[dreg:$0xf] =	wrdreg s29;
	s19 =	smul.u32 $0xC40, s3;
	s7 =	sshrl.u32 s18, $0x1  }
0x9: {  	s6 =	sadd.s32 $0x15200, s1;
	[dreg:$0xe] =	wrdreg s17;
	s3 =	ssub.s32 s18, s7  }
0xa: {  	s18 =	sadd.s32 $0x15400, s1;
	s0 =	sadd.s32 s0, s26;
	s5 =	sshrl.u32 s19, $0x3  }
0xb: {  	s13 =	sadd.s32 $0x150, s19;
	s30 =	smax.u32 s3, $0x1;
	[dreg:$0x10] =	wrdreg s18  }
0xc: {  	s12 =	sadd.s32 $0x2A0, s0;
	s14 =	sadd.s32 $0x230, s0;
	[dreg:$0x7] =	wrdreg s19  }
0xd: {  	s10 =	sadd.s32 $0x310, s0;
	s28 =	sadd.s32 $0x1C0, s0;
	[dreg:$0x11] =	wrdreg s30  }
0xe: {  	s26 =	sadd.s32 $0xE0, s0;
	s0 =	sadd.s32 $0x70, s0;
	[dreg:$0x18] =	wrdreg s28  }
0xf: {  	s3 =	simm.s32 $0x0;
	s4 =	sadd.s32 $0x1C, s5;
	[dreg:$0x5] =	wrdreg s13  }
0x10: {  	s8 =	sadd.s32 s5, s1;
	s0 =	sshrl.u32 s0, $0x3;
	[dreg:$0x3] =	wrdreg s4  }
0x11: {  	s31 =	smul.u32 $0x280, s5;
	s1 =	sshrl.u32 s26, $0x3;
	[dreg:$0x19] =	wrdreg s0  }
0x12: {  	s9 =	sshrl.u32 s14, $0x3;
	s14 =	sadd.s32 $0xE, s5;
	[dreg:$0x17] =	wrdreg s1  }
0x13: {  	s11 =	sshrl.u32 s13, $0x3;
	s21 =	sadd.s32 $0x5C00, s8;
	[dreg:$0x6] =	wrdreg s14  }
0x14: {  	s16 =	sshrl.u32 s10, $0x3;
	s22 =	sadd.s32 $0x8D00, s8;
	[dreg:$0x9] =	wrdreg s21  }
0x15: {  	s10 =	simm.s32 $0x400;
	s23 =	sadd.s32 $0xBE00, s8;
	[dreg:$0xa] =	wrdreg s22  }
0x16: {  	s26 =	simm.s32 $0x7B00;
	s24 =	sadd.s32 $0xEF00, s8;
	[dreg:$0xb] =	wrdreg s23  }
0x17: {  	s25 =	sadd.s32 $0x12000, s8;
	s7 =	smul.u32 $0x280, s11;
	[dreg:$0xc] =	wrdreg s24  }
0x18: {  	s8 =	sshrl.u32 s12, $0x3;
	[dreg:$0xd] =	wrdreg s25;
	s20 =	sadd.s32 s31, s17  }
0x19: {  	s15 =	smul.u32 $0x280, s9;
	s12 =	sadd.s32 $0x4600, s31;
	[dreg:$0x12] =	wrdreg s20  }
0x1a: {  	s11 =	simm.s32 $0x1400;
	s22 =	sadd.s32 s7, s17;
	[dreg:$0x4] =	wrdreg s12  }
0x1b: {  	s8 =	smul.u32 $0x280, s8;
	s24 =	sadd.s32 s15, s17;
	[dreg:$0x13] =	wrdreg s22  }
0x1c: {  	s21 =	smul.u32 $0x280, s16;
	s29 =	sadd.s32 $0x2300, s20;
	[dreg:$0x15] =	wrdreg s24  }
0x1d: {  	s31 =	smul.u32 $0x280, s1;
	s30 =	sadd.s32 s12, s17;
	[dreg:$0x1a] =	wrdreg s29  }
0x1e: {  	s4 =	simm.s32 $0xEB00;
	s23 =	sadd.s32 s8, s17;
	[dreg:$0x1b] =	wrdreg s30  }
0x1f: {  	s25 =	sadd.s32 s21, s17;
	[dreg:$0x1c] =	wrdreg s31;
	s8 =	simm.s32 $0x70  }
0x20: {  	s24 =	simm.s32 $0x12300;
	s22 =	simm.s32 $0x2;
	[dreg:$0x14] =	wrdreg s23  }
0x21: {  	s21 =	simm.s32 $0x6;
	[dreg:$0x16] =	wrdreg s25;
	s25 =	simm.s32 $0x4  }
.LBB2_1:
0x22: {  	[dreg:$0x1d] =	wrdreg s3  }
0x23: {  	s1 =	simm.s32 $0x0;
	s30 =	rddreg [dreg:$0x9];
	s0 =	simm.s32 $0xA  }
0x24: {  	[tilespmem:s1], [sflag:$0xA] =	stream.linear.gather [hbm4b:s30+s1], $0xC40, $0x38;
	[tilespmem:$0x15B00] =	vst v63  }
0x25: {  	_ =	swait.ge [sflag:s0], $0xC40  }
0x26: {  	[sflag:s0] =	ssyncset.done $0x0  }
0x27: {  	s5 =	simm.s32 $0xC40;
	s31 =	rddreg [dreg:$0xa];
	[sflag:s0] =	ssyncadd.s32 $0xFFFFF3C0  }
0x28: {  	[tilespmem:s5], [sflag:$0xA] =	stream.linear.gather [hbm4b:s31+s1], $0xC40, $0x38;
	[tilespmem:$0x15B00] =	vst v63  }
0x29: {  	_ =	swait.ge [sflag:s0], $0xC40  }
0x2a: {  	[sflag:s0] =	ssyncset.done $0x0  }
0x2b: {  	s9 =	simm.s32 $0x1880;
	s7 =	rddreg [dreg:$0xb];
	[sflag:s0] =	ssyncadd.s32 $0xFFFFF3C0  }
0x2c: {  	[tilespmem:s9], [sflag:$0xA] =	stream.linear.gather [hbm4b:s7+s1], $0xC40, $0x38;
	[tilespmem:$0x15B00] =	vst v63  }
0x2d: {  	_ =	swait.ge [sflag:s0], $0xC40  }
0x2e: {  	[sflag:s0] =	ssyncset.done $0x0  }
0x2f: {  	s13 =	simm.s32 $0x24C0;
	s12 =	rddreg [dreg:$0xc];
	[sflag:s0] =	ssyncadd.s32 $0xFFFFF3C0  }
0x30: {  	[tilespmem:s13], [sflag:$0xA] =	stream.linear.gather [hbm4b:s12+s1], $0xC40, $0x38;
	[tilespmem:$0x15B00] =	vst v63  }
0x31: {  	_ =	swait.ge [sflag:s0], $0xC40  }
0x32: {  	[sflag:s0] =	ssyncset.done $0x0  }
0x33: {  	s15 =	simm.s32 $0x3100;
	s14 =	rddreg [dreg:$0xd];
	[sflag:s0] =	ssyncadd.s32 $0xFFFFF3C0  }
0x34: {  	[tilespmem:s15], [sflag:$0xA] =	stream.linear.gather [hbm4b:s14+s1], $0xC40, $0x38;
	[tilespmem:$0x15B00] =	vst v63  }
0x35: {  	_ =	swait.ge [sflag:s0], $0xC40  }
0x36: {  	[sflag:s0] =	ssyncset.done $0x0  }
0x37: {  	s16 =	simm.s32 $0x3D80;
	s9 =	rddreg [dreg:$0x8];
	[sflag:s0] =	ssyncadd.s32 $0xFFFFF3C0  }
0x38: {  	[tilespmem:s16], [sflag:$0x1] =	stream.indirect.gather [hbm4b:s9+s8], $0x1, s1, s8, $0xb8;
	[tilespmem:$0x15B00] =	vst v63  }
0x39: {  	s18 =	simm.s32 $0x3DF0  }
0x3a: {  	[tilespmem:s18], [sflag:$0x1] =	stream.indirect.gather [hbm4b:s9+s8], $0x1, s8, s8, $0xb8;
	[tilespmem:$0x15B00] =	vst v63  }
0x3b: {  	s20 =	simm.s32 $0xE0;
	s23 =	simm.s32 $0x3E60  }
0x3c: {  	[tilespmem:s23], [sflag:$0x1] =	stream.indirect.gather [hbm4b:s9+s8], $0x1, s20, s8, $0xb8;
	[tilespmem:$0x15B00] =	vst v63  }
0x3d: {  	s28 =	simm.s32 $0x150;
	s29 =	simm.s32 $0x3ED0  }
0x3e: {  	[tilespmem:s29], [sflag:$0x1] =	stream.indirect.gather [hbm4b:s9+s8], $0x1, s28, s8, $0xb8;
	[tilespmem:$0x15B00] =	vst v63  }
0x3f: {  	s30 =	simm.s32 $0x1C0;
	s31 =	simm.s32 $0x3F40  }
0x40: {  	[tilespmem:s31], [sflag:$0x1] =	stream.indirect.gather [hbm4b:s9+s8], $0x1, s30, s8, $0xb8;
	[tilespmem:$0x15B00] =	vst v63  }
0x41: {  	s3 =	simm.s32 $0x3FB0;
	s1 =	simm.s32 $0x230  }
0x42: {  	[tilespmem:s3], [sflag:$0x1] =	stream.indirect.gather [hbm4b:s9+s8], $0x1, s1, s8, $0xb8;
	[tilespmem:$0x15B00] =	vst v63  }
0x43: {  	s5 =	simm.s32 $0x2A0;
	s7 =	simm.s32 $0x4020  }
0x44: {  	[tilespmem:s7], [sflag:$0x1] =	stream.indirect.gather [hbm4b:s9+s8], $0x1, s5, s8, $0xb8;
	[tilespmem:$0x15B00] =	vst v63  }
0x45: {  	s12 =	simm.s32 $0x310;
	s13 =	simm.s32 $0x4090  }
0x46: {  	[tilespmem:s13], [sflag:$0x1] =	stream.indirect.gather [hbm4b:s9+s8], $0x1, s12, s8, $0xb8;
	[tilespmem:$0x15B00] =	vst v63  }
0x47: {  	s14 =	simm.s32 $0x380;
	s15 =	simm.s32 $0x4100  }
0x48: {  	[tilespmem:s15], [sflag:$0x1] =	stream.indirect.gather [hbm4b:s9+s8], $0x1, s14, s8, $0xb8;
	[tilespmem:$0x15B00] =	vst v63  }
0x49: {  	s16 =	simm.s32 $0x3F0;
	s18 =	simm.s32 $0x4170  }
0x4a: {  	[tilespmem:s18], [sflag:$0x1] =	stream.indirect.gather [hbm4b:s9+s8], $0x1, s16, s8, $0xb8;
	[tilespmem:$0x15B00] =	vst v63  }
0x4b: {  	s20 =	simm.s32 $0x460;
	s23 =	simm.s32 $0x41E0  }
0x4c: {  	[tilespmem:s23], [sflag:$0x1] =	stream.indirect.gather [hbm4b:s9+s8], $0x1, s20, s8, $0xb8;
	[tilespmem:$0x15B00] =	vst v63  }
0x4d: {  	s28 =	simm.s32 $0x4D0;
	s29 =	simm.s32 $0x4250  }
0x4e: {  	[tilespmem:s29], [sflag:$0x1] =	stream.indirect.gather [hbm4b:s9+s8], $0x1, s28, s8, $0xb8;
	[tilespmem:$0x15B00] =	vst v63  }
0x4f: {  	s30 =	simm.s32 $0x540;
	s31 =	simm.s32 $0x42C0  }
0x50: {  	[tilespmem:s31], [sflag:$0x1] =	stream.indirect.gather [hbm4b:s9+s8], $0x1, s30, s8, $0xb8;
	[tilespmem:$0x15B00] =	vst v63  }
0x51: {  	s1 =	simm.s32 $0x5B0;
	s3 =	simm.s32 $0x4330  }
0x52: {  	[tilespmem:s3], [sflag:$0x1] =	stream.indirect.gather [hbm4b:s9+s8], $0x1, s1, s8, $0xb8;
	[tilespmem:$0x15B00] =	vst v63  }
0x53: {  	s5 =	simm.s32 $0x620;
	s7 =	simm.s32 $0x43A0  }
0x54: {  	[tilespmem:s7], [sflag:$0x1] =	stream.indirect.gather [hbm4b:s9+s8], $0x1, s5, s8, $0xb8;
	[tilespmem:$0x15B00] =	vst v63  }
0x55: {  	s12 =	simm.s32 $0x690;
	s13 =	simm.s32 $0x4410  }
0x56: {  	[tilespmem:s13], [sflag:$0x1] =	stream.indirect.gather [hbm4b:s9+s8], $0x1, s12, s8, $0xb8;
	[tilespmem:$0x15B00] =	vst v63  }
0x57: {  	s14 =	simm.s32 $0x700;
	s15 =	simm.s32 $0x4480  }
0x58: {  	[tilespmem:s15], [sflag:$0x1] =	stream.indirect.gather [hbm4b:s9+s8], $0x1, s14, s8, $0xb8;
	[tilespmem:$0x15B00] =	vst v63  }
0x59: {  	s16 =	simm.s32 $0x770;
	s18 =	simm.s32 $0x44F0  }
0x5a: {  	[tilespmem:s18], [sflag:$0x1] =	stream.indirect.gather [hbm4b:s9+s8], $0x1, s16, s8, $0xb8;
	[tilespmem:$0x15B00] =	vst v63  }
0x5b: {  	s20 =	simm.s32 $0x7E0;
	s23 =	simm.s32 $0x4560  }
0x5c: {  	[tilespmem:s23], [sflag:$0x1] =	stream.indirect.gather [hbm4b:s9+s8], $0x1, s20, s8, $0xb8;
	[tilespmem:$0x15B00] =	vst v63  }
0x5d: {  	s28 =	simm.s32 $0x850;
	s29 =	simm.s32 $0x45D0  }
0x5e: {  	[tilespmem:s29], [sflag:$0x1] =	stream.indirect.gather [hbm4b:s9+s8], $0x1, s28, s8, $0xb8;
	[tilespmem:$0x15B00] =	vst v63  }
0x5f: {  	s30 =	simm.s32 $0x8C0;
	s31 =	simm.s32 $0x4640  }
0x60: {  	[tilespmem:s31], [sflag:$0x1] =	stream.indirect.gather [hbm4b:s9+s8], $0x1, s30, s8, $0xb8;
	[tilespmem:$0x15B00] =	vst v63  }
0x61: {  	s3 =	simm.s32 $0x930;
	s5 =	simm.s32 $0x46B0  }
0x62: {  	[tilespmem:s5], [sflag:$0x1] =	stream.indirect.gather [hbm4b:s9+s8], $0x1, s3, s8, $0xb8;
	[tilespmem:$0x15B00] =	vst v63  }
0x63: {  	s7 =	simm.s32 $0x9A0;
	s12 =	simm.s32 $0x4720  }
0x64: {  	[tilespmem:s12], [sflag:$0x1] =	stream.indirect.gather [hbm4b:s9+s8], $0x1, s7, s8, $0xb8;
	[tilespmem:$0x15B00] =	vst v63  }
0x65: {  	s13 =	simm.s32 $0xA10;
	s14 =	simm.s32 $0x4790  }
0x66: {  	[tilespmem:s14], [sflag:$0x1] =	stream.indirect.gather [hbm4b:s9+s8], $0x1, s13, s8, $0xb8;
	[tilespmem:$0x15B00] =	vst v63  }
0x67: {  	s15 =	simm.s32 $0xA80;
	s16 =	simm.s32 $0x4800  }
0x68: {  	[tilespmem:s16], [sflag:$0x1] =	stream.indirect.gather [hbm4b:s9+s8], $0x1, s15, s8, $0xb8;
	[tilespmem:$0x15B00] =	vst v63  }
0x69: {  	s18 =	simm.s32 $0xAF0;
	s20 =	simm.s32 $0x4870  }
0x6a: {  	[tilespmem:s20], [sflag:$0x1] =	stream.indirect.gather [hbm4b:s9+s8], $0x1, s18, s8, $0xb8;
	[tilespmem:$0x15B00] =	vst v63  }
0x6b: {  	s23 =	simm.s32 $0xB60;
	s28 =	simm.s32 $0x48E0  }
0x6c: {  	[tilespmem:s28], [sflag:$0x1] =	stream.indirect.gather [hbm4b:s9+s8], $0x1, s23, s8, $0xb8;
	[tilespmem:$0x15B00] =	vst v63  }
0x6d: {  	s29 =	simm.s32 $0xBD0;
	s30 =	simm.s32 $0x4950;
	s31 =	simm.s32 $0x1  }
0x6e: {  	[tilespmem:s30], [sflag:$0x1] =	stream.indirect.gather [hbm4b:s9+s8], $0x1, s29, s8, $0xb8;
	[tilespmem:$0x15B00] =	vst v63  }
0x6f: {  	_ =	swait.ge [sflag:s31], $0x70  }
0x70: {  	[sflag:s31] =	ssyncset.done $0x0  }
0x71: {  	[sflag:s31] =	ssyncadd.s32 $0xFFFFFF90  }
0x72: {  	_ =	swait.ge [sflag:s31], $0x70  }
0x73: {  	[sflag:s31] =	ssyncset.done $0x0  }
0x74: {  	[sflag:s31] =	ssyncadd.s32 $0xFFFFFF90  }
0x75: {  	_ =	swait.ge [sflag:s31], $0x70  }
0x76: {  	[sflag:s31] =	ssyncset.done $0x0  }
0x77: {  	[sflag:s31] =	ssyncadd.s32 $0xFFFFFF90  }
0x78: {  	_ =	swait.ge [sflag:s31], $0x70  }
0x79: {  	[sflag:s31] =	ssyncset.done $0x0  }
0x7a: {  	[sflag:s31] =	ssyncadd.s32 $0xFFFFFF90  }
0x7b: {  	_ =	swait.ge [sflag:s31], $0x70  }
0x7c: {  	[sflag:s31] =	ssyncset.done $0x0  }
0x7d: {  	[sflag:s31] =	ssyncadd.s32 $0xFFFFFF90  }
0x7e: {  	_ =	swait.ge [sflag:s31], $0x70  }
0x7f: {  	[sflag:s31] =	ssyncset.done $0x0  }
0x80: {  	[sflag:s31] =	ssyncadd.s32 $0xFFFFFF90  }
0x81: {  	_ =	swait.ge [sflag:s31], $0x70  }
0x82: {  	[sflag:s31] =	ssyncset.done $0x0  }
0x83: {  	[sflag:s31] =	ssyncadd.s32 $0xFFFFFF90  }
0x84: {  	_ =	swait.ge [sflag:s31], $0x70  }
0x85: {  	[sflag:s31] =	ssyncset.done $0x0  }
0x86: {  	[sflag:s31] =	ssyncadd.s32 $0xFFFFFF90  }
0x87: {  	_ =	swait.ge [sflag:s31], $0x70  }
0x88: {  	[sflag:s31] =	ssyncset.done $0x0  }
0x89: {  	[sflag:s31] =	ssyncadd.s32 $0xFFFFFF90  }
0x8a: {  	_ =	swait.ge [sflag:s31], $0x70  }
0x8b: {  	[sflag:s31] =	ssyncset.done $0x0  }
0x8c: {  	[sflag:s31] =	ssyncadd.s32 $0xFFFFFF90  }
0x8d: {  	_ =	swait.ge [sflag:s31], $0x70  }
0x8e: {  	[sflag:s31] =	ssyncset.done $0x0  }
0x8f: {  	[sflag:s31] =	ssyncadd.s32 $0xFFFFFF90  }
0x90: {  	_ =	swait.ge [sflag:s31], $0x70  }
0x91: {  	[sflag:s31] =	ssyncset.done $0x0  }
0x92: {  	[sflag:s31] =	ssyncadd.s32 $0xFFFFFF90  }
0x93: {  	_ =	swait.ge [sflag:s31], $0x70  }
0x94: {  	[sflag:s31] =	ssyncset.done $0x0  }
0x95: {  	[sflag:s31] =	ssyncadd.s32 $0xFFFFFF90  }
0x96: {  	_ =	swait.ge [sflag:s31], $0x70  }
0x97: {  	[sflag:s31] =	ssyncset.done $0x0  }
0x98: {  	[sflag:s31] =	ssyncadd.s32 $0xFFFFFF90  }
0x99: {  	_ =	swait.ge [sflag:s31], $0x70  }
0x9a: {  	[sflag:s31] =	ssyncset.done $0x0  }
0x9b: {  	[sflag:s31] =	ssyncadd.s32 $0xFFFFFF90  }
0x9c: {  	_ =	swait.ge [sflag:s31], $0x70  }
0x9d: {  	[sflag:s31] =	ssyncset.done $0x0  }
0x9e: {  	[sflag:s31] =	ssyncadd.s32 $0xFFFFFF90  }
0x9f: {  	_ =	swait.ge [sflag:s31], $0x70  }
0xa0: {  	[sflag:s31] =	ssyncset.done $0x0  }
0xa1: {  	[sflag:s31] =	ssyncadd.s32 $0xFFFFFF90  }
0xa2: {  	_ =	swait.ge [sflag:s31], $0x70  }
0xa3: {  	[sflag:s31] =	ssyncset.done $0x0  }
0xa4: {  	[sflag:s31] =	ssyncadd.s32 $0xFFFFFF90  }
0xa5: {  	_ =	swait.ge [sflag:s31], $0x70  }
0xa6: {  	[sflag:s31] =	ssyncset.done $0x0  }
0xa7: {  	[sflag:s31] =	ssyncadd.s32 $0xFFFFFF90  }
0xa8: {  	_ =	swait.ge [sflag:s31], $0x70  }
0xa9: {  	[sflag:s31] =	ssyncset.done $0x0  }
0xaa: {  	[sflag:s31] =	ssyncadd.s32 $0xFFFFFF90  }
0xab: {  	_ =	swait.ge [sflag:s31], $0x70  }
0xac: {  	[sflag:s31] =	ssyncset.done $0x0  }
0xad: {  	[sflag:s31] =	ssyncadd.s32 $0xFFFFFF90  }
0xae: {  	_ =	swait.ge [sflag:s31], $0x70  }
0xaf: {  	[sflag:s31] =	ssyncset.done $0x0  }
0xb0: {  	[sflag:s31] =	ssyncadd.s32 $0xFFFFFF90  }
0xb1: {  	_ =	swait.ge [sflag:s31], $0x70  }
0xb2: {  	[sflag:s31] =	ssyncset.done $0x0  }
0xb3: {  	[sflag:s31] =	ssyncadd.s32 $0xFFFFFF90  }
0xb4: {  	_ =	swait.ge [sflag:s31], $0x70  }
0xb5: {  	[sflag:s31] =	ssyncset.done $0x0  }
0xb6: {  	[sflag:s31] =	ssyncadd.s32 $0xFFFFFF90  }
0xb7: {  	_ =	swait.ge [sflag:s31], $0x70  }
0xb8: {  	[sflag:s31] =	ssyncset.done $0x0  }
0xb9: {  	[sflag:s31] =	ssyncadd.s32 $0xFFFFFF90  }
0xba: {  	_ =	swait.ge [sflag:s31], $0x70  }
0xbb: {  	[sflag:s31] =	ssyncset.done $0x0  }
0xbc: {  	[sflag:s31] =	ssyncadd.s32 $0xFFFFFF90  }
0xbd: {  	_ =	swait.ge [sflag:s31], $0x70  }
0xbe: {  	[sflag:s31] =	ssyncset.done $0x0  }
0xbf: {  	[sflag:s31] =	ssyncadd.s32 $0xFFFFFF90  }
0xc0: {  	_ =	swait.ge [sflag:s31], $0x70  }
0xc1: {  	[sflag:s31] =	ssyncset.done $0x0  }
0xc2: {  	s1 =	simm.s32 $0x0;
	[sflag:s31] =	ssyncadd.s32 $0xFFFFFF90  }
.LBB2_2:
0xc3: {  	p0 =	sne.s32 s1, $0x2F40  }
.Ltmp0:
0xc4: {  	_ = 	snop;
	(pc) =	sbr.rel @p0 .LBB2_2-.Ltmp0, $4  }
0xc5: {  	_ = 	snop  }
0xc6: {  	s3 =	sshra.s32 s1, $0x2  }
0xc7: {  	s1 =	sadd.s32 $0x1C0, s1;
	s5 =	sadd.s32 $0x49C0, s3;
	s3 =	sadd.s32 $0xC40, s3  }
0xc8: {  	[tilespmem:s5], [sflag:$0x1] =	stream.indirect.gather [hbm4b:s9+s8], $0x1, s3, s8, $0xb8;
	[tilespmem:$0x15B00] =	vst v63  }
0xc9: {  	p0 =	por $0x0, $0x0  }
0xca: {  	p1 =	por p0, p0  }
0xcb: {  	s1 =	simm.s32 @p1 $0x6  }
0xcc: {  	s29 =	simm.s32 $0x3;
	s30 =	simm.s32 $0xB300;
	_ =	swait.ge @p1 [sflag:s1], $0x3800  }
0xcd: {  	s3 =	simm.s32 @p1 $0x7B00;
	s5 =	simm.s32 @p1 $0x7;
	[sflag:s1] =	ssyncset.done @p1 $0x0  }
0xce: {  	s7 =	simm.s32 @p1 $0x70;
	[sflag:s1] =	ssyncadd.s32 @p1 $0xFFFFC800;
	s1 =	simm.s32 @p1 $0x3D80  }
0xcf: {  	[tilespmem:s3], [sflag:$0x2] =	stream.indirect.gather @p1 [hbm4b:s2+s7], $0x80, s1, s7, $0xb8;
	[tilespmem:$0x15B00] =	vst v63  }
0xd0: {  	s31 =	simm.s32 $0x460;
	s12 =	simm.s32 @p1 $0x9;
	_ =	swait.ge @p1 [sflag:s5], $0x3800  }
0xd1: {  	s13 =	simm.s32 @!p1 $0x3D80;
	s1 =	simm.s32 @p1 $0x8;
	[sflag:s5] =	ssyncset.done @p1 $0x0  }
0xd2: {  	s3 =	simm.s32 @p1 $0x3DF0;
	[sflag:s5] =	ssyncadd.s32 @p1 $0xFFFFC800;
	s5 =	simm.s32 @p1 $0xB300  }
0xd3: {  	[tilespmem:s5], [sflag:$0x3] =	stream.indirect.gather @p1 [hbm4b:s2+s7], $0x80, s3, s7, $0xb8;
	[tilespmem:$0x15B00] =	vst v63  }
0xd4: {  	s14 =	simm.s32 @!p1 $0xEB00;
	s3 =	simm.s32 $0xE0;
	_ =	swait.ge @p1 [sflag:s1], $0x3800  }
0xd5: {  	s5 =	simm.s32 $0x3E60;
	s3 =	simm.s32 @!p0 $0xE0;
	[sflag:s1] =	ssyncset.done @p1 $0x0  }
0xd6: {  	s3 =	sadd.s32 s19, s3;
	[sflag:s1] =	ssyncadd.s32 @p1 $0xFFFFC800;
	s1 =	simm.s32 @p1 $0xEB00  }
0xd7: {  	[tilespmem:s1], [sflag:$0x4] =	stream.indirect.gather @p1 [hbm4b:s2+s7], $0x80, s5, s7, $0xb8;
	[tilespmem:$0x15B00] =	vst v63  }
0xd8: {  	s23 =	sshrl.u32 s3, $0x3;
	s1 =	simm.s32 @p0 $0x0;
	s5 =	simm.s32 @p0 $0x70  }
0xd9: {  	s7 =	simm.s32 @!p1 $0x7B00;
	s0 =	smul.u32 $0x280, s23;
	_ =	swait.ge @p1 [sflag:s12], $0x3800  }
0xda: {  	s1 =	simm.s32 @!p0 $0x0;
	s5 =	simm.s32 @!p0 $0x70;
	[sflag:s12] =	ssyncset.done @p1 $0x0  }
0xdb: {  	p0 =	por $0x1, $0x1;
	[sflag:s12] =	ssyncadd.s32 @p1 $0xFFFFC800;
	s12 =	simm.s32 @!p1 $0x70  }
0xdc: {  	[tilespmem:s7], [sflag:$0x2] =	stream.indirect.gather @!p1 [hbm4b:s2+s12], $0x80, s13, s12, $0xb8;
	[tilespmem:$0x15B00] =	vst v63  }
0xdd: {  	s5 =	sadd.s32 s19, s5;
	s7 =	simm.s32 @!p1 $0x3DF0;
	s13 =	simm.s32 @!p1 $0xB300  }
0xde: {  	[tilespmem:s13], [sflag:$0x3] =	stream.indirect.gather @!p1 [hbm4b:s2+s12], $0x80, s7, s12, $0xb8;
	[tilespmem:$0x15B00] =	vst v63  }
0xdf: {  	s18 =	sadd.s32 s19, s1;
	s20 =	sshrl.u32 s5, $0x3;
	s13 =	simm.s32 @!p1 $0x3E60  }
0xe0: {  	[tilespmem:s14], [sflag:$0x4] =	stream.indirect.gather @!p1 [hbm4b:s2+s12], $0x80, s13, s12, $0xb8;
	[tilespmem:$0x15B00] =	vst v63  }
0xe1: {  	s1 =	sadd.s32 $0x3ED0, s1;
	s5 =	smul.u32 $0x280, s20;
	s7 =	sshrl.u32 s18, $0x3  }
0xe2: {  	[tilespmem:s24], [sflag:$0x5] =	stream.indirect.gather [hbm4b:s2+s8], $0x80, s1, s8, $0xb8;
	[tilespmem:$0x15B00] =	vst v63  }
0xe3: {  	s5 =	sadd.s32 s6, s5;
	s7 =	smul.u32 $0x280, s7;
	_ =	swait.ge [sflag:s22], $0x3800  }
0xe4: {  	s12 =	simm.s32 $0x2A0;
	s13 =	sadd.s32 s6, s0;
	[sflag:s22] =	ssyncset.done $0x0  }
0xe5: {  	s0 =	simm.s32 $0x5;
	s3 =	sadd.s32 s6, s7;
	[sflag:s22] =	ssyncadd.s32 $0xFFFFC800  }
0xe6: {  	[hbm4b:s3+s10] =	stream.strided.scatter [tilespmem:s26], [sflag:$0x6], $0x3800, s11, s10, $0x38;
	[tilespmem:$0x15B00] =	vst v63  }
0xe7: {  	s7 =	simm.s32 @p0 $0x230;
	s12 =	simm.s32 @!p0 $0xE0;
	_ =	swait.ge [sflag:s29], $0x3800  }
0xe8: {  	s1 =	simm.s32 @p0 $0x1C0;
	s7 =	simm.s32 @!p0 $0x70;
	[sflag:s29] =	ssyncset.done $0x0  }
0xe9: {  	s12 =	sadd.s32 s19, s12;
	s1 =	simm.s32 @!p0 $0x0;
	[sflag:s29] =	ssyncadd.s32 $0xFFFFC800  }
0xea: {  	[hbm4b:s5+s10] =	stream.strided.scatter [tilespmem:s30], [sflag:$0x7], $0x3800, s11, s10, $0x38;
	[tilespmem:$0x15B00] =	vst v63  }
0xeb: {  	s18 =	sadd.s32 s19, s7;
	s23 =	sshrl.u32 s12, $0x3;
	_ =	swait.ge [sflag:s25], $0x3800  }
0xec: {  	p0 =	por p0, p0;
	s12 =	simm.s32 $0x4020;
	[sflag:s25] =	ssyncset.done $0x0  }
0xed: {  	s15 =	sadd.s32 s19, s1;
	s20 =	sshrl.u32 s18, $0x3;
	[sflag:s25] =	ssyncadd.s32 $0xFFFFC800  }
0xee: {  	[hbm4b:s13+s10] =	stream.strided.scatter [tilespmem:s4], [sflag:$0x8], $0x3800, s11, s10, $0x38;
	[tilespmem:$0x15B00] =	vst v63  }
0xef: {  	s28 =	smul.u32 $0x280, s23;
	s18 =	smov.u32 s19;
	_ =	swait.ge [sflag:s0], $0x3800  }
0xf0: {  	s16 =	sshrl.u32 s15, $0x3;
	s20 =	smul.u32 $0x280, s20;
	[sflag:s0] =	ssyncset.done $0x0  }
0xf1: {  	s7 =	smul.u32 $0x280, s16;
	s3 =	sadd.s32 $0x6900, s3;
	[sflag:s0] =	ssyncadd.s32 $0xFFFFC800  }
.LBB2_4:
0xf2: {  	[hbm4b:s3+s10] =	stream.strided.scatter [tilespmem:s24], [sflag:$0x9], $0x3800, s11, s10, $0x38;
	[tilespmem:$0x15B00] =	vst v63  }
0xf3: {  	s5 =	smov.u32 s31  }
0xf4: {  	s31 =	sadd.s32 $0x1C0, s31;
	s13 =	simm.s32 @p0 $0x6;
	p1 =	sne.s32 s5, $0xE0  }
0xf5: {  	s3 =	sadd.s32 @p1 $0xFFFFFF20, s5;
	s14 =	sadd.s32 @p1 $0xFFFFFF90, s5;
	_ =	swait.ge @p0 [sflag:s13], $0x3800  }
0xf6: {  	s15 =	simm.s32 @p0 $0x7B00;
	s16 =	simm.s32 @p0 $0x7;
	[sflag:s13] =	ssyncset.done @p0 $0x0  }
0xf7: {  	s19 =	simm.s32 @p0 $0x70;
	[sflag:s13] =	ssyncadd.s32 @p0 $0xFFFFC800;
	s13 =	sadd.s32 @p0 $0xFFFFFF20, s12  }
0xf8: {  	[tilespmem:s15], [sflag:$0x2] =	stream.indirect.gather @p0 [hbm4b:s2+s19], $0x80, s13, s19, $0xb8;
	[tilespmem:$0x15B00] =	vst v63  }
0xf9: {  	s3 =	simm.s32 @!p1 $0x0;
	s14 =	simm.s32 @!p1 $0x70;
	_ =	swait.ge @p0 [sflag:s16], $0x3800  }
0xfa: {  	s13 =	sadd.s32 s18, s3;
	s15 =	simm.s32 @p0 $0x8;
	[sflag:s16] =	ssyncset.done @p0 $0x0  }
0xfb: {  	s23 =	simm.s32 @p0 $0xB300;
	[sflag:s16] =	ssyncadd.s32 @p0 $0xFFFFC800;
	s16 =	sadd.s32 @p0 $0xFFFFFF90, s12  }
0xfc: {  	[tilespmem:s23], [sflag:$0x3] =	stream.indirect.gather @p0 [hbm4b:s2+s19], $0x80, s16, s19, $0xb8;
	[tilespmem:$0x15B00] =	vst v63  }
0xfd: {  	s14 =	sadd.s32 s18, s14;
	s13 =	sshrl.u32 s13, $0x3;
	_ =	swait.ge @p0 [sflag:s15], $0x3800  }
0xfe: {  	s14 =	sshrl.u32 s14, $0x3;
	s13 =	smul.u32 $0x280, s13;
	[sflag:s15] =	ssyncset.done @p0 $0x0  }
0xff: {  	s16 =	simm.s32 @p0 $0x9;
	[sflag:s15] =	ssyncadd.s32 @p0 $0xFFFFC800;
	s15 =	simm.s32 @p0 $0xEB00  }
0x100: {  	[tilespmem:s15], [sflag:$0x4] =	stream.indirect.gather @p0 [hbm4b:s2+s19], $0x80, s12, s19, $0xb8;
	[tilespmem:$0x15B00] =	vst v63  }
0x101: {  	s5 =	simm.s32 @!p1 $0xE0;
	s14 =	smul.u32 $0x280, s14;
	_ =	swait.ge @p0 [sflag:s16], $0x3800  }
0x102: {  	s5 =	sadd.s32 s18, s5;
	s15 =	simm.s32 @!p0 $0x7B00;
	[sflag:s16] =	ssyncset.done @p0 $0x0  }
0x103: {  	s19 =	simm.s32 @!p0 $0x3D80;
	[sflag:s16] =	ssyncadd.s32 @p0 $0xFFFFC800;
	s16 =	simm.s32 @!p0 $0x70  }
0x104: {  	[tilespmem:s15], [sflag:$0x2] =	stream.indirect.gather @!p0 [hbm4b:s2+s16], $0x80, s19, s16, $0xb8;
	[tilespmem:$0x15B00] =	vst v63  }
0x105: {  	s5 =	sshrl.u32 s5, $0x3;
	s15 =	simm.s32 @!p0 $0x3DF0;
	s19 =	simm.s32 @!p0 $0xB300  }
0x106: {  	[tilespmem:s19], [sflag:$0x3] =	stream.indirect.gather @!p0 [hbm4b:s2+s16], $0x80, s15, s16, $0xb8;
	[tilespmem:$0x15B00] =	vst v63  }
0x107: {  	s5 =	smul.u32 $0x280, s5;
	s15 =	simm.s32 @!p0 $0x3E60;
	s19 =	simm.s32 @!p0 $0xEB00  }
0x108: {  	[tilespmem:s19], [sflag:$0x4] =	stream.indirect.gather @!p0 [hbm4b:s2+s16], $0x80, s15, s16, $0xb8;
	[tilespmem:$0x15B00] =	vst v63  }
0x109: {  	p2 =	sne.s32 s31, $0xD20;
	s15 =	sadd.s32 $0x3ED0, s1;
	s1 =	smov.u32 s3  }
0x10a: {  	[tilespmem:s24], [sflag:$0x5] =	stream.indirect.gather [hbm4b:s2+s8], $0x80, s15, s8, $0xb8;
	[tilespmem:$0x15B00] =	vst v63  }
0x10b: {  	p0 =	por p1, p1;
	_ =	swait.ge [sflag:s22], $0x3800  }
0x10c: {  	[sflag:s22] =	ssyncset.done $0x0  }
0x10d: {  	s3 =	sadd.s32 s6, s7;
	s7 =	smov.u32 s13;
	[sflag:s22] =	ssyncadd.s32 $0xFFFFC800  }
0x10e: {  	[hbm4b:s3+s10] =	stream.strided.scatter [tilespmem:s26], [sflag:$0x6], $0x3800, s11, s10, $0x38;
	[tilespmem:$0x15B00] =	vst v63  }
0x10f: {  	_ =	swait.ge [sflag:s29], $0x3800  }
0x110: {  	[sflag:s29] =	ssyncset.done $0x0  }
0x111: {  	s13 =	sadd.s32 s6, s20;
	s20 =	smov.u32 s14;
	[sflag:s29] =	ssyncadd.s32 $0xFFFFC800  }
0x112: {  	[hbm4b:s13+s10] =	stream.strided.scatter [tilespmem:s30], [sflag:$0x7], $0x3800, s11, s10, $0x38;
	[tilespmem:$0x15B00] =	vst v63  }
0x113: {  	_ =	swait.ge [sflag:s25], $0x3800  }
0x114: {  	[sflag:s25] =	ssyncset.done $0x0  }
.Ltmp1:
0x115: {  	s13 =	sadd.s32 s6, s28;
	[sflag:s25] =	ssyncadd.s32 $0xFFFFC800;
	(pc) =	sbr.rel @p2 .LBB2_4-.Ltmp1, $4  }
0x116: {  	[hbm4b:s13+s10] =	stream.strided.scatter [tilespmem:s4], [sflag:$0x8], $0x3800, s11, s10, $0x38;
	[tilespmem:$0x15B00] =	vst v63  }
0x117: {  	s28 =	smov.u32 s5;
	_ =	swait.ge [sflag:s0], $0x3800  }
0x118: {  	[sflag:s0] =	ssyncset.done $0x0  }
0x119: {  	s12 =	sadd.s32 $0x1C0, s12;
	s3 =	sadd.s32 $0x6900, s3;
	[sflag:s0] =	ssyncadd.s32 $0xFFFFC800  }
0x11a: {  	[hbm4b:s3+s10] =	stream.strided.scatter [tilespmem:s24], [sflag:$0x9], $0x3800, s11, s10, $0x38;
	[tilespmem:$0x15B00] =	vst v63  }
0x11b: {  	s3 =	simm.s32 @p0 $0x6  }
0x11c: {  	_ =	swait.ge @p0 [sflag:s3], $0x3800  }
0x11d: {  	s5 =	simm.s32 @p0 $0x7B00;
	[sflag:s3] =	ssyncset.done @p0 $0x0  }
0x11e: {  	s13 =	simm.s32 @p0 $0x70;
	[sflag:s3] =	ssyncadd.s32 @p0 $0xFFFFC800;
	s3 =	sadd.s32 @p0 $0xFFFFFF20, s12  }
0x11f: {  	[tilespmem:s5], [sflag:$0x2] =	stream.indirect.gather @p0 [hbm4b:s2+s13], $0x80, s3, s13, $0xb8;
	[tilespmem:$0x15B00] =	vst v63  }
0x120: {  	s3 =	simm.s32 @p0 $0x7  }
0x121: {  	_ =	swait.ge @p0 [sflag:s3], $0x3800  }
0x122: {  	[sflag:s3] =	ssyncset.done @p0 $0x0  }
0x123: {  	s5 =	simm.s32 @p0 $0xB300;
	[sflag:s3] =	ssyncadd.s32 @p0 $0xFFFFC800;
	s3 =	sadd.s32 @p0 $0xFFFFFF90, s12  }
0x124: {  	[tilespmem:s5], [sflag:$0x3] =	stream.indirect.gather @p0 [hbm4b:s2+s13], $0x80, s3, s13, $0xb8;
	[tilespmem:$0x15B00] =	vst v63  }
0x125: {  	s3 =	simm.s32 @p0 $0x8  }
0x126: {  	_ =	swait.ge @p0 [sflag:s3], $0x3800  }
0x127: {  	[sflag:s3] =	ssyncset.done @p0 $0x0  }
0x128: {  	[sflag:s3] =	ssyncadd.s32 @p0 $0xFFFFC800;
	s3 =	simm.s32 @p0 $0xEB00  }
0x129: {  	[tilespmem:s3], [sflag:$0x4] =	stream.indirect.gather @p0 [hbm4b:s2+s13], $0x80, s12, s13, $0xb8;
	[tilespmem:$0x15B00] =	vst v63  }
0x12a: {  	s3 =	simm.s32 @p0 $0x9  }
0x12b: {  	_ =	swait.ge @p0 [sflag:s3], $0x3800  }
0x12c: {  	s5 =	simm.s32 @!p0 $0x7B00;
	[sflag:s3] =	ssyncset.done @p0 $0x0  }
0x12d: {  	s12 =	simm.s32 @!p0 $0x3D80;
	[sflag:s3] =	ssyncadd.s32 @p0 $0xFFFFC800;
	s3 =	simm.s32 @!p0 $0x70  }
0x12e: {  	[tilespmem:s5], [sflag:$0x2] =	stream.indirect.gather @!p0 [hbm4b:s2+s3], $0x80, s12, s3, $0xb8;
	[tilespmem:$0x15B00] =	vst v63  }
0x12f: {  	s5 =	simm.s32 @!p0 $0x3DF0;
	s12 =	simm.s32 @!p0 $0xB300  }
0x130: {  	[tilespmem:s12], [sflag:$0x3] =	stream.indirect.gather @!p0 [hbm4b:s2+s3], $0x80, s5, s3, $0xb8;
	[tilespmem:$0x15B00] =	vst v63  }
0x131: {  	s5 =	simm.s32 @!p0 $0x3E60;
	s12 =	simm.s32 @!p0 $0xEB00  }
0x132: {  	[tilespmem:s12], [sflag:$0x4] =	stream.indirect.gather @!p0 [hbm4b:s2+s3], $0x80, s5, s3, $0xb8;
	[tilespmem:$0x15B00] =	vst v63  }
0x133: {  	s1 =	sadd.s32 $0x3ED0, s1  }
0x134: {  	[tilespmem:s24], [sflag:$0x5] =	stream.indirect.gather [hbm4b:s2+s8], $0x80, s1, s8, $0xb8;
	[tilespmem:$0x15B00] =	vst v63  }
0x135: {  	_ =	swait.ge [sflag:s22], $0x3800  }
0x136: {  	[sflag:s22] =	ssyncset.done $0x0  }
0x137: {  	s19 =	sadd.s32 s6, s7;
	[sflag:s22] =	ssyncadd.s32 $0xFFFFC800  }
0x138: {  	[hbm4b:s19+s10] =	stream.strided.scatter [tilespmem:s26], [sflag:$0x6], $0x3800, s11, s10, $0x38;
	[tilespmem:$0x15B00] =	vst v63  }
0x139: {  	_ =	swait.ge [sflag:s29], $0x3800  }
0x13a: {  	[sflag:s29] =	ssyncset.done $0x0  }
0x13b: {  	s23 =	sadd.s32 s6, s20;
	[sflag:s29] =	ssyncadd.s32 $0xFFFFC800  }
0x13c: {  	[hbm4b:s23+s10] =	stream.strided.scatter [tilespmem:s30], [sflag:$0x7], $0x3800, s11, s10, $0x38;
	[tilespmem:$0x15B00] =	vst v63  }
0x13d: {  	_ =	swait.ge [sflag:s25], $0x3800  }
0x13e: {  	[sflag:s25] =	ssyncset.done $0x0  }
0x13f: {  	s28 =	sadd.s32 s6, s28;
	[sflag:s25] =	ssyncadd.s32 $0xFFFFC800  }
0x140: {  	[hbm4b:s28+s10] =	stream.strided.scatter [tilespmem:s4], [sflag:$0x8], $0x3800, s11, s10, $0x38;
	[tilespmem:$0x15B00] =	vst v63  }
0x141: {  	_ =	swait.ge [sflag:s0], $0x3800  }
0x142: {  	[sflag:s0] =	ssyncset.done $0x0  }
0x143: {  	s1 =	sadd.s32 $0x6900, s19;
	[sflag:s0] =	ssyncadd.s32 $0xFFFFC800  }
0x144: {  	[hbm4b:s1+s10] =	stream.strided.scatter [tilespmem:s24], [sflag:$0x9], $0x3800, s11, s10, $0x38;
	[tilespmem:$0x15B00] =	vst v63  }
0x145: {  	_ =	swait.ge [sflag:s21], $0x3800  }
0x146: {  	[sflag:s21] =	ssyncset.done $0x0  }
0x147: {  	s19 =	simm.s32 $0x7;
	[sflag:s21] =	ssyncadd.s32 $0xFFFFC800  }
0x148: {  	_ =	swait.ge [sflag:s19], $0x3800  }
0x149: {  	[sflag:s19] =	ssyncset.done $0x0  }
0x14a: {  	s20 =	simm.s32 $0x8;
	[sflag:s19] =	ssyncadd.s32 $0xFFFFC800  }
0x14b: {  	_ =	swait.ge [sflag:s20], $0x3800  }
0x14c: {  	[sflag:s20] =	ssyncset.done $0x0  }
0x14d: {  	s23 =	simm.s32 $0x9;
	[sflag:s20] =	ssyncadd.s32 $0xFFFFC800  }
0x14e: {  	_ =	swait.ge [sflag:s23], $0x3800  }
0x14f: {  	[sflag:s23] =	ssyncset.done $0x0  }
0x150: {  	s31 =	simm.s32 $0x1;
	[sflag:s23] =	ssyncadd.s32 $0xFFFFC800  }
0x151: {  	_ =	swait.ge [sflag:s31], $0x70  }
0x152: {  	[sflag:s31] =	ssyncset.done $0x0  }
0x153: {  	[sflag:s31] =	ssyncadd.s32 $0xFFFFFF90  }
0x154: {  	_ =	swait.ge [sflag:s31], $0x70  }
0x155: {  	[sflag:s31] =	ssyncset.done $0x0  }
0x156: {  	[sflag:s31] =	ssyncadd.s32 $0xFFFFFF90  }
0x157: {  	_ =	swait.ge [sflag:s31], $0x70  }
0x158: {  	[sflag:s31] =	ssyncset.done $0x0  }
0x159: {  	[sflag:s31] =	ssyncadd.s32 $0xFFFFFF90  }
0x15a: {  	_ =	swait.ge [sflag:s31], $0x70  }
0x15b: {  	[sflag:s31] =	ssyncset.done $0x0  }
0x15c: {  	[sflag:s31] =	ssyncadd.s32 $0xFFFFFF90  }
0x15d: {  	_ =	swait.ge [sflag:s31], $0x70  }
0x15e: {  	[sflag:s31] =	ssyncset.done $0x0  }
0x15f: {  	[sflag:s31] =	ssyncadd.s32 $0xFFFFFF90  }
0x160: {  	_ =	swait.ge [sflag:s31], $0x70  }
0x161: {  	[sflag:s31] =	ssyncset.done $0x0  }
0x162: {  	[sflag:s31] =	ssyncadd.s32 $0xFFFFFF90  }
0x163: {  	_ =	swait.ge [sflag:s31], $0x70  }
0x164: {  	[sflag:s31] =	ssyncset.done $0x0  }
0x165: {  	[sflag:s31] =	ssyncadd.s32 $0xFFFFFF90  }
0x166: {  	_ =	swait.ge [sflag:s31], $0x70  }
0x167: {  	[sflag:s31] =	ssyncset.done $0x0  }
0x168: {  	[sflag:s31] =	ssyncadd.s32 $0xFFFFFF90  }
0x169: {  	_ =	swait.ge [sflag:s31], $0x70  }
0x16a: {  	[sflag:s31] =	ssyncset.done $0x0  }
0x16b: {  	[sflag:s31] =	ssyncadd.s32 $0xFFFFFF90  }
0x16c: {  	_ =	swait.ge [sflag:s31], $0x70  }
0x16d: {  	[sflag:s31] =	ssyncset.done $0x0  }
0x16e: {  	[sflag:s31] =	ssyncadd.s32 $0xFFFFFF90  }
0x16f: {  	_ =	swait.ge [sflag:s31], $0x70  }
0x170: {  	[sflag:s31] =	ssyncset.done $0x0  }
0x171: {  	[sflag:s31] =	ssyncadd.s32 $0xFFFFFF90  }
0x172: {  	_ =	swait.ge [sflag:s31], $0x70  }
0x173: {  	[sflag:s31] =	ssyncset.done $0x0  }
0x174: {  	[sflag:s31] =	ssyncadd.s32 $0xFFFFFF90  }
0x175: {  	_ =	swait.ge [sflag:s31], $0x70  }
0x176: {  	[sflag:s31] =	ssyncset.done $0x0  }
0x177: {  	[sflag:s31] =	ssyncadd.s32 $0xFFFFFF90  }
0x178: {  	_ =	swait.ge [sflag:s31], $0x70  }
0x179: {  	[sflag:s31] =	ssyncset.done $0x0  }
0x17a: {  	[sflag:s31] =	ssyncadd.s32 $0xFFFFFF90  }
0x17b: {  	_ =	swait.ge [sflag:s31], $0x70  }
0x17c: {  	[sflag:s31] =	ssyncset.done $0x0  }
0x17d: {  	[sflag:s31] =	ssyncadd.s32 $0xFFFFFF90  }
0x17e: {  	_ =	swait.ge [sflag:s31], $0x70  }
0x17f: {  	[sflag:s31] =	ssyncset.done $0x0  }
0x180: {  	[sflag:s31] =	ssyncadd.s32 $0xFFFFFF90  }
0x181: {  	_ =	swait.ge [sflag:s31], $0x70  }
0x182: {  	[sflag:s31] =	ssyncset.done $0x0  }
0x183: {  	[sflag:s31] =	ssyncadd.s32 $0xFFFFFF90  }
0x184: {  	_ =	swait.ge [sflag:s31], $0x70  }
0x185: {  	[sflag:s31] =	ssyncset.done $0x0  }
0x186: {  	[sflag:s31] =	ssyncadd.s32 $0xFFFFFF90  }
0x187: {  	_ =	swait.ge [sflag:s31], $0x70  }
0x188: {  	[sflag:s31] =	ssyncset.done $0x0  }
0x189: {  	[sflag:s31] =	ssyncadd.s32 $0xFFFFFF90  }
0x18a: {  	_ =	swait.ge [sflag:s31], $0x70  }
0x18b: {  	[sflag:s31] =	ssyncset.done $0x0  }
0x18c: {  	[sflag:s31] =	ssyncadd.s32 $0xFFFFFF90  }
0x18d: {  	_ =	swait.ge [sflag:s31], $0x70  }
0x18e: {  	[sflag:s31] =	ssyncset.done $0x0  }
0x18f: {  	[sflag:s31] =	ssyncadd.s32 $0xFFFFFF90  }
0x190: {  	_ =	swait.ge [sflag:s31], $0x70  }
0x191: {  	[sflag:s31] =	ssyncset.done $0x0  }
0x192: {  	[sflag:s31] =	ssyncadd.s32 $0xFFFFFF90  }
0x193: {  	_ =	swait.ge [sflag:s31], $0x70  }
0x194: {  	[sflag:s31] =	ssyncset.done $0x0  }
0x195: {  	[sflag:s31] =	ssyncadd.s32 $0xFFFFFF90  }
0x196: {  	_ =	swait.ge [sflag:s31], $0x70  }
0x197: {  	[sflag:s31] =	ssyncset.done $0x0  }
0x198: {  	[sflag:s31] =	ssyncadd.s32 $0xFFFFFF90  }
0x199: {  	_ =	swait.ge [sflag:s31], $0x70  }
0x19a: {  	[sflag:s31] =	ssyncset.done $0x0  }
0x19b: {  	[sflag:s31] =	ssyncadd.s32 $0xFFFFFF90  }
0x19c: {  	_ =	swait.ge [sflag:s31], $0x70  }
0x19d: {  	[sflag:s31] =	ssyncset.done $0x0  }
0x19e: {  	[sflag:s31] =	ssyncadd.s32 $0xFFFFFF90  }
0x19f: {  	_ =	swait.ge [sflag:s31], $0x70  }
0x1a0: {  	[sflag:s31] =	ssyncset.done $0x0  }
0x1a1: {  	[sflag:s31] =	ssyncadd.s32 $0xFFFFFF90  }
0x1a2: {  	_ =	swait.ge [sflag:s31], $0x70  }
0x1a3: {  	s3 =	simm.s32 $0x5600;
	[sflag:s31] =	ssyncset.done $0x0  }
0x1a4: {  	s5 =	simm.s32 $0x1880;
	s1 =	simm.s32 $0x1C0;
	[sflag:s31] =	ssyncadd.s32 $0xFFFFFF90  }
.LBB2_6:
0x1a5: {  	[tilespmem:s3], [sflag:$0x1] =	stream.indirect.gather [hbm4b:s9+s8], $0x1, s5, s8, $0xb8;
	[tilespmem:$0x15B00] =	vst v63  }
0x1a6: {  	s3 =	smov.u32 s1;
	p0 =	sne.s32 s1, $0x2F40  }
.Ltmp2:
0x1a7: {  	s1 =	sadd.s32 $0x1C0, s1;
	(pc) =	sbr.rel @p0 .LBB2_6-.Ltmp2, $3  }
0x1a8: {  	_ =	sdelay $0x1  }
0x1a9: {  	s5 =	sshra.s32 s3, $0x2  }
0x1aa: {  	s3 =	sadd.s32 $0x5600, s5;
	s5 =	sadd.s32 $0x1880, s5  }
0x1ab: {  	[tilespmem:s3], [sflag:$0x1] =	stream.indirect.gather [hbm4b:s9+s8], $0x1, s5, s8, $0xb8;
	[tilespmem:$0x15B00] =	vst v63  }
0x1ac: {  	s0 =	simm.s32 $0x49C0  }
0x1ad: {  	[tilespmem:s26], [sflag:$0x2] =	stream.indirect.gather [hbm4b:s2+s8], $0x80, s0, s8, $0xb8;
	[tilespmem:$0x15B00] =	vst v63  }
0x1ae: {  	s14 =	simm.s32 $0x4A30  }
0x1af: {  	[tilespmem:s30], [sflag:$0x3] =	stream.indirect.gather [hbm4b:s2+s8], $0x80, s14, s8, $0xb8;
	[tilespmem:$0x15B00] =	vst v63  }
0x1b0: {  	s15 =	simm.s32 $0x4AA0  }
0x1b1: {  	[tilespmem:s4], [sflag:$0x4] =	stream.indirect.gather [hbm4b:s2+s8], $0x80, s15, s8, $0xb8;
	[tilespmem:$0x15B00] =	vst v63  }
0x1b2: {  	s16 =	simm.s32 $0x4B10  }
0x1b3: {  	[tilespmem:s24], [sflag:$0x5] =	stream.indirect.gather [hbm4b:s2+s8], $0x80, s16, s8, $0xb8;
	[tilespmem:$0x15B00] =	vst v63  }
0x1b4: {  	_ =	swait.ge [sflag:s22], $0x3800  }
0x1b5: {  	[sflag:s22] =	ssyncset.done $0x0  }
0x1b6: {  	s1 =	rddreg [dreg:$0x12];
	[sflag:s22] =	ssyncadd.s32 $0xFFFFC800  }
0x1b7: {  	[hbm4b:s1+s10] =	stream.strided.scatter [tilespmem:s26], [sflag:$0x6], $0x3800, s11, s10, $0x38;
	[tilespmem:$0x15B00] =	vst v63  }
0x1b8: {  	_ =	swait.ge [sflag:s29], $0x3800  }
0x1b9: {  	[sflag:s29] =	ssyncset.done $0x0  }
0x1ba: {  	s28 =	rddreg [dreg:$0x1a];
	[sflag:s29] =	ssyncadd.s32 $0xFFFFC800  }
0x1bb: {  	[hbm4b:s28+s10] =	stream.strided.scatter [tilespmem:s30], [sflag:$0x7], $0x3800, s11, s10, $0x38;
	[tilespmem:$0x15B00] =	vst v63  }
0x1bc: {  	_ =	swait.ge [sflag:s25], $0x3800  }
0x1bd: {  	[sflag:s25] =	ssyncset.done $0x0  }
0x1be: {  	s13 =	simm.s32 $0x5;
	s31 =	rddreg [dreg:$0x1b];
	[sflag:s25] =	ssyncadd.s32 $0xFFFFC800  }
0x1bf: {  	[hbm4b:s31+s10] =	stream.strided.scatter [tilespmem:s4], [sflag:$0x8], $0x3800, s11, s10, $0x38;
	[tilespmem:$0x15B00] =	vst v63  }
0x1c0: {  	_ =	swait.ge [sflag:s13], $0x3800  }
0x1c1: {  	[sflag:s13] =	ssyncset.done $0x0  }
0x1c2: {  	s1 =	rddreg [dreg:$0x13];
	[sflag:s13] =	ssyncadd.s32 $0xFFFFC800  }
0x1c3: {  	[hbm4b:s1+s10] =	stream.strided.scatter [tilespmem:s24], [sflag:$0x9], $0x3800, s11, s10, $0x38;
	[tilespmem:$0x15B00] =	vst v63  }
0x1c4: {  	_ =	swait.ge [sflag:s21], $0x3800  }
0x1c5: {  	[sflag:s21] =	ssyncset.done $0x0  }
0x1c6: {  	s3 =	simm.s32 $0x4B80;
	[sflag:s21] =	ssyncadd.s32 $0xFFFFC800  }
0x1c7: {  	[tilespmem:s26], [sflag:$0x2] =	stream.indirect.gather [hbm4b:s2+s8], $0x80, s3, s8, $0xb8;
	[tilespmem:$0x15B00] =	vst v63  }
0x1c8: {  	_ =	swait.ge [sflag:s19], $0x3800  }
0x1c9: {  	[sflag:s19] =	ssyncset.done $0x0  }
0x1ca: {  	s5 =	simm.s32 $0x4BF0;
	[sflag:s19] =	ssyncadd.s32 $0xFFFFC800  }
0x1cb: {  	[tilespmem:s30], [sflag:$0x3] =	stream.indirect.gather [hbm4b:s2+s8], $0x80, s5, s8, $0xb8;
	[tilespmem:$0x15B00] =	vst v63  }
0x1cc: {  	_ =	swait.ge [sflag:s20], $0x3800  }
0x1cd: {  	[sflag:s20] =	ssyncset.done $0x0  }
0x1ce: {  	s7 =	simm.s32 $0x4C60;
	[sflag:s20] =	ssyncadd.s32 $0xFFFFC800  }
0x1cf: {  	[tilespmem:s4], [sflag:$0x4] =	stream.indirect.gather [hbm4b:s2+s8], $0x80, s7, s8, $0xb8;
	[tilespmem:$0x15B00] =	vst v63  }
0x1d0: {  	_ =	swait.ge [sflag:s23], $0x3800  }
0x1d1: {  	[sflag:s23] =	ssyncset.done $0x0;
	s14 =	rddreg [dreg:$0x18]  }
0x1d2: {  	s12 =	simm.s32 $0x4CD0;
	[sflag:s23] =	ssyncadd.s32 $0xFFFFC800;
	s15 =	sshrl.u32 s14, $0x3  }
0x1d3: {  	[tilespmem:s24], [sflag:$0x5] =	stream.indirect.gather [hbm4b:s2+s8], $0x80, s12, s8, $0xb8;
	[tilespmem:$0x15B00] =	vst v63  }
0x1d4: {  	s16 =	smul.u32 $0x280, s15;
	_ =	swait.ge [sflag:s22], $0x3800  }
0x1d5: {  	[sflag:s22] =	ssyncset.done $0x0  }
0x1d6: {  	s1 =	sadd.s32 s16, s17;
	[sflag:s22] =	ssyncadd.s32 $0xFFFFC800  }
0x1d7: {  	[hbm4b:s1+s10] =	stream.strided.scatter [tilespmem:s26], [sflag:$0x6], $0x3800, s11, s10, $0x38;
	[tilespmem:$0x15B00] =	vst v63  }
0x1d8: {  	_ =	swait.ge [sflag:s29], $0x3800  }
0x1d9: {  	[sflag:s29] =	ssyncset.done $0x0  }
0x1da: {  	s28 =	rddreg [dreg:$0x15];
	[sflag:s29] =	ssyncadd.s32 $0xFFFFC800  }
0x1db: {  	[hbm4b:s28+s10] =	stream.strided.scatter [tilespmem:s30], [sflag:$0x7], $0x3800, s11, s10, $0x38;
	[tilespmem:$0x15B00] =	vst v63  }
0x1dc: {  	_ =	swait.ge [sflag:s25], $0x3800  }
0x1dd: {  	[sflag:s25] =	ssyncset.done $0x0  }
0x1de: {  	s0 =	simm.s32 $0x5;
	s31 =	rddreg [dreg:$0x14];
	[sflag:s25] =	ssyncadd.s32 $0xFFFFC800  }
0x1df: {  	[hbm4b:s31+s10] =	stream.strided.scatter [tilespmem:s4], [sflag:$0x8], $0x3800, s11, s10, $0x38;
	[tilespmem:$0x15B00] =	vst v63  }
0x1e0: {  	s7 =	sadd.s32 $0x1C0, s14;
	s1 =	simm.s32 $0x700;
	_ =	swait.ge [sflag:s13], $0x3800  }
0x1e1: {  	s15 =	sadd.s32 $0x8C00, s28;
	[sflag:s13] =	ssyncset.done $0x0;
	s16 =	rddreg [dreg:$0x16]  }
0x1e2: {  	s14 =	sadd.s32 $0x8C00, s31;
	s12 =	sadd.s32 $0x8C00, s16;
	[sflag:s13] =	ssyncadd.s32 $0xFFFFC800  }
.LBB2_8:
0x1e3: {  	[hbm4b:s16+s10] =	stream.strided.scatter [tilespmem:s24], [sflag:$0x9], $0x3800, s11, s10, $0x38;
	[tilespmem:$0x15B00] =	vst v63  }
0x1e4: {  	s3 =	smov.u32 s1;
	s16 =	smov.u32 s12  }
0x1e5: {  	p0 =	sne.s32 s1, $0x2300;
	s1 =	sadd.s32 $0x700, s1;
	_ =	swait.ge [sflag:s21], $0x3800  }
0x1e6: {  	s3 =	sshra.s32 s3, $0x2;
	[sflag:s21] =	ssyncset.done $0x0  }
0x1e7: {  	s5 =	sadd.s32 $0x4B80, s3;
	[sflag:s21] =	ssyncadd.s32 $0xFFFFC800  }
0x1e8: {  	[tilespmem:s26], [sflag:$0x2] =	stream.indirect.gather [hbm4b:s2+s8], $0x80, s5, s8, $0xb8;
	[tilespmem:$0x15B00] =	vst v63  }
0x1e9: {  	_ =	swait.ge [sflag:s19], $0x3800  }
0x1ea: {  	[sflag:s19] =	ssyncset.done $0x0  }
0x1eb: {  	s5 =	sadd.s32 $0x4BF0, s3;
	[sflag:s19] =	ssyncadd.s32 $0xFFFFC800  }
0x1ec: {  	[tilespmem:s30], [sflag:$0x3] =	stream.indirect.gather [hbm4b:s2+s8], $0x80, s5, s8, $0xb8;
	[tilespmem:$0x15B00] =	vst v63  }
0x1ed: {  	_ =	swait.ge [sflag:s20], $0x3800  }
0x1ee: {  	[sflag:s20] =	ssyncset.done $0x0  }
0x1ef: {  	s5 =	sadd.s32 $0x4C60, s3;
	[sflag:s20] =	ssyncadd.s32 $0xFFFFC800  }
0x1f0: {  	[tilespmem:s4], [sflag:$0x4] =	stream.indirect.gather [hbm4b:s2+s8], $0x80, s5, s8, $0xb8;
	[tilespmem:$0x15B00] =	vst v63  }
0x1f1: {  	_ =	swait.ge [sflag:s23], $0x3800  }
0x1f2: {  	[sflag:s23] =	ssyncset.done $0x0  }
0x1f3: {  	s3 =	sadd.s32 $0x4CD0, s3;
	s5 =	sshrl.u32 s7, $0x3;
	[sflag:s23] =	ssyncadd.s32 $0xFFFFC800  }
0x1f4: {  	[tilespmem:s24], [sflag:$0x5] =	stream.indirect.gather [hbm4b:s2+s8], $0x80, s3, s8, $0xb8;
	[tilespmem:$0x15B00] =	vst v63  }
0x1f5: {  	s3 =	smul.u32 $0x280, s5;
	_ =	swait.ge [sflag:s22], $0x3800  }
0x1f6: {  	[sflag:s22] =	ssyncset.done $0x0  }
0x1f7: {  	s3 =	sadd.s32 s3, s17;
	[sflag:s22] =	ssyncadd.s32 $0xFFFFC800  }
0x1f8: {  	[hbm4b:s3+s10] =	stream.strided.scatter [tilespmem:s26], [sflag:$0x6], $0x3800, s11, s10, $0x38;
	[tilespmem:$0x15B00] =	vst v63  }
0x1f9: {  	_ =	swait.ge [sflag:s29], $0x3800  }
0x1fa: {  	[sflag:s29] =	ssyncset.done $0x0  }
0x1fb: {  	[sflag:s29] =	ssyncadd.s32 $0xFFFFC800  }
0x1fc: {  	[hbm4b:s15+s10] =	stream.strided.scatter [tilespmem:s30], [sflag:$0x7], $0x3800, s11, s10, $0x38;
	[tilespmem:$0x15B00] =	vst v63  }
0x1fd: {  	_ =	swait.ge [sflag:s25], $0x3800  }
0x1fe: {  	[sflag:s25] =	ssyncset.done $0x0  }
.Ltmp3:
0x1ff: {  	[sflag:s25] =	ssyncadd.s32 $0xFFFFC800;
	(pc) =	sbr.rel @p0 .LBB2_8-.Ltmp3, $4  }
0x200: {  	[hbm4b:s14+s10] =	stream.strided.scatter [tilespmem:s4], [sflag:$0x8], $0x3800, s11, s10, $0x38;
	[tilespmem:$0x15B00] =	vst v63  }
0x201: {  	_ =	swait.ge [sflag:s0], $0x3800  }
0x202: {  	s12 =	sadd.s32 $0x8C00, s12;
	s7 =	sadd.s32 $0x1C0, s7;
	[sflag:s0] =	ssyncset.done $0x0  }
0x203: {  	s15 =	sadd.s32 $0x8C00, s15;
	s14 =	sadd.s32 $0x8C00, s14;
	[sflag:s0] =	ssyncadd.s32 $0xFFFFC800  }
0x204: {  	[hbm4b:s16+s10] =	stream.strided.scatter [tilespmem:s24], [sflag:$0x9], $0x3800, s11, s10, $0x38;
	[tilespmem:$0x15B00] =	vst v63  }
0x205: {  	_ =	swait.ge [sflag:s21], $0x3800  }
0x206: {  	[sflag:s21] =	ssyncset.done $0x0  }
0x207: {  	[sflag:s21] =	ssyncadd.s32 $0xFFFFC800  }
0x208: {  	_ =	swait.ge [sflag:s19], $0x3800  }
0x209: {  	[sflag:s19] =	ssyncset.done $0x0  }
0x20a: {  	[sflag:s19] =	ssyncadd.s32 $0xFFFFC800  }
0x20b: {  	_ =	swait.ge [sflag:s20], $0x3800  }
0x20c: {  	[sflag:s20] =	ssyncset.done $0x0  }
0x20d: {  	[sflag:s20] =	ssyncadd.s32 $0xFFFFC800  }
0x20e: {  	_ =	swait.ge [sflag:s23], $0x3800  }
0x20f: {  	[sflag:s23] =	ssyncset.done $0x0  }
0x210: {  	s0 =	simm.s32 $0x1;
	[sflag:s23] =	ssyncadd.s32 $0xFFFFC800  }
0x211: {  	_ =	swait.ge [sflag:s0], $0x70  }
0x212: {  	[sflag:s0] =	ssyncset.done $0x0  }
0x213: {  	[sflag:s0] =	ssyncadd.s32 $0xFFFFFF90  }
0x214: {  	_ =	swait.ge [sflag:s0], $0x70  }
0x215: {  	[sflag:s0] =	ssyncset.done $0x0  }
0x216: {  	[sflag:s0] =	ssyncadd.s32 $0xFFFFFF90  }
0x217: {  	_ =	swait.ge [sflag:s0], $0x70  }
0x218: {  	[sflag:s0] =	ssyncset.done $0x0  }
0x219: {  	[sflag:s0] =	ssyncadd.s32 $0xFFFFFF90  }
0x21a: {  	_ =	swait.ge [sflag:s0], $0x70  }
0x21b: {  	[sflag:s0] =	ssyncset.done $0x0  }
0x21c: {  	[sflag:s0] =	ssyncadd.s32 $0xFFFFFF90  }
0x21d: {  	_ =	swait.ge [sflag:s0], $0x70  }
0x21e: {  	[sflag:s0] =	ssyncset.done $0x0  }
0x21f: {  	[sflag:s0] =	ssyncadd.s32 $0xFFFFFF90  }
0x220: {  	_ =	swait.ge [sflag:s0], $0x70  }
0x221: {  	[sflag:s0] =	ssyncset.done $0x0  }
0x222: {  	[sflag:s0] =	ssyncadd.s32 $0xFFFFFF90  }
0x223: {  	_ =	swait.ge [sflag:s0], $0x70  }
0x224: {  	[sflag:s0] =	ssyncset.done $0x0  }
0x225: {  	[sflag:s0] =	ssyncadd.s32 $0xFFFFFF90  }
0x226: {  	_ =	swait.ge [sflag:s0], $0x70  }
0x227: {  	[sflag:s0] =	ssyncset.done $0x0  }
0x228: {  	[sflag:s0] =	ssyncadd.s32 $0xFFFFFF90  }
0x229: {  	_ =	swait.ge [sflag:s0], $0x70  }
0x22a: {  	[sflag:s0] =	ssyncset.done $0x0  }
0x22b: {  	[sflag:s0] =	ssyncadd.s32 $0xFFFFFF90  }
0x22c: {  	_ =	swait.ge [sflag:s0], $0x70  }
0x22d: {  	[sflag:s0] =	ssyncset.done $0x0  }
0x22e: {  	[sflag:s0] =	ssyncadd.s32 $0xFFFFFF90  }
0x22f: {  	_ =	swait.ge [sflag:s0], $0x70  }
0x230: {  	[sflag:s0] =	ssyncset.done $0x0  }
0x231: {  	[sflag:s0] =	ssyncadd.s32 $0xFFFFFF90  }
0x232: {  	_ =	swait.ge [sflag:s0], $0x70  }
0x233: {  	[sflag:s0] =	ssyncset.done $0x0  }
0x234: {  	[sflag:s0] =	ssyncadd.s32 $0xFFFFFF90  }
0x235: {  	_ =	swait.ge [sflag:s0], $0x70  }
0x236: {  	[sflag:s0] =	ssyncset.done $0x0  }
0x237: {  	[sflag:s0] =	ssyncadd.s32 $0xFFFFFF90  }
0x238: {  	_ =	swait.ge [sflag:s0], $0x70  }
0x239: {  	[sflag:s0] =	ssyncset.done $0x0  }
0x23a: {  	[sflag:s0] =	ssyncadd.s32 $0xFFFFFF90  }
0x23b: {  	_ =	swait.ge [sflag:s0], $0x70  }
0x23c: {  	[sflag:s0] =	ssyncset.done $0x0  }
0x23d: {  	[sflag:s0] =	ssyncadd.s32 $0xFFFFFF90  }
0x23e: {  	_ =	swait.ge [sflag:s0], $0x70  }
0x23f: {  	[sflag:s0] =	ssyncset.done $0x0  }
0x240: {  	[sflag:s0] =	ssyncadd.s32 $0xFFFFFF90  }
0x241: {  	_ =	swait.ge [sflag:s0], $0x70  }
0x242: {  	[sflag:s0] =	ssyncset.done $0x0  }
0x243: {  	[sflag:s0] =	ssyncadd.s32 $0xFFFFFF90  }
0x244: {  	_ =	swait.ge [sflag:s0], $0x70  }
0x245: {  	[sflag:s0] =	ssyncset.done $0x0  }
0x246: {  	[sflag:s0] =	ssyncadd.s32 $0xFFFFFF90  }
0x247: {  	_ =	swait.ge [sflag:s0], $0x70  }
0x248: {  	[sflag:s0] =	ssyncset.done $0x0  }
0x249: {  	[sflag:s0] =	ssyncadd.s32 $0xFFFFFF90  }
0x24a: {  	_ =	swait.ge [sflag:s0], $0x70  }
0x24b: {  	[sflag:s0] =	ssyncset.done $0x0  }
0x24c: {  	[sflag:s0] =	ssyncadd.s32 $0xFFFFFF90  }
0x24d: {  	_ =	swait.ge [sflag:s0], $0x70  }
0x24e: {  	[sflag:s0] =	ssyncset.done $0x0  }
0x24f: {  	[sflag:s0] =	ssyncadd.s32 $0xFFFFFF90  }
0x250: {  	_ =	swait.ge [sflag:s0], $0x70  }
0x251: {  	[sflag:s0] =	ssyncset.done $0x0  }
0x252: {  	[sflag:s0] =	ssyncadd.s32 $0xFFFFFF90  }
0x253: {  	_ =	swait.ge [sflag:s0], $0x70  }
0x254: {  	[sflag:s0] =	ssyncset.done $0x0  }
0x255: {  	[sflag:s0] =	ssyncadd.s32 $0xFFFFFF90  }
0x256: {  	_ =	swait.ge [sflag:s0], $0x70  }
0x257: {  	[sflag:s0] =	ssyncset.done $0x0  }
0x258: {  	[sflag:s0] =	ssyncadd.s32 $0xFFFFFF90  }
0x259: {  	_ =	swait.ge [sflag:s0], $0x70  }
0x25a: {  	[sflag:s0] =	ssyncset.done $0x0  }
0x25b: {  	[sflag:s0] =	ssyncadd.s32 $0xFFFFFF90  }
0x25c: {  	_ =	swait.ge [sflag:s0], $0x70  }
0x25d: {  	[sflag:s0] =	ssyncset.done $0x0  }
0x25e: {  	[sflag:s0] =	ssyncadd.s32 $0xFFFFFF90  }
0x25f: {  	_ =	swait.ge [sflag:s0], $0x70  }
0x260: {  	[sflag:s0] =	ssyncset.done $0x0  }
0x261: {  	[sflag:s0] =	ssyncadd.s32 $0xFFFFFF90  }
0x262: {  	_ =	swait.ge [sflag:s0], $0x70  }
0x263: {  	s3 =	simm.s32 $0x0;
	s1 =	simm.s32 $0x1C0;
	[sflag:s0] =	ssyncset.done $0x0  }
0x264: {  	s5 =	simm.s32 $0x6240;
	s7 =	simm.s32 $0x24C0;
	[sflag:s0] =	ssyncadd.s32 $0xFFFFFF90  }
.LBB2_10:
0x265: {  	[tilespmem:s5], [sflag:$0x1] =	stream.indirect.gather [hbm4b:s9+s8], $0x1, s7, s8, $0xb8;
	[tilespmem:$0x15B00] =	vst v63  }
0x266: {  	s5 =	smov.u32 s1;
	p0 =	sne.s32 s1, $0x2F40  }
.Ltmp4:
0x267: {  	s1 =	sadd.s32 $0x1C0, s1;
	(pc) =	sbr.rel @p0 .LBB2_10-.Ltmp4, $3  }
0x268: {  	_ =	sdelay $0x1  }
0x269: {  	s7 =	sshra.s32 s5, $0x2  }
0x26a: {  	s5 =	sadd.s32 $0x6240, s7;
	s7 =	sadd.s32 $0x24C0, s7  }
0x26b: {  	[tilespmem:s5], [sflag:$0x1] =	stream.indirect.gather [hbm4b:s9+s8], $0x1, s7, s8, $0xb8;
	[tilespmem:$0x15B00] =	vst v63  }
0x26c: {  	p1 =	por $0x0, $0x0;
	s31 =	smov.u32 s18  }
0x26d: {  	s0 =	rddreg [dreg:$0x19];
	s3 =	simm.s32 @!p1 $0x0;
	s5 =	simm.s32 @p1 $0x5600  }
0x26e: {  	s7 =	simm.s32 @p1 $0x5670;
	s12 =	simm.s32 @p1 $0x56E0;
	s13 =	simm.s32 @p1 $0x3D80  }
0x26f: {  	p0 =	por p1, p1;
	s17 =	sadd.s32 $0x38, s0;
	s1 =	sadd.s32 s18, s3  }
0x270: {  	s18 =	rddreg [dreg:$0x6];
	s15 =	simm.s32 @p0 $0x6;
	s13 =	simm.s32 @!p1 $0x3D80  }
0x271: {  	s16 =	simm.s32 @p0 $0x7;
	s19 =	simm.s32 @p0 $0x7B00;
	s14 =	smov.u32 s18  }
0x272: {  	s1 =	sshrl.u32 s1, $0x3;
	_ =	swait.ge @p0 [sflag:s15], $0x3800;
	s14 =	smov.u32 @p1 s0  }
0x273: {  	s9 =	rddreg [dreg:$0x5];
	[sflag:s15] =	ssyncset.done @p0 $0x0;
	s14 =	smul.u32 $0x1400, s14  }
0x274: {  	s3 =	sadd.s32 s3, s9;
	[sflag:s15] =	ssyncadd.s32 @p0 $0xFFFFC800;
	s15 =	simm.s32 @p0 $0x70  }
0x275: {  	[tilespmem:s19], [sflag:$0x2] =	stream.indirect.gather @p0 [hbm4b:s2+s15], $0x80, s5, s15, $0xb8;
	[tilespmem:$0x15B00] =	vst v63  }
0x276: {  	s1 =	smul.u32 $0x280, s1;
	s3 =	sshrl.u32 s3, $0x3;
	s19 =	simm.s32 @p0 $0x8  }
0x277: {  	s14 =	sshrl.u32 s14, $0x3;
	_ =	swait.ge @p0 [sflag:s16], $0x3800;
	s3 =	smul.u32 $0x1400, s3  }
0x278: {  	s14 =	sadd.s32 s6, s14;
	[sflag:s16] =	ssyncset.done @p0 $0x0;
	s20 =	rddreg [dreg:$0x4]  }
0x279: {  	[sflag:s16] =	ssyncadd.s32 @p0 $0xFFFFC800;
	s16 =	simm.s32 @p0 $0xB300;
	s5 =	smov.u32 s20  }
0x27a: {  	[tilespmem:s16], [sflag:$0x3] =	stream.indirect.gather @p0 [hbm4b:s2+s15], $0x80, s7, s15, $0xb8;
	[tilespmem:$0x15B00] =	vst v63  }
0x27b: {  	s3 =	sshrl.u32 s3, $0x3;
	s14 =	sadd.s32 $0x100, s14;
	s7 =	rddreg [dreg:$0x1c]  }
0x27c: {  	s3 =	sadd.s32 s6, s3;
	s16 =	simm.s32 @p0 $0x9;
	s5 =	smov.u32 @p1 s7  }
0x27d: {  	_ =	swait.ge @p0 [sflag:s19], $0x3800;
	s23 =	sadd.s32 $0x8C00, s7;
	s7 =	simm.s32 @p0 $0xEB00  }
0x27e: {  	p1 =	por $0x1, $0x1;
	s3 =	sadd.s32 $0x100, s3;
	[sflag:s19] =	ssyncset.done @p0 $0x0  }
0x27f: {  	s25 =	simm.s32 @p1 $0x5830;
	s28 =	simm.s32 @p1 $0x3F40;
	[sflag:s19] =	ssyncadd.s32 @p0 $0xFFFFC800  }
0x280: {  	[tilespmem:s7], [sflag:$0x4] =	stream.indirect.gather @p0 [hbm4b:s2+s15], $0x80, s12, s15, $0xb8;
	[tilespmem:$0x15B00] =	vst v63  }
0x281: {  	s18 =	smov.u32 @p1 s17;
	s20 =	smov.u32 @p1 s23;
	_ =	swait.ge @p0 [sflag:s16], $0x3800  }
0x282: {  	s19 =	simm.s32 $0x1C0;
	s7 =	simm.s32 @!p0 $0x7B00;
	[sflag:s16] =	ssyncset.done @p0 $0x0  }
0x283: {  	s12 =	simm.s32 @!p0 $0x70;
	s15 =	simm.s32 @!p0 $0x5600;
	[sflag:s16] =	ssyncadd.s32 @p0 $0xFFFFC800  }
0x284: {  	[tilespmem:s7], [sflag:$0x2] =	stream.indirect.gather @!p0 [hbm4b:s2+s12], $0x80, s15, s12, $0xb8;
	[tilespmem:$0x15B00] =	vst v63  }
0x285: {  	s28 =	simm.s32 @!p1 $0x3D80;
	s16 =	simm.s32 @!p0 $0xB300;
	s15 =	simm.s32 @!p0 $0x5670  }
0x286: {  	[tilespmem:s16], [sflag:$0x3] =	stream.indirect.gather @!p0 [hbm4b:s2+s12], $0x80, s15, s12, $0xb8;
	[tilespmem:$0x15B00] =	vst v63  }
0x287: {  	s19 =	simm.s32 @!p1 $0x0;
	s15 =	simm.s32 @!p0 $0x56E0;
	s16 =	simm.s32 @!p0 $0xEB00  }
0x288: {  	[tilespmem:s16], [sflag:$0x4] =	stream.indirect.gather @!p0 [hbm4b:s2+s12], $0x80, s15, s12, $0xb8;
	[tilespmem:$0x15B00] =	vst v63  }
0x289: {  	s21 =	sadd.s32 s31, s19;
	s7 =	simm.s32 $0xE00;
	s16 =	sadd.s32 $0x19D0, s13  }
0x28a: {  	[tilespmem:s24], [sflag:$0x5] =	stream.indirect.gather [hbm4b:s2+s8], $0x80, s16, s8, $0xb8;
	[tilespmem:$0x15B00] =	vst v63  }
0x28b: {  	s15 =	simm.s32 @p1 $0x57C0;
	s12 =	simm.s32 @p1 $0x58A0;
	_ =	swait.ge [sflag:s22], $0x3800  }
0x28c: {  	s13 =	sshrl.u32 s21, $0x3;
	[sflag:s22] =	ssyncset.done $0x0;
	s0 =	rddreg [dreg:$0x1e]  }
0x28d: {  	p0 =	por p1, p1;
	[sflag:s22] =	ssyncadd.s32 $0xFFFFC800;
	s1 =	sadd.s32 s1, s0  }
0x28e: {  	[hbm4b:s1+s10] =	stream.strided.scatter [tilespmem:s26], [sflag:$0x6], $0x3800, s11, s10, $0x38;
	[tilespmem:$0x15B00] =	vst v63  }
0x28f: {  	s21 =	simm.s32 $0x5;
	s31 =	smul.u32 $0x280, s13;
	_ =	swait.ge [sflag:s29], $0x3800  }
0x290: {  	s24 =	smul.u32 $0x1400, s18;
	s5 =	sadd.s32 s5, s0;
	[sflag:s29] =	ssyncset.done $0x0  }
0x291: {  	s22 =	simm.s32 $0x3;
	s26 =	sadd.s32 s19, s9;
	[sflag:s29] =	ssyncadd.s32 $0xFFFFC800  }
0x292: {  	[hbm4b:s14+s10] =	stream.strided.scatter [tilespmem:s30], [sflag:$0x7], $0x3800, s11, s10, $0x38;
	[tilespmem:$0x15B00] =	vst v63  }
0x293: {  	s1 =	sshrl.u32 s24, $0x3;
	s9 =	simm.s32 $0x1400;
	s10 =	simm.s32 $0x4  }
0x294: {  	s24 =	simm.s32 $0x380;
	s13 =	sshrl.u32 s26, $0x3;
	_ =	swait.ge [sflag:s10], $0x3800  }
0x295: {  	s1 =	sadd.s32 s6, s1;
	s26 =	sadd.s32 $0x38, s17;
	[sflag:s10] =	ssyncset.done $0x0  }
0x296: {  	s13 =	smul.u32 $0x1400, s13;
	s11 =	simm.s32 $0x400;
	[sflag:s10] =	ssyncadd.s32 $0xFFFFC800  }
0x297: {  	[hbm4b:s5+s11] =	stream.strided.scatter [tilespmem:s4], [sflag:$0x8], $0x3800, s9, s11, $0x38;
	[tilespmem:$0x15B00] =	vst v63  }
0x298: {  	s13 =	sshrl.u32 s13, $0x3;
	s30 =	simm.s32 $0x2;
	_ =	swait.ge [sflag:s21], $0x3800  }
0x299: {  	s16 =	sadd.s32 s6, s13;
	[dreg:$0x1f] =	wrdreg s17;
	[sflag:s21] =	ssyncset.done $0x0  }
0x29a: {  	[smem:$0x7FD] =	sst s23;
	s23 =	sadd.s32 $0x8C00, s23;
	[sflag:s21] =	ssyncadd.s32 $0xFFFFC800  }
.LBB2_12:
0x29b: {  	s4 =	simm.s32 $0x12300  }
0x29c: {  	s14 =	smov.u32 s16;
	s5 =	simm.s32 @p0 $0x6;
	s16 =	smov.u32 s24  }
0x29d: {  	s17 =	simm.s32 @p0 $0x7;
	s29 =	simm.s32 @p0 $0x70;
	s18 =	simm.s32 @p0 $0x8  }
0x29e: {  	[hbm4b:s3+s11] =	stream.strided.scatter [tilespmem:s4], [sflag:$0x9], $0x3800, s9, s11, $0x38;
	[tilespmem:$0x15B00] =	vst v63  }
0x29f: {  	s20 =	sadd.s32 s20, s0;
	s24 =	sadd.s32 $0x1C0, s24;
	_ =	swait.ge @p0 [sflag:s5], $0x3800  }
0x2a0: {  	s3 =	smov.u32 s7;
	s7 =	sadd.s32 $0x700, s7;
	[sflag:s5] =	ssyncset.done @p0 $0x0  }
0x2a1: {  	p1 =	sne.s32 s3, $0x0;
	[sflag:s5] =	ssyncadd.s32 @p0 $0xFFFFC800;
	s5 =	simm.s32 @p0 $0x7B00  }
0x2a2: {  	[tilespmem:s5], [sflag:$0x2] =	stream.indirect.gather @p0 [hbm4b:s2+s29], $0x80, s15, s29, $0xb8;
	[tilespmem:$0x15B00] =	vst v63  }
0x2a3: {  	s13 =	sshra.s32 @p1 s3, $0x2;
	s16 =	simm.s32 @!p1 $0x0;
	_ =	swait.ge @p0 [sflag:s17], $0x3800  }
0x2a4: {  	s3 =	sadd.s32 @p1 $0x5600, s13;
	s8 =	rddreg [dreg:$0x7];
	[sflag:s17] =	ssyncset.done @p0 $0x0  }
0x2a5: {  	s8 =	sadd.s32 s8, s16;
	[sflag:s17] =	ssyncadd.s32 @p0 $0xFFFFC800;
	s17 =	simm.s32 @p0 $0xB300  }
0x2a6: {  	[tilespmem:s17], [sflag:$0x3] =	stream.indirect.gather @p0 [hbm4b:s2+s29], $0x80, s25, s29, $0xb8;
	[tilespmem:$0x15B00] =	vst v63  }
0x2a7: {  	s19 =	sadd.s32 @p1 $0x5670, s13;
	s15 =	sshrl.u32 s8, $0x3;
	_ =	swait.ge @p0 [sflag:s18], $0x3800  }
0x2a8: {  	s8 =	smul.u32 $0x280, s15;
	s17 =	rddreg [dreg:$0x6];
	[sflag:s18] =	ssyncset.done @p0 $0x0  }
0x2a9: {  	s15 =	simm.s32 @p0 $0xEB00;
	s17 =	smov.u32 @p1 s26;
	[sflag:s18] =	ssyncadd.s32 @p0 $0xFFFFC800  }
0x2aa: {  	[tilespmem:s15], [sflag:$0x4] =	stream.indirect.gather @p0 [hbm4b:s2+s29], $0x80, s12, s29, $0xb8;
	[tilespmem:$0x15B00] =	vst v63  }
0x2ab: {  	s18 =	simm.s32 @p0 $0x9;
	s29 =	smul.u32 $0x1400, s17;
	s17 =	rddreg [dreg:$0x5]  }
0x2ac: {  	s5 =	sadd.s32 @p1 $0x56E0, s13;
	s15 =	sadd.s32 s16, s17;
	_ =	swait.ge @p0 [sflag:s18], $0x3800  }
0x2ad: {  	s16 =	simm.s32 @!p0 $0x7B00;
	s17 =	simm.s32 @!p0 $0x70;
	[sflag:s18] =	ssyncset.done @p0 $0x0  }
0x2ae: {  	s15 =	sshrl.u32 s15, $0x3;
	[sflag:s18] =	ssyncadd.s32 @p0 $0xFFFFC800;
	s18 =	simm.s32 @!p0 $0x5600  }
0x2af: {  	[tilespmem:s16], [sflag:$0x2] =	stream.indirect.gather @!p0 [hbm4b:s2+s17], $0x80, s18, s17, $0xb8;
	[tilespmem:$0x15B00] =	vst v63  }
0x2b0: {  	s12 =	sshrl.u32 s29, $0x3;
	s16 =	simm.s32 @!p0 $0x5670;
	s18 =	simm.s32 @!p0 $0xB300  }
0x2b1: {  	[tilespmem:s18], [sflag:$0x3] =	stream.indirect.gather @!p0 [hbm4b:s2+s17], $0x80, s16, s17, $0xb8;
	[tilespmem:$0x15B00] =	vst v63  }
0x2b2: {  	s18 =	sadd.s32 s6, s12;
	s12 =	simm.s32 @!p0 $0x56E0;
	s16 =	simm.s32 @!p0 $0xEB00  }
0x2b3: {  	[tilespmem:s16], [sflag:$0x4] =	stream.indirect.gather @!p0 [hbm4b:s2+s17], $0x80, s12, s17, $0xb8;
	[tilespmem:$0x15B00] =	vst v63  }
0x2b4: {  	s25 =	sadd.s32 $0x19D0, s28;
	s29 =	simm.s32 $0x70;
	s12 =	smul.u32 $0x1400, s15  }
0x2b5: {  	[tilespmem:s4], [sflag:$0x5] =	stream.indirect.gather [hbm4b:s2+s29], $0x80, s25, s29, $0xb8;
	[tilespmem:$0x15B00] =	vst v63  }
0x2b6: {  	s13 =	sadd.s32 @p1 $0x3D80, s13;
	s17 =	rddreg [dreg:$0x4];
	_ =	swait.ge [sflag:s30], $0x3800  }
0x2b7: {  	s12 =	sshrl.u32 s12, $0x3;
	s4 =	sadd.s32 s31, s0;
	[sflag:s30] =	ssyncset.done $0x0  }
0x2b8: {  	s16 =	sadd.s32 s6, s12;
	s12 =	simm.s32 $0x7B00;
	[sflag:s30] =	ssyncadd.s32 $0xFFFFC800  }
0x2b9: {  	[hbm4b:s4+s11] =	stream.strided.scatter [tilespmem:s12], [sflag:$0x6], $0x3800, s9, s11, $0x38;
	[tilespmem:$0x15B00] =	vst v63  }
0x2ba: {  	p2 =	sne.s32 s7, $0x3100;
	s13 =	simm.s32 @!p1 $0x3D80;
	_ =	swait.ge [sflag:s22], $0x3800  }
0x2bb: {  	s28 =	smov.u32 s13;
	s13 =	sadd.s32 $0x100, s1;
	[sflag:s22] =	ssyncset.done $0x0  }
0x2bc: {  	s25 =	smov.u32 s19;
	s19 =	simm.s32 $0xB300;
	[sflag:s22] =	ssyncadd.s32 $0xFFFFC800  }
0x2bd: {  	[hbm4b:s13+s11] =	stream.strided.scatter [tilespmem:s19], [sflag:$0x7], $0x3800, s9, s11, $0x38;
	[tilespmem:$0x15B00] =	vst v63  }
0x2be: {  	s26 =	sadd.s32 $0x38, s26;
	s1 =	smov.u32 s18;
	_ =	swait.ge [sflag:s10], $0x3800  }
0x2bf: {  	s15 =	smov.u32 s3;
	p0 =	por p1, p1;
	[sflag:s10] =	ssyncset.done $0x0  }
.Ltmp5:
0x2c0: {  	s29 =	simm.s32 $0xEB00;
	[sflag:s10] =	ssyncadd.s32 $0xFFFFC800;
	(pc) =	sbr.rel @p2 .LBB2_12-.Ltmp5, $4  }
0x2c1: {  	[hbm4b:s20+s11] =	stream.strided.scatter [tilespmem:s29], [sflag:$0x8], $0x3800, s9, s11, $0x38;
	[tilespmem:$0x15B00] =	vst v63  }
0x2c2: {  	s3 =	sadd.s32 $0x100, s14;
	s17 =	smov.u32 @p1 s23;
	_ =	swait.ge [sflag:s21], $0x3800  }
0x2c3: {  	s23 =	sadd.s32 $0x8C00, s23;
	s31 =	smov.u32 s8;
	[sflag:s21] =	ssyncset.done $0x0  }
0x2c4: {  	s12 =	smov.u32 s5;
	s20 =	smov.u32 s17;
	[sflag:s21] =	ssyncadd.s32 $0xFFFFC800  }
0x2c5: {  	s23 =	smov.u32 s6;
	s6 =	rddreg [dreg:$0x6];
	s4 =	simm.s32 $0x12300  }
0x2c6: {  	[hbm4b:s3+s11] =	stream.strided.scatter [tilespmem:s4], [sflag:$0x9], $0x3800, s9, s11, $0x38;
	[tilespmem:$0x15B00] =	vst v63  }
0x2c7: {  	s13 =	rddreg [dreg:$0x7];
	s3 =	simm.s32 @p0 $0x6  }
0x2c8: {  	s29 =	rddreg [dreg:$0x5];
	_ =	swait.ge @p0 [sflag:s3], $0x3800  }
0x2c9: {  	[sflag:s3] =	ssyncset.done @p0 $0x0  }
0x2ca: {  	s5 =	simm.s32 @p0 $0x7B00;
	[sflag:s3] =	ssyncadd.s32 @p0 $0xFFFFC800;
	s3 =	simm.s32 @p0 $0x70  }
0x2cb: {  	[tilespmem:s5], [sflag:$0x2] =	stream.indirect.gather @p0 [hbm4b:s2+s3], $0x80, s15, s3, $0xb8;
	[tilespmem:$0x15B00] =	vst v63  }
0x2cc: {  	s5 =	simm.s32 @p0 $0x7  }
0x2cd: {  	_ =	swait.ge @p0 [sflag:s5], $0x3800  }
0x2ce: {  	[sflag:s5] =	ssyncset.done @p0 $0x0  }
0x2cf: {  	[sflag:s5] =	ssyncadd.s32 @p0 $0xFFFFC800;
	s5 =	simm.s32 @p0 $0xB300  }
0x2d0: {  	[tilespmem:s5], [sflag:$0x3] =	stream.indirect.gather @p0 [hbm4b:s2+s3], $0x80, s25, s3, $0xb8;
	[tilespmem:$0x15B00] =	vst v63  }
0x2d1: {  	s5 =	simm.s32 @p0 $0x8  }
0x2d2: {  	_ =	swait.ge @p0 [sflag:s5], $0x3800  }
0x2d3: {  	[sflag:s5] =	ssyncset.done @p0 $0x0  }
0x2d4: {  	[sflag:s5] =	ssyncadd.s32 @p0 $0xFFFFC800;
	s5 =	simm.s32 @p0 $0xEB00  }
0x2d5: {  	[tilespmem:s5], [sflag:$0x4] =	stream.indirect.gather @p0 [hbm4b:s2+s3], $0x80, s12, s3, $0xb8;
	[tilespmem:$0x15B00] =	vst v63  }
0x2d6: {  	s3 =	simm.s32 @p0 $0x9  }
0x2d7: {  	_ =	swait.ge @p0 [sflag:s3], $0x3800  }
0x2d8: {  	s7 =	simm.s32 @!p0 $0x5600;
	[sflag:s3] =	ssyncset.done @p0 $0x0  }
0x2d9: {  	s5 =	simm.s32 @!p0 $0x7B00;
	[sflag:s3] =	ssyncadd.s32 @p0 $0xFFFFC800;
	s3 =	simm.s32 @!p0 $0x70  }
0x2da: {  	[tilespmem:s5], [sflag:$0x2] =	stream.indirect.gather @!p0 [hbm4b:s2+s3], $0x80, s7, s3, $0xb8;
	[tilespmem:$0x15B00] =	vst v63  }
0x2db: {  	s5 =	simm.s32 @!p0 $0x5670;
	s7 =	simm.s32 @!p0 $0xB300  }
0x2dc: {  	[tilespmem:s7], [sflag:$0x3] =	stream.indirect.gather @!p0 [hbm4b:s2+s3], $0x80, s5, s3, $0xb8;
	[tilespmem:$0x15B00] =	vst v63  }
0x2dd: {  	s5 =	simm.s32 @!p0 $0x56E0;
	s7 =	simm.s32 @!p0 $0xEB00  }
0x2de: {  	[tilespmem:s7], [sflag:$0x4] =	stream.indirect.gather @!p0 [hbm4b:s2+s3], $0x80, s5, s3, $0xb8;
	[tilespmem:$0x15B00] =	vst v63  }
0x2df: {  	s14 =	sadd.s32 $0x19D0, s28;
	s15 =	simm.s32 $0x70  }
0x2e0: {  	[tilespmem:s4], [sflag:$0x5] =	stream.indirect.gather [hbm4b:s2+s15], $0x80, s14, s15, $0xb8;
	[tilespmem:$0x15B00] =	vst v63  }
0x2e1: {  	_ =	swait.ge [sflag:s30], $0x3800  }
0x2e2: {  	[sflag:s30] =	ssyncset.done $0x0  }
0x2e3: {  	s17 =	sadd.s32 s31, s0;
	s18 =	simm.s32 $0x7B00;
	[sflag:s30] =	ssyncadd.s32 $0xFFFFC800  }
0x2e4: {  	[hbm4b:s17+s11] =	stream.strided.scatter [tilespmem:s18], [sflag:$0x6], $0x3800, s9, s11, $0x38;
	[tilespmem:$0x15B00] =	vst v63  }
0x2e5: {  	_ =	swait.ge [sflag:s22], $0x3800  }
0x2e6: {  	[sflag:s22] =	ssyncset.done $0x0  }
0x2e7: {  	s1 =	sadd.s32 $0x100, s1;
	s19 =	simm.s32 $0xB300;
	[sflag:s22] =	ssyncadd.s32 $0xFFFFC800  }
0x2e8: {  	[hbm4b:s1+s11] =	stream.strided.scatter [tilespmem:s19], [sflag:$0x7], $0x3800, s9, s11, $0x38;
	[tilespmem:$0x15B00] =	vst v63  }
0x2e9: {  	_ =	swait.ge [sflag:s10], $0x3800  }
0x2ea: {  	[sflag:s10] =	ssyncset.done $0x0  }
0x2eb: {  	s20 =	sadd.s32 s20, s0;
	s22 =	simm.s32 $0xEB00;
	[sflag:s10] =	ssyncadd.s32 $0xFFFFC800  }
0x2ec: {  	[hbm4b:s20+s11] =	stream.strided.scatter [tilespmem:s22], [sflag:$0x8], $0x3800, s9, s11, $0x38;
	[tilespmem:$0x15B00] =	vst v63  }
0x2ed: {  	_ =	swait.ge [sflag:s21], $0x3800  }
0x2ee: {  	[sflag:s21] =	ssyncset.done $0x0  }
0x2ef: {  	s24 =	sadd.s32 $0x100, s16;
	s25 =	simm.s32 $0x6;
	[sflag:s21] =	ssyncadd.s32 $0xFFFFC800  }
0x2f0: {  	[hbm4b:s24+s11] =	stream.strided.scatter [tilespmem:s4], [sflag:$0x9], $0x3800, s9, s11, $0x38;
	[tilespmem:$0x15B00] =	vst v63  }
0x2f1: {  	_ =	swait.ge [sflag:s25], $0x3800  }
0x2f2: {  	[sflag:s25] =	ssyncset.done $0x0  }
0x2f3: {  	s26 =	simm.s32 $0x7;
	[sflag:s25] =	ssyncadd.s32 $0xFFFFC800  }
0x2f4: {  	_ =	swait.ge [sflag:s26], $0x3800  }
0x2f5: {  	[sflag:s26] =	ssyncset.done $0x0  }
0x2f6: {  	s28 =	simm.s32 $0x8;
	[sflag:s26] =	ssyncadd.s32 $0xFFFFC800  }
0x2f7: {  	_ =	swait.ge [sflag:s28], $0x3800  }
0x2f8: {  	[sflag:s28] =	ssyncset.done $0x0  }
0x2f9: {  	s30 =	simm.s32 $0x9;
	[sflag:s28] =	ssyncadd.s32 $0xFFFFC800  }
0x2fa: {  	_ =	swait.ge [sflag:s30], $0x3800  }
0x2fb: {  	[sflag:s30] =	ssyncset.done $0x0  }
0x2fc: {  	s31 =	simm.s32 $0x1;
	[sflag:s30] =	ssyncadd.s32 $0xFFFFC800  }
0x2fd: {  	_ =	swait.ge [sflag:s31], $0x70  }
0x2fe: {  	[sflag:s31] =	ssyncset.done $0x0  }
0x2ff: {  	[sflag:s31] =	ssyncadd.s32 $0xFFFFFF90  }
0x300: {  	_ =	swait.ge [sflag:s31], $0x70  }
0x301: {  	[sflag:s31] =	ssyncset.done $0x0  }
0x302: {  	[sflag:s31] =	ssyncadd.s32 $0xFFFFFF90  }
0x303: {  	_ =	swait.ge [sflag:s31], $0x70  }
0x304: {  	[sflag:s31] =	ssyncset.done $0x0  }
0x305: {  	[sflag:s31] =	ssyncadd.s32 $0xFFFFFF90  }
0x306: {  	_ =	swait.ge [sflag:s31], $0x70  }
0x307: {  	[sflag:s31] =	ssyncset.done $0x0  }
0x308: {  	[sflag:s31] =	ssyncadd.s32 $0xFFFFFF90  }
0x309: {  	_ =	swait.ge [sflag:s31], $0x70  }
0x30a: {  	[sflag:s31] =	ssyncset.done $0x0  }
0x30b: {  	[sflag:s31] =	ssyncadd.s32 $0xFFFFFF90  }
0x30c: {  	_ =	swait.ge [sflag:s31], $0x70  }
0x30d: {  	[sflag:s31] =	ssyncset.done $0x0  }
0x30e: {  	[sflag:s31] =	ssyncadd.s32 $0xFFFFFF90  }
0x30f: {  	_ =	swait.ge [sflag:s31], $0x70  }
0x310: {  	[sflag:s31] =	ssyncset.done $0x0  }
0x311: {  	[sflag:s31] =	ssyncadd.s32 $0xFFFFFF90  }
0x312: {  	_ =	swait.ge [sflag:s31], $0x70  }
0x313: {  	[sflag:s31] =	ssyncset.done $0x0  }
0x314: {  	[sflag:s31] =	ssyncadd.s32 $0xFFFFFF90  }
0x315: {  	_ =	swait.ge [sflag:s31], $0x70  }
0x316: {  	[sflag:s31] =	ssyncset.done $0x0  }
0x317: {  	[sflag:s31] =	ssyncadd.s32 $0xFFFFFF90  }
0x318: {  	_ =	swait.ge [sflag:s31], $0x70  }
0x319: {  	[sflag:s31] =	ssyncset.done $0x0  }
0x31a: {  	[sflag:s31] =	ssyncadd.s32 $0xFFFFFF90  }
0x31b: {  	_ =	swait.ge [sflag:s31], $0x70  }
0x31c: {  	[sflag:s31] =	ssyncset.done $0x0  }
0x31d: {  	[sflag:s31] =	ssyncadd.s32 $0xFFFFFF90  }
0x31e: {  	_ =	swait.ge [sflag:s31], $0x70  }
0x31f: {  	[sflag:s31] =	ssyncset.done $0x0  }
0x320: {  	[sflag:s31] =	ssyncadd.s32 $0xFFFFFF90  }
0x321: {  	_ =	swait.ge [sflag:s31], $0x70  }
0x322: {  	[sflag:s31] =	ssyncset.done $0x0  }
0x323: {  	[sflag:s31] =	ssyncadd.s32 $0xFFFFFF90  }
0x324: {  	_ =	swait.ge [sflag:s31], $0x70  }
0x325: {  	[sflag:s31] =	ssyncset.done $0x0  }
0x326: {  	[sflag:s31] =	ssyncadd.s32 $0xFFFFFF90  }
0x327: {  	_ =	swait.ge [sflag:s31], $0x70  }
0x328: {  	[sflag:s31] =	ssyncset.done $0x0  }
0x329: {  	[sflag:s31] =	ssyncadd.s32 $0xFFFFFF90  }
0x32a: {  	_ =	swait.ge [sflag:s31], $0x70  }
0x32b: {  	[sflag:s31] =	ssyncset.done $0x0  }
0x32c: {  	[sflag:s31] =	ssyncadd.s32 $0xFFFFFF90  }
0x32d: {  	_ =	swait.ge [sflag:s31], $0x70  }
0x32e: {  	[sflag:s31] =	ssyncset.done $0x0  }
0x32f: {  	[sflag:s31] =	ssyncadd.s32 $0xFFFFFF90  }
0x330: {  	_ =	swait.ge [sflag:s31], $0x70  }
0x331: {  	[sflag:s31] =	ssyncset.done $0x0  }
0x332: {  	[sflag:s31] =	ssyncadd.s32 $0xFFFFFF90  }
0x333: {  	_ =	swait.ge [sflag:s31], $0x70  }
0x334: {  	[sflag:s31] =	ssyncset.done $0x0  }
0x335: {  	[sflag:s31] =	ssyncadd.s32 $0xFFFFFF90  }
0x336: {  	_ =	swait.ge [sflag:s31], $0x70  }
0x337: {  	[sflag:s31] =	ssyncset.done $0x0  }
0x338: {  	[sflag:s31] =	ssyncadd.s32 $0xFFFFFF90  }
0x339: {  	_ =	swait.ge [sflag:s31], $0x70  }
0x33a: {  	[sflag:s31] =	ssyncset.done $0x0  }
0x33b: {  	[sflag:s31] =	ssyncadd.s32 $0xFFFFFF90  }
0x33c: {  	_ =	swait.ge [sflag:s31], $0x70  }
0x33d: {  	[sflag:s31] =	ssyncset.done $0x0  }
0x33e: {  	[sflag:s31] =	ssyncadd.s32 $0xFFFFFF90  }
0x33f: {  	_ =	swait.ge [sflag:s31], $0x70  }
0x340: {  	[sflag:s31] =	ssyncset.done $0x0  }
0x341: {  	[sflag:s31] =	ssyncadd.s32 $0xFFFFFF90  }
0x342: {  	_ =	swait.ge [sflag:s31], $0x70  }
0x343: {  	[sflag:s31] =	ssyncset.done $0x0  }
0x344: {  	[sflag:s31] =	ssyncadd.s32 $0xFFFFFF90  }
0x345: {  	_ =	swait.ge [sflag:s31], $0x70  }
0x346: {  	[sflag:s31] =	ssyncset.done $0x0  }
0x347: {  	[sflag:s31] =	ssyncadd.s32 $0xFFFFFF90  }
0x348: {  	_ =	swait.ge [sflag:s31], $0x70  }
0x349: {  	[sflag:s31] =	ssyncset.done $0x0  }
0x34a: {  	[sflag:s31] =	ssyncadd.s32 $0xFFFFFF90  }
0x34b: {  	s0 =	simm.s32 $0x3;
	s3 =	simm.s32 $0x1C0;
	_ =	swait.ge [sflag:s31], $0x70  }
0x34c: {  	s5 =	simm.s32 $0x6E80;
	s7 =	simm.s32 $0x3100;
	[sflag:s31] =	ssyncset.done $0x0  }
0x34d: {  	s17 =	simm.s32 $0x70;
	s18 =	simm.s32 $0x12300;
	[sflag:s31] =	ssyncadd.s32 $0xFFFFFF90  }
0x34e: {  	s1 =	simm.s32 $0x0;
	s19 =	simm.s32 $0x7B00;
	_ =	swait.ge [sflag:s31], $0x70  }
0x34f: {  	s10 =	simm.s32 $0x400;
	s20 =	simm.s32 $0xB300;
	[sflag:s31] =	ssyncset.done $0x0  }
0x350: {  	s11 =	simm.s32 $0x1400;
	s4 =	rddreg [dreg:$0x8];
	[sflag:s31] =	ssyncadd.s32 $0xFFFFFF90  }
.LBB2_14:
0x351: {  	[tilespmem:s5], [sflag:$0x1] =	stream.indirect.gather [hbm4b:s4+s17], $0x1, s7, s17, $0xb8;
	[tilespmem:$0x15B00] =	vst v63  }
0x352: {  	s5 =	smov.u32 s3;
	p0 =	sne.s32 s3, $0x2F40  }
.Ltmp6:
0x353: {  	s3 =	sadd.s32 $0x1C0, s3;
	(pc) =	sbr.rel @p0 .LBB2_14-.Ltmp6, $3  }
0x354: {  	_ =	sdelay $0x1  }
0x355: {  	s7 =	sshra.s32 s5, $0x2  }
0x356: {  	s5 =	sadd.s32 $0x6E80, s7;
	s7 =	sadd.s32 $0x3100, s7  }
0x357: {  	[tilespmem:s5], [sflag:$0x1] =	stream.indirect.gather [hbm4b:s4+s17], $0x1, s7, s17, $0xb8;
	[tilespmem:$0x15B00] =	vst v63  }
0x358: {  	p1 =	por $0x0, $0x0;
	s24 =	smov.u32 s6  }
0x359: {  	s12 =	smov.u32 s6;
	s26 =	smov.u32 s13;
	s4 =	rddreg [dreg:$0x19]  }
0x35a: {  	s6 =	smov.u32 s23;
	s30 =	simm.s32 $0x5;
	s1 =	simm.s32 @!p1 $0x0  }
0x35b: {  	s3 =	simm.s32 @p1 $0x6240;
	s5 =	simm.s32 @p1 $0x62B0;
	s7 =	simm.s32 @p1 $0x6320  }
0x35c: {  	s8 =	simm.s32 @p1 $0x3D80;
	p0 =	por p1, p1;
	s12 =	smov.u32 @p1 s4  }
0x35d: {  	s22 =	sadd.s32 s13, s1;
	s14 =	simm.s32 @p0 $0x6;
	s8 =	simm.s32 @!p1 $0x3D80  }
0x35e: {  	s12 =	smul.u32 $0x1400, s12;
	s1 =	sadd.s32 s1, s29;
	s15 =	simm.s32 @p0 $0x7  }
0x35f: {  	s16 =	simm.s32 @p0 $0x7B00;
	s13 =	simm.s32 @p0 $0xB300;
	_ =	swait.ge @p0 [sflag:s14], $0x3800  }
0x360: {  	s25 =	sshrl.u32 s22, $0x3;
	s1 =	sshrl.u32 s1, $0x3;
	s8 =	sadd.s32 $0x2610, s8  }
0x361: {  	s22 =	simm.s32 $0x2;
	[sflag:s14] =	ssyncset.done @p0 $0x0;
	s12 =	sshrl.u32 s12, $0x3  }
0x362: {  	s1 =	smul.u32 $0x1400, s1;
	[sflag:s14] =	ssyncadd.s32 @p0 $0xFFFFC800;
	s14 =	simm.s32 @p0 $0x70  }
0x363: {  	[tilespmem:s16], [sflag:$0x2] =	stream.indirect.gather @p0 [hbm4b:s2+s14], $0x80, s3, s14, $0xb8;
	[tilespmem:$0x15B00] =	vst v63  }
0x364: {  	s4 =	sadd.s32 s23, s12;
	s12 =	simm.s32 @p0 $0xEB00;
	_ =	swait.ge @p0 [sflag:s15], $0x3800  }
0x365: {  	s3 =	smul.u32 $0x280, s25;
	s1 =	sshrl.u32 s1, $0x3;
	[sflag:s15] =	ssyncset.done @p0 $0x0  }
0x366: {  	s21 =	rddreg [dreg:$0x4];
	[sflag:s15] =	ssyncadd.s32 @p0 $0xFFFFC800;
	s15 =	simm.s32 @p0 $0x8  }
0x367: {  	[tilespmem:s13], [sflag:$0x3] =	stream.indirect.gather @p0 [hbm4b:s2+s14], $0x80, s5, s14, $0xb8;
	[tilespmem:$0x15B00] =	vst v63  }
0x368: {  	s16 =	simm.s32 @!p0 $0xB300;
	s13 =	smov.u32 s21;
	_ =	swait.ge @p0 [sflag:s15], $0x3800  }
0x369: {  	s5 =	sadd.s32 $0x180, s4;
	s9 =	rddreg [dreg:$0x1c];
	[sflag:s15] =	ssyncset.done @p0 $0x0  }
0x36a: {  	s4 =	simm.s32 $0x4;
	s13 =	smov.u32 @p1 s9;
	[sflag:s15] =	ssyncadd.s32 @p0 $0xFFFFC800  }
0x36b: {  	[tilespmem:s12], [sflag:$0x4] =	stream.indirect.gather @p0 [hbm4b:s2+s14], $0x80, s7, s14, $0xb8;
	[tilespmem:$0x15B00] =	vst v63  }
0x36c: {  	s15 =	simm.s32 @p0 $0x9;
	p1 =	por $0x1, $0x1;
	s14 =	sadd.s32 s23, s1  }
0x36d: {  	s1 =	simm.s32 $0x1C0;
	s7 =	simm.s32 @!p0 $0x7B00;
	s12 =	simm.s32 @!p0 $0x70  }
0x36e: {  	s25 =	simm.s32 @p1 $0x6470;
	s28 =	simm.s32 @p1 $0x3F40;
	_ =	swait.ge @p0 [sflag:s15], $0x3800  }
0x36f: {  	s1 =	simm.s32 @!p1 $0x0;
	s28 =	simm.s32 @!p1 $0x3D80;
	[sflag:s15] =	ssyncset.done @p0 $0x0  }
0x370: {  	s9 =	sadd.s32 s26, s1;
	[sflag:s15] =	ssyncadd.s32 @p0 $0xFFFFC800;
	s15 =	simm.s32 @!p0 $0x6240  }
0x371: {  	[tilespmem:s7], [sflag:$0x2] =	stream.indirect.gather @!p0 [hbm4b:s2+s12], $0x80, s15, s12, $0xb8;
	[tilespmem:$0x15B00] =	vst v63  }
0x372: {  	s1 =	sadd.s32 s1, s29;
	s26 =	simm.s32 $0xEB00;
	s15 =	simm.s32 @!p0 $0x62B0  }
0x373: {  	[tilespmem:s16], [sflag:$0x3] =	stream.indirect.gather @!p0 [hbm4b:s2+s12], $0x80, s15, s12, $0xb8;
	[tilespmem:$0x15B00] =	vst v63  }
0x374: {  	s29 =	simm.s32 $0x12300;
	s15 =	simm.s32 @!p0 $0x6320;
	s16 =	simm.s32 @!p0 $0xEB00  }
0x375: {  	[tilespmem:s16], [sflag:$0x4] =	stream.indirect.gather @!p0 [hbm4b:s2+s12], $0x80, s15, s12, $0xb8;
	[tilespmem:$0x15B00] =	vst v63  }
0x376: {  	s1 =	sshrl.u32 s1, $0x3;
	s7 =	simm.s32 $0xE00;
	s15 =	simm.s32 @p1 $0x6400  }
0x377: {  	[tilespmem:s18], [sflag:$0x5] =	stream.indirect.gather [hbm4b:s2+s17], $0x80, s8, s17, $0xb8;
	[tilespmem:$0x15B00] =	vst v63  }
0x378: {  	s12 =	simm.s32 @p1 $0x64E0;
	s16 =	smov.u32 s24;
	_ =	swait.ge [sflag:s22], $0x3800  }
0x379: {  	s8 =	sshrl.u32 s9, $0x3;
	[sflag:s22] =	ssyncset.done $0x0;
	s9 =	rddreg [dreg:$0xf]  }
0x37a: {  	p0 =	por p1, p1;
	[sflag:s22] =	ssyncadd.s32 $0xFFFFC800;
	s3 =	sadd.s32 s3, s9  }
0x37b: {  	[hbm4b:s3+s10] =	stream.strided.scatter [tilespmem:s19], [sflag:$0x6], $0x3800, s11, s10, $0x38;
	[tilespmem:$0x15B00] =	vst v63  }
0x37c: {  	s18 =	smul.u32 $0x1400, s1;
	s17 =	rddreg [dreg:$0x1f];
	_ =	swait.ge [sflag:s0], $0x3800  }
0x37d: {  	s31 =	smul.u32 $0x280, s8;
	s16 =	smov.u32 @p1 s17;
	[sflag:s0] =	ssyncset.done $0x0  }
0x37e: {  	s24 =	sadd.s32 s13, s9;
	s16 =	smul.u32 $0x1400, s16;
	[sflag:s0] =	ssyncadd.s32 $0xFFFFC800  }
0x37f: {  	[hbm4b:s5+s10] =	stream.strided.scatter [tilespmem:s20], [sflag:$0x7], $0x3800, s11, s10, $0x38;
	[tilespmem:$0x15B00] =	vst v63  }
0x380: {  	s19 =	sshrl.u32 s18, $0x3;
	s3 =	sshrl.u32 s16, $0x3;
	_ =	swait.ge [sflag:s4], $0x3800  }
0x381: {  	s16 =	sadd.s32 s23, s19;
	s1 =	sadd.s32 s23, s3;
	[sflag:s4] =	ssyncset.done $0x0  }
0x382: {  	s3 =	sadd.s32 $0x180, s14;
	s8 =	sld [smem:$0x7FD];
	[sflag:s4] =	ssyncadd.s32 $0xFFFFC800  }
0x383: {  	[hbm4b:s24+s10] =	stream.strided.scatter [tilespmem:s26], [sflag:$0x8], $0x3800, s11, s10, $0x38;
	[tilespmem:$0x15B00] =	vst v63  }
0x384: {  	s0 =	simm.s32 $0x3;
	s20 =	smov.u32 s21;
	_ =	swait.ge [sflag:s30], $0x3800  }
0x385: {  	s26 =	sadd.s32 $0x38, s17;
	s24 =	simm.s32 $0x380;
	[sflag:s30] =	ssyncset.done $0x0  }
0x386: {  	s20 =	smov.u32 @p1 s8;
	s23 =	sadd.s32 $0x8C00, s8;
	[sflag:s30] =	ssyncadd.s32 $0xFFFFC800  }
.LBB2_16:
0x387: {  	[hbm4b:s3+s10] =	stream.strided.scatter [tilespmem:s29], [sflag:$0x9], $0x3800, s11, s10, $0x38;
	[tilespmem:$0x15B00] =	vst v63  }
0x388: {  	s3 =	smov.u32 s7;
	s14 =	smov.u32 s16;
	s5 =	simm.s32 @p0 $0x6  }
0x389: {  	s16 =	smov.u32 s24;
	s17 =	simm.s32 @p0 $0x7;
	_ =	swait.ge @p0 [sflag:s5], $0x3800  }
0x38a: {  	s18 =	simm.s32 @p0 $0x70;
	p1 =	sne.s32 s3, $0x0;
	[sflag:s5] =	ssyncset.done @p0 $0x0  }
0x38b: {  	s8 =	sshra.s32 @p1 s3, $0x2;
	[sflag:s5] =	ssyncadd.s32 @p0 $0xFFFFC800;
	s5 =	simm.s32 @p0 $0x7B00  }
0x38c: {  	[tilespmem:s5], [sflag:$0x2] =	stream.indirect.gather @p0 [hbm4b:s2+s18], $0x80, s15, s18, $0xb8;
	[tilespmem:$0x15B00] =	vst v63  }
0x38d: {  	s16 =	simm.s32 @!p1 $0x0;
	s3 =	sadd.s32 @p1 $0x6240, s8;
	_ =	swait.ge @p0 [sflag:s17], $0x3800  }
0x38e: {  	s19 =	sadd.s32 @p1 $0x62B0, s8;
	s13 =	sadd.s32 @p1 $0x3D80, s8;
	s15 =	rddreg [dreg:$0x7]  }
0x38f: {  	s5 =	sadd.s32 @p1 $0x6320, s8;
	[sflag:s17] =	ssyncset.done @p0 $0x0;
	s8 =	sadd.s32 s15, s16  }
0x390: {  	[sflag:s17] =	ssyncadd.s32 @p0 $0xFFFFC800;
	s15 =	simm.s32 @p0 $0xB300;
	s17 =	simm.s32 @p0 $0x8  }
0x391: {  	[tilespmem:s15], [sflag:$0x3] =	stream.indirect.gather @p0 [hbm4b:s2+s18], $0x80, s25, s18, $0xb8;
	[tilespmem:$0x15B00] =	vst v63  }
0x392: {  	s7 =	sadd.s32 $0x700, s7;
	s24 =	sadd.s32 $0x1C0, s24;
	_ =	swait.ge @p0 [sflag:s17], $0x3800  }
0x393: {  	p2 =	sne.s32 s7, $0x3100;
	s15 =	rddreg [dreg:$0x6];
	[sflag:s17] =	ssyncset.done @p0 $0x0  }
0x394: {  	s15 =	smov.u32 @p1 s26;
	[sflag:s17] =	ssyncadd.s32 @p0 $0xFFFFC800;
	s17 =	simm.s32 @p0 $0xEB00  }
0x395: {  	[tilespmem:s17], [sflag:$0x4] =	stream.indirect.gather @p0 [hbm4b:s2+s18], $0x80, s12, s18, $0xb8;
	[tilespmem:$0x15B00] =	vst v63  }
0x396: {  	s13 =	simm.s32 @!p1 $0x3D80;
	s25 =	simm.s32 @p0 $0x9;
	s12 =	smul.u32 $0x1400, s15  }
0x397: {  	s18 =	rddreg [dreg:$0x5];
	s17 =	simm.s32 @!p0 $0x70;
	_ =	swait.ge @p0 [sflag:s25], $0x3800  }
0x398: {  	s15 =	sadd.s32 s16, s18;
	s16 =	simm.s32 @!p0 $0x7B00;
	[sflag:s25] =	ssyncset.done @p0 $0x0  }
0x399: {  	s18 =	simm.s32 @!p0 $0x6240;
	s15 =	sshrl.u32 s15, $0x3;
	[sflag:s25] =	ssyncadd.s32 @p0 $0xFFFFC800  }
0x39a: {  	[tilespmem:s16], [sflag:$0x2] =	stream.indirect.gather @!p0 [hbm4b:s2+s17], $0x80, s18, s17, $0xb8;
	[tilespmem:$0x15B00] =	vst v63  }
0x39b: {  	s12 =	sshrl.u32 s12, $0x3;
	s16 =	simm.s32 @!p0 $0x62B0;
	s18 =	simm.s32 @!p0 $0xB300  }
0x39c: {  	[tilespmem:s18], [sflag:$0x3] =	stream.indirect.gather @!p0 [hbm4b:s2+s17], $0x80, s16, s17, $0xb8;
	[tilespmem:$0x15B00] =	vst v63  }
0x39d: {  	s18 =	sadd.s32 s6, s12;
	s12 =	simm.s32 @!p0 $0x6320;
	s16 =	simm.s32 @!p0 $0xEB00  }
0x39e: {  	[tilespmem:s16], [sflag:$0x4] =	stream.indirect.gather @!p0 [hbm4b:s2+s17], $0x80, s12, s17, $0xb8;
	[tilespmem:$0x15B00] =	vst v63  }
0x39f: {  	s25 =	simm.s32 $0x70;
	s12 =	smul.u32 $0x1400, s15;
	s16 =	sadd.s32 $0x2610, s28  }
0x3a0: {  	[tilespmem:s29], [sflag:$0x5] =	stream.indirect.gather [hbm4b:s2+s25], $0x80, s16, s25, $0xb8;
	[tilespmem:$0x15B00] =	vst v63  }
0x3a1: {  	s8 =	sshrl.u32 s8, $0x3;
	s12 =	sshrl.u32 s12, $0x3;
	_ =	swait.ge [sflag:s22], $0x3800  }
0x3a2: {  	s25 =	smov.u32 s19;
	s19 =	simm.s32 $0x7B00;
	[sflag:s22] =	ssyncset.done $0x0  }
0x3a3: {  	s16 =	sadd.s32 s6, s12;
	s12 =	sadd.s32 s31, s9;
	[sflag:s22] =	ssyncadd.s32 $0xFFFFC800  }
0x3a4: {  	[hbm4b:s12+s10] =	stream.strided.scatter [tilespmem:s19], [sflag:$0x6], $0x3800, s11, s10, $0x38;
	[tilespmem:$0x15B00] =	vst v63  }
0x3a5: {  	s8 =	smul.u32 $0x280, s8;
	s26 =	sadd.s32 $0x38, s26;
	_ =	swait.ge [sflag:s0], $0x3800  }
0x3a6: {  	s28 =	smov.u32 s13;
	s13 =	sadd.s32 $0x180, s1;
	[sflag:s0] =	ssyncset.done $0x0  }
0x3a7: {  	s1 =	smov.u32 s18;
	s18 =	simm.s32 $0xB300;
	[sflag:s0] =	ssyncadd.s32 $0xFFFFC800  }
0x3a8: {  	[hbm4b:s13+s10] =	stream.strided.scatter [tilespmem:s18], [sflag:$0x7], $0x3800, s11, s10, $0x38;
	[tilespmem:$0x15B00] =	vst v63  }
0x3a9: {  	s17 =	smov.u32 s21;
	s15 =	smov.u32 s3;
	_ =	swait.ge [sflag:s4], $0x3800  }
0x3aa: {  	p0 =	por p1, p1;
	s19 =	sadd.s32 s20, s9;
	[sflag:s4] =	ssyncset.done $0x0  }
.Ltmp7:
0x3ab: {  	s20 =	simm.s32 $0xEB00;
	[sflag:s4] =	ssyncadd.s32 $0xFFFFC800;
	(pc) =	sbr.rel @p2 .LBB2_16-.Ltmp7, $4  }
0x3ac: {  	[hbm4b:s19+s10] =	stream.strided.scatter [tilespmem:s20], [sflag:$0x8], $0x3800, s11, s10, $0x38;
	[tilespmem:$0x15B00] =	vst v63  }
0x3ad: {  	s3 =	sadd.s32 $0x180, s14;
	s17 =	smov.u32 @p1 s23;
	_ =	swait.ge [sflag:s30], $0x3800  }
0x3ae: {  	s23 =	sadd.s32 $0x8C00, s23;
	s31 =	smov.u32 s8;
	[sflag:s30] =	ssyncset.done $0x0  }
0x3af: {  	s12 =	smov.u32 s5;
	s20 =	smov.u32 s17;
	[sflag:s30] =	ssyncadd.s32 $0xFFFFC800  }
0x3b0: {  	[hbm4b:s3+s10] =	stream.strided.scatter [tilespmem:s29], [sflag:$0x9], $0x3800, s11, s10, $0x38;
	[tilespmem:$0x15B00] =	vst v63  }
0x3b1: {  	s3 =	simm.s32 @p0 $0x6  }
0x3b2: {  	_ =	swait.ge @p0 [sflag:s3], $0x3800  }
0x3b3: {  	s5 =	simm.s32 @p0 $0x7;
	[sflag:s3] =	ssyncset.done @p0 $0x0  }
0x3b4: {  	s7 =	simm.s32 @p0 $0x7B00;
	[sflag:s3] =	ssyncadd.s32 @p0 $0xFFFFC800;
	s3 =	simm.s32 @p0 $0x70  }
0x3b5: {  	[tilespmem:s7], [sflag:$0x2] =	stream.indirect.gather @p0 [hbm4b:s2+s3], $0x80, s15, s3, $0xb8;
	[tilespmem:$0x15B00] =	vst v63  }
0x3b6: {  	_ =	swait.ge @p0 [sflag:s5], $0x3800  }
0x3b7: {  	[sflag:s5] =	ssyncset.done @p0 $0x0  }
0x3b8: {  	s7 =	simm.s32 @p0 $0x8;
	[sflag:s5] =	ssyncadd.s32 @p0 $0xFFFFC800;
	s5 =	simm.s32 @p0 $0xB300  }
0x3b9: {  	[tilespmem:s5], [sflag:$0x3] =	stream.indirect.gather @p0 [hbm4b:s2+s3], $0x80, s25, s3, $0xb8;
	[tilespmem:$0x15B00] =	vst v63  }
0x3ba: {  	_ =	swait.ge @p0 [sflag:s7], $0x3800  }
0x3bb: {  	[sflag:s7] =	ssyncset.done @p0 $0x0  }
0x3bc: {  	s5 =	simm.s32 @p0 $0xEB00;
	[sflag:s7] =	ssyncadd.s32 @p0 $0xFFFFC800;
	s7 =	simm.s32 @p0 $0x9  }
0x3bd: {  	[tilespmem:s5], [sflag:$0x4] =	stream.indirect.gather @p0 [hbm4b:s2+s3], $0x80, s12, s3, $0xb8;
	[tilespmem:$0x15B00] =	vst v63  }
0x3be: {  	_ =	swait.ge @p0 [sflag:s7], $0x3800  }
0x3bf: {  	s3 =	simm.s32 @!p0 $0x7B00;
	[sflag:s7] =	ssyncset.done @p0 $0x0  }
0x3c0: {  	s5 =	simm.s32 @!p0 $0x70;
	[sflag:s7] =	ssyncadd.s32 @p0 $0xFFFFC800;
	s7 =	simm.s32 @!p0 $0x6240  }
0x3c1: {  	[tilespmem:s3], [sflag:$0x2] =	stream.indirect.gather @!p0 [hbm4b:s2+s5], $0x80, s7, s5, $0xb8;
	[tilespmem:$0x15B00] =	vst v63  }
0x3c2: {  	s3 =	simm.s32 @!p0 $0x62B0;
	s7 =	simm.s32 @!p0 $0xB300  }
0x3c3: {  	[tilespmem:s7], [sflag:$0x3] =	stream.indirect.gather @!p0 [hbm4b:s2+s5], $0x80, s3, s5, $0xb8;
	[tilespmem:$0x15B00] =	vst v63  }
0x3c4: {  	s3 =	simm.s32 @!p0 $0x6320;
	s7 =	simm.s32 @!p0 $0xEB00  }
0x3c5: {  	[tilespmem:s7], [sflag:$0x4] =	stream.indirect.gather @!p0 [hbm4b:s2+s5], $0x80, s3, s5, $0xb8;
	[tilespmem:$0x15B00] =	vst v63  }
0x3c6: {  	s18 =	simm.s32 $0x70;
	s7 =	sadd.s32 $0x2610, s28  }
0x3c7: {  	[tilespmem:s29], [sflag:$0x5] =	stream.indirect.gather [hbm4b:s2+s18], $0x80, s7, s18, $0xb8;
	[tilespmem:$0x15B00] =	vst v63  }
0x3c8: {  	_ =	swait.ge [sflag:s22], $0x3800  }
0x3c9: {  	[sflag:s22] =	ssyncset.done $0x0  }
0x3ca: {  	s8 =	sadd.s32 s31, s9;
	s23 =	simm.s32 $0x7B00;
	[sflag:s22] =	ssyncadd.s32 $0xFFFFC800  }
0x3cb: {  	[hbm4b:s8+s10] =	stream.strided.scatter [tilespmem:s23], [sflag:$0x6], $0x3800, s11, s10, $0x38;
	[tilespmem:$0x15B00] =	vst v63  }
0x3cc: {  	_ =	swait.ge [sflag:s0], $0x3800  }
0x3cd: {  	[sflag:s0] =	ssyncset.done $0x0  }
0x3ce: {  	s1 =	sadd.s32 $0x180, s1;
	s21 =	simm.s32 $0xB300;
	[sflag:s0] =	ssyncadd.s32 $0xFFFFC800  }
0x3cf: {  	[hbm4b:s1+s10] =	stream.strided.scatter [tilespmem:s21], [sflag:$0x7], $0x3800, s11, s10, $0x38;
	[tilespmem:$0x15B00] =	vst v63  }
0x3d0: {  	_ =	swait.ge [sflag:s4], $0x3800  }
0x3d1: {  	[sflag:s4] =	ssyncset.done $0x0  }
0x3d2: {  	s19 =	simm.s32 $0xEB00;
	s12 =	sadd.s32 s20, s9;
	[sflag:s4] =	ssyncadd.s32 $0xFFFFC800  }
0x3d3: {  	[hbm4b:s12+s10] =	stream.strided.scatter [tilespmem:s19], [sflag:$0x8], $0x3800, s11, s10, $0x38;
	[tilespmem:$0x15B00] =	vst v63  }
0x3d4: {  	_ =	swait.ge [sflag:s30], $0x3800  }
0x3d5: {  	[sflag:s30] =	ssyncset.done $0x0  }
0x3d6: {  	s13 =	sadd.s32 $0x180, s16;
	s14 =	simm.s32 $0x6;
	[sflag:s30] =	ssyncadd.s32 $0xFFFFC800  }
0x3d7: {  	[hbm4b:s13+s10] =	stream.strided.scatter [tilespmem:s29], [sflag:$0x9], $0x3800, s11, s10, $0x38;
	[tilespmem:$0x15B00] =	vst v63  }
0x3d8: {  	_ =	swait.ge [sflag:s14], $0x3800  }
0x3d9: {  	[sflag:s14] =	ssyncset.done $0x0  }
0x3da: {  	s15 =	simm.s32 $0x7;
	[sflag:s14] =	ssyncadd.s32 $0xFFFFC800  }
0x3db: {  	_ =	swait.ge [sflag:s15], $0x3800  }
0x3dc: {  	[sflag:s15] =	ssyncset.done $0x0  }
0x3dd: {  	s16 =	simm.s32 $0x8;
	[sflag:s15] =	ssyncadd.s32 $0xFFFFC800  }
0x3de: {  	_ =	swait.ge [sflag:s16], $0x3800  }
0x3df: {  	[sflag:s16] =	ssyncset.done $0x0  }
0x3e0: {  	s17 =	simm.s32 $0x9;
	[sflag:s16] =	ssyncadd.s32 $0xFFFFC800  }
0x3e1: {  	_ =	swait.ge [sflag:s17], $0x3800  }
0x3e2: {  	[sflag:s17] =	ssyncset.done $0x0  }
0x3e3: {  	s20 =	simm.s32 $0x1;
	[sflag:s17] =	ssyncadd.s32 $0xFFFFC800  }
0x3e4: {  	_ =	swait.ge [sflag:s20], $0x70  }
0x3e5: {  	[sflag:s20] =	ssyncset.done $0x0  }
0x3e6: {  	[sflag:s20] =	ssyncadd.s32 $0xFFFFFF90  }
0x3e7: {  	_ =	swait.ge [sflag:s20], $0x70  }
0x3e8: {  	[sflag:s20] =	ssyncset.done $0x0  }
0x3e9: {  	[sflag:s20] =	ssyncadd.s32 $0xFFFFFF90  }
0x3ea: {  	_ =	swait.ge [sflag:s20], $0x70  }
0x3eb: {  	[sflag:s20] =	ssyncset.done $0x0  }
0x3ec: {  	[sflag:s20] =	ssyncadd.s32 $0xFFFFFF90  }
0x3ed: {  	_ =	swait.ge [sflag:s20], $0x70  }
0x3ee: {  	[sflag:s20] =	ssyncset.done $0x0  }
0x3ef: {  	[sflag:s20] =	ssyncadd.s32 $0xFFFFFF90  }
0x3f0: {  	_ =	swait.ge [sflag:s20], $0x70  }
0x3f1: {  	[sflag:s20] =	ssyncset.done $0x0  }
0x3f2: {  	[sflag:s20] =	ssyncadd.s32 $0xFFFFFF90  }
0x3f3: {  	_ =	swait.ge [sflag:s20], $0x70  }
0x3f4: {  	[sflag:s20] =	ssyncset.done $0x0  }
0x3f5: {  	[sflag:s20] =	ssyncadd.s32 $0xFFFFFF90  }
0x3f6: {  	_ =	swait.ge [sflag:s20], $0x70  }
0x3f7: {  	[sflag:s20] =	ssyncset.done $0x0  }
0x3f8: {  	[sflag:s20] =	ssyncadd.s32 $0xFFFFFF90  }
0x3f9: {  	_ =	swait.ge [sflag:s20], $0x70  }
0x3fa: {  	[sflag:s20] =	ssyncset.done $0x0  }
0x3fb: {  	[sflag:s20] =	ssyncadd.s32 $0xFFFFFF90  }
0x3fc: {  	_ =	swait.ge [sflag:s20], $0x70  }
0x3fd: {  	[sflag:s20] =	ssyncset.done $0x0  }
0x3fe: {  	[sflag:s20] =	ssyncadd.s32 $0xFFFFFF90  }
0x3ff: {  	_ =	swait.ge [sflag:s20], $0x70  }
0x400: {  	[sflag:s20] =	ssyncset.done $0x0  }
0x401: {  	[sflag:s20] =	ssyncadd.s32 $0xFFFFFF90  }
0x402: {  	_ =	swait.ge [sflag:s20], $0x70  }
0x403: {  	[sflag:s20] =	ssyncset.done $0x0  }
0x404: {  	[sflag:s20] =	ssyncadd.s32 $0xFFFFFF90  }
0x405: {  	_ =	swait.ge [sflag:s20], $0x70  }
0x406: {  	[sflag:s20] =	ssyncset.done $0x0  }
0x407: {  	[sflag:s20] =	ssyncadd.s32 $0xFFFFFF90  }
0x408: {  	_ =	swait.ge [sflag:s20], $0x70  }
0x409: {  	[sflag:s20] =	ssyncset.done $0x0  }
0x40a: {  	[sflag:s20] =	ssyncadd.s32 $0xFFFFFF90  }
0x40b: {  	_ =	swait.ge [sflag:s20], $0x70  }
0x40c: {  	[sflag:s20] =	ssyncset.done $0x0  }
0x40d: {  	[sflag:s20] =	ssyncadd.s32 $0xFFFFFF90  }
0x40e: {  	_ =	swait.ge [sflag:s20], $0x70  }
0x40f: {  	[sflag:s20] =	ssyncset.done $0x0  }
0x410: {  	[sflag:s20] =	ssyncadd.s32 $0xFFFFFF90  }
0x411: {  	_ =	swait.ge [sflag:s20], $0x70  }
0x412: {  	[sflag:s20] =	ssyncset.done $0x0  }
0x413: {  	[sflag:s20] =	ssyncadd.s32 $0xFFFFFF90  }
0x414: {  	_ =	swait.ge [sflag:s20], $0x70  }
0x415: {  	[sflag:s20] =	ssyncset.done $0x0  }
0x416: {  	[sflag:s20] =	ssyncadd.s32 $0xFFFFFF90  }
0x417: {  	_ =	swait.ge [sflag:s20], $0x70  }
0x418: {  	[sflag:s20] =	ssyncset.done $0x0  }
0x419: {  	[sflag:s20] =	ssyncadd.s32 $0xFFFFFF90  }
0x41a: {  	_ =	swait.ge [sflag:s20], $0x70  }
0x41b: {  	[sflag:s20] =	ssyncset.done $0x0  }
0x41c: {  	[sflag:s20] =	ssyncadd.s32 $0xFFFFFF90  }
0x41d: {  	_ =	swait.ge [sflag:s20], $0x70  }
0x41e: {  	[sflag:s20] =	ssyncset.done $0x0  }
0x41f: {  	[sflag:s20] =	ssyncadd.s32 $0xFFFFFF90  }
0x420: {  	_ =	swait.ge [sflag:s20], $0x70  }
0x421: {  	[sflag:s20] =	ssyncset.done $0x0  }
0x422: {  	[sflag:s20] =	ssyncadd.s32 $0xFFFFFF90  }
0x423: {  	_ =	swait.ge [sflag:s20], $0x70  }
0x424: {  	[sflag:s20] =	ssyncset.done $0x0  }
0x425: {  	[sflag:s20] =	ssyncadd.s32 $0xFFFFFF90  }
0x426: {  	_ =	swait.ge [sflag:s20], $0x70  }
0x427: {  	[sflag:s20] =	ssyncset.done $0x0  }
0x428: {  	[sflag:s20] =	ssyncadd.s32 $0xFFFFFF90  }
0x429: {  	_ =	swait.ge [sflag:s20], $0x70  }
0x42a: {  	[sflag:s20] =	ssyncset.done $0x0  }
0x42b: {  	[sflag:s20] =	ssyncadd.s32 $0xFFFFFF90  }
0x42c: {  	_ =	swait.ge [sflag:s20], $0x70  }
0x42d: {  	[sflag:s20] =	ssyncset.done $0x0  }
0x42e: {  	[sflag:s20] =	ssyncadd.s32 $0xFFFFFF90  }
0x42f: {  	_ =	swait.ge [sflag:s20], $0x70  }
0x430: {  	[sflag:s20] =	ssyncset.done $0x0  }
0x431: {  	[sflag:s20] =	ssyncadd.s32 $0xFFFFFF90  }
0x432: {  	_ =	swait.ge [sflag:s20], $0x70  }
0x433: {  	p1 =	por $0x0, $0x0;
	[sflag:s20] =	ssyncset.done $0x0  }
0x434: {  	p0 =	por p1, p1;
	[sflag:s20] =	ssyncadd.s32 $0xFFFFFF90  }
0x435: {  	s3 =	simm.s32 @p1 $0x6E80;
	s5 =	simm.s32 @p1 $0x6EF0;
	_ =	swait.ge [sflag:s20], $0x70  }
0x436: {  	s7 =	simm.s32 @p0 $0x6;
	s8 =	simm.s32 @p1 $0x6F60;
	[sflag:s20] =	ssyncset.done $0x0  }
0x437: {  	s1 =	simm.s32 $0x0;
	s12 =	simm.s32 @p1 $0x3D80;
	[sflag:s20] =	ssyncadd.s32 $0xFFFFFF90  }
0x438: {  	s1 =	simm.s32 @!p1 $0x0;
	s12 =	simm.s32 @!p1 $0x3D80;
	_ =	swait.ge @p0 [sflag:s7], $0x3800  }
0x439: {  	s12 =	sadd.s32 $0x3250, s12;
	s14 =	simm.s32 @p0 $0x7;
	s26 =	rddreg [dreg:$0x7]  }
0x43a: {  	s15 =	simm.s32 @p0 $0x7B00;
	[sflag:s7] =	ssyncset.done @p0 $0x0;
	s9 =	rddreg [dreg:$0x6]  }
0x43b: {  	s13 =	sadd.s32 s26, s1;
	[sflag:s7] =	ssyncadd.s32 @p0 $0xFFFFC800;
	s7 =	simm.s32 @p0 $0x70  }
0x43c: {  	[tilespmem:s15], [sflag:$0x2] =	stream.indirect.gather @p0 [hbm4b:s2+s7], $0x80, s3, s7, $0xb8;
	[tilespmem:$0x15B00] =	vst v63  }
0x43d: {  	s16 =	smov.u32 s9;
	s3 =	rddreg [dreg:$0x19];
	s24 =	sshrl.u32 s13, $0x3  }
0x43e: {  	s15 =	simm.s32 @p0 $0x8;
	s13 =	simm.s32 @p0 $0xEB00;
	s16 =	smov.u32 @p1 s3  }
0x43f: {  	_ =	swait.ge @p0 [sflag:s14], $0x3800;
	s3 =	smul.u32 $0x280, s24;
	p1 =	por $0x1, $0x1  }
0x440: {  	s25 =	smul.u32 $0x1400, s16;
	[sflag:s14] =	ssyncset.done @p0 $0x0;
	s17 =	rddreg [dreg:$0x5]  }
0x441: {  	s31 =	simm.s32 @p1 $0x3F40;
	[sflag:s14] =	ssyncadd.s32 @p0 $0xFFFFC800;
	s14 =	simm.s32 @p0 $0xB300  }
0x442: {  	[tilespmem:s14], [sflag:$0x3] =	stream.indirect.gather @p0 [hbm4b:s2+s7], $0x80, s5, s7, $0xb8;
	[tilespmem:$0x15B00] =	vst v63  }
0x443: {  	s1 =	sadd.s32 s1, s17;
	s31 =	simm.s32 @!p1 $0x3D80;
	_ =	swait.ge @p0 [sflag:s15], $0x3800  }
0x444: {  	s16 =	sshrl.u32 s25, $0x3;
	s1 =	sshrl.u32 s1, $0x3;
	[sflag:s15] =	ssyncset.done @p0 $0x0  }
0x445: {  	s14 =	simm.s32 @p0 $0x9;
	s25 =	simm.s32 @p1 $0x70B0;
	[sflag:s15] =	ssyncadd.s32 @p0 $0xFFFFC800  }
0x446: {  	[tilespmem:s13], [sflag:$0x4] =	stream.indirect.gather @p0 [hbm4b:s2+s7], $0x80, s8, s7, $0xb8;
	[tilespmem:$0x15B00] =	vst v63  }
0x447: {  	s5 =	sadd.s32 s6, s16;
	s16 =	simm.s32 @p1 $0x7040;
	_ =	swait.ge @p0 [sflag:s14], $0x3800  }
0x448: {  	s8 =	smul.u32 $0x280, s1;
	s7 =	simm.s32 @!p0 $0x7B00;
	[sflag:s14] =	ssyncset.done @p0 $0x0  }
0x449: {  	s13 =	simm.s32 @!p0 $0x70;
	[sflag:s14] =	ssyncadd.s32 @p0 $0xFFFFC800;
	s14 =	simm.s32 @!p0 $0x6E80  }
0x44a: {  	[tilespmem:s7], [sflag:$0x2] =	stream.indirect.gather @!p0 [hbm4b:s2+s13], $0x80, s14, s13, $0xb8;
	[tilespmem:$0x15B00] =	vst v63  }
0x44b: {  	s1 =	simm.s32 $0x1C0;
	s7 =	simm.s32 @!p0 $0x6EF0;
	s14 =	simm.s32 @!p0 $0xB300  }
0x44c: {  	[tilespmem:s14], [sflag:$0x3] =	stream.indirect.gather @!p0 [hbm4b:s2+s13], $0x80, s7, s13, $0xb8;
	[tilespmem:$0x15B00] =	vst v63  }
0x44d: {  	s15 =	simm.s32 @!p0 $0xEB00;
	s1 =	simm.s32 @!p1 $0x0;
	s14 =	simm.s32 @!p0 $0x6F60  }
0x44e: {  	[tilespmem:s15], [sflag:$0x4] =	stream.indirect.gather @!p0 [hbm4b:s2+s13], $0x80, s14, s13, $0xb8;
	[tilespmem:$0x15B00] =	vst v63  }
0x44f: {  	s5 =	sadd.s32 $0x200, s5;
	s20 =	sadd.s32 s26, s1;
	s24 =	sadd.s32 s1, s17  }
0x450: {  	[tilespmem:s29], [sflag:$0x5] =	stream.indirect.gather [hbm4b:s2+s18], $0x80, s12, s18, $0xb8;
	[tilespmem:$0x15B00] =	vst v63  }
0x451: {  	s24 =	sshrl.u32 s24, $0x3;
	s13 =	rddreg [dreg:$0x3];
	_ =	swait.ge [sflag:s22], $0x3800  }
0x452: {  	s7 =	simm.s32 $0xE00;
	[sflag:s22] =	ssyncset.done $0x0;
	s18 =	rddreg [dreg:$0x10]  }
0x453: {  	s14 =	sshrl.u32 s20, $0x3;
	[sflag:s22] =	ssyncadd.s32 $0xFFFFC800;
	s3 =	sadd.s32 s3, s18  }
0x454: {  	[hbm4b:s3+s10] =	stream.strided.scatter [tilespmem:s23], [sflag:$0x6], $0x3800, s11, s10, $0x38;
	[tilespmem:$0x15B00] =	vst v63  }
0x455: {  	s15 =	smov.u32 s9;
	s9 =	rddreg [dreg:$0x1f];
	_ =	swait.ge [sflag:s0], $0x3800  }
0x456: {  	s20 =	smul.u32 $0x280, s14;
	s15 =	smov.u32 @p1 s9;
	s17 =	rddreg [dreg:$0x17]  }
0x457: {  	s23 =	smul.u32 $0x1400, s15;
	[sflag:s0] =	ssyncset.done $0x0;
	s13 =	smov.u32 @p0 s17  }
0x458: {  	s12 =	simm.s32 @p1 $0x7120;
	[sflag:s0] =	ssyncadd.s32 $0xFFFFC800;
	s15 =	smul.u32 $0x1400, s13  }
0x459: {  	[hbm4b:s5+s10] =	stream.strided.scatter [tilespmem:s21], [sflag:$0x7], $0x3800, s11, s10, $0x38;
	[tilespmem:$0x15B00] =	vst v63  }
0x45a: {  	s3 =	sshrl.u32 s23, $0x3;
	_ =	swait.ge [sflag:s4], $0x3800;
	s21 =	sshrl.u32 s15, $0x3  }
0x45b: {  	s1 =	sadd.s32 s6, s3;
	[sflag:s4] =	ssyncset.done $0x0;
	s23 =	sadd.s32 s6, s21  }
0x45c: {  	p0 =	por p1, p1;
	[sflag:s4] =	ssyncadd.s32 $0xFFFFC800;
	s3 =	sadd.s32 $0x200, s23  }
0x45d: {  	[hbm4b:s3+s10] =	stream.strided.scatter [tilespmem:s19], [sflag:$0x8], $0x3800, s11, s10, $0x38;
	[tilespmem:$0x15B00] =	vst v63  }
0x45e: {  	s28 =	sadd.s32 $0x38, s17;
	s15 =	smul.u32 $0x280, s24;
	_ =	swait.ge [sflag:s30], $0x3800  }
0x45f: {  	s24 =	simm.s32 $0x380;
	s23 =	sadd.s32 $0x38, s9;
	[sflag:s30] =	ssyncset.done $0x0  }
0x460: {  	s3 =	sadd.s32 s8, s18;
	s19 =	smov.u32 s26;
	[sflag:s30] =	ssyncadd.s32 $0xFFFFC800  }
.LBB2_18:
0x461: {  	[hbm4b:s3+s10] =	stream.strided.scatter [tilespmem:s29], [sflag:$0x9], $0x3800, s11, s10, $0x38;
	[tilespmem:$0x15B00] =	vst v63  }
0x462: {  	s3 =	smov.u32 s7;
	s7 =	sadd.s32 $0x700, s7;
	s5 =	simm.s32 @p0 $0x6  }
0x463: {  	s17 =	simm.s32 @p0 $0x7;
	s21 =	smov.u32 s18;
	s18 =	simm.s32 @p0 $0x70  }
0x464: {  	s1 =	sadd.s32 $0x200, s1;
	s14 =	smov.u32 s15;
	p1 =	sne.s32 s3, $0x0  }
0x465: {  	s15 =	smov.u32 s24;
	_ =	swait.ge @p0 [sflag:s5], $0x3800;
	p2 =	sne.s32 s7, $0x3100  }
0x466: {  	s20 =	sadd.s32 s20, s21;
	s24 =	sadd.s32 $0x1C0, s24;
	s8 =	sshra.s32 @p1 s3, $0x2  }
0x467: {  	s15 =	simm.s32 @!p1 $0x0;
	[sflag:s5] =	ssyncset.done @p0 $0x0;
	s3 =	simm.s32 @p0 $0x7B00  }
0x468: {  	s26 =	sadd.s32 @p1 $0x6E80, s8;
	[sflag:s5] =	ssyncadd.s32 @p0 $0xFFFFC800;
	s5 =	sadd.s32 @p1 $0x6EF0, s8  }
0x469: {  	[tilespmem:s3], [sflag:$0x2] =	stream.indirect.gather @p0 [hbm4b:s2+s18], $0x80, s16, s18, $0xb8;
	[tilespmem:$0x15B00] =	vst v63  }
0x46a: {  	s13 =	sadd.s32 @p1 $0x3D80, s8;
	s9 =	sadd.s32 s19, s15;
	_ =	swait.ge @p0 [sflag:s17], $0x3800  }
0x46b: {  	s3 =	sadd.s32 @p1 $0x6F60, s8;
	s16 =	simm.s32 @p0 $0xB300;
	[sflag:s17] =	ssyncset.done @p0 $0x0  }
0x46c: {  	s8 =	sshrl.u32 s9, $0x3;
	[sflag:s17] =	ssyncadd.s32 @p0 $0xFFFFC800;
	s17 =	simm.s32 @p0 $0x8  }
0x46d: {  	[tilespmem:s16], [sflag:$0x3] =	stream.indirect.gather @p0 [hbm4b:s2+s18], $0x80, s25, s18, $0xb8;
	[tilespmem:$0x15B00] =	vst v63  }
0x46e: {  	s9 =	smov.u32 s19;
	s19 =	smul.u32 $0x280, s8;
	_ =	swait.ge @p0 [sflag:s17], $0x3800  }
0x46f: {  	s8 =	simm.s32 @p0 $0xEB00;
	s16 =	rddreg [dreg:$0x6];
	[sflag:s17] =	ssyncset.done @p0 $0x0  }
0x470: {  	s16 =	smov.u32 @p1 s23;
	[sflag:s17] =	ssyncadd.s32 @p0 $0xFFFFC800;
	s17 =	simm.s32 @p0 $0x9  }
0x471: {  	[tilespmem:s8], [sflag:$0x4] =	stream.indirect.gather @p0 [hbm4b:s2+s18], $0x80, s12, s18, $0xb8;
	[tilespmem:$0x15B00] =	vst v63  }
0x472: {  	s25 =	smul.u32 $0x1400, s16;
	s16 =	rddreg [dreg:$0x5];
	_ =	swait.ge @p0 [sflag:s17], $0x3800  }
0x473: {  	s18 =	simm.s32 @!p0 $0x6E80;
	s12 =	sadd.s32 s15, s16;
	[sflag:s17] =	ssyncset.done @p0 $0x0  }
0x474: {  	s15 =	simm.s32 @!p0 $0x7B00;
	[sflag:s17] =	ssyncadd.s32 @p0 $0xFFFFC800;
	s17 =	simm.s32 @!p0 $0x70  }
0x475: {  	[tilespmem:s15], [sflag:$0x2] =	stream.indirect.gather @!p0 [hbm4b:s2+s17], $0x80, s18, s17, $0xb8;
	[tilespmem:$0x15B00] =	vst v63  }
0x476: {  	s13 =	simm.s32 @!p1 $0x3D80;
	s15 =	simm.s32 @!p0 $0x6EF0;
	s18 =	simm.s32 @!p0 $0xB300  }
0x477: {  	[tilespmem:s18], [sflag:$0x3] =	stream.indirect.gather @!p0 [hbm4b:s2+s17], $0x80, s15, s17, $0xb8;
	[tilespmem:$0x15B00] =	vst v63  }
0x478: {  	s23 =	sadd.s32 $0x38, s23;
	s15 =	simm.s32 @!p0 $0x6F60;
	s18 =	simm.s32 @!p0 $0xEB00  }
0x479: {  	[tilespmem:s18], [sflag:$0x4] =	stream.indirect.gather @!p0 [hbm4b:s2+s17], $0x80, s15, s17, $0xb8;
	[tilespmem:$0x15B00] =	vst v63  }
0x47a: {  	s8 =	sshrl.u32 s25, $0x3;
	s25 =	simm.s32 $0x70;
	s17 =	sadd.s32 $0x3250, s31  }
0x47b: {  	[tilespmem:s29], [sflag:$0x5] =	stream.indirect.gather [hbm4b:s2+s25], $0x80, s17, s25, $0xb8;
	[tilespmem:$0x15B00] =	vst v63  }
0x47c: {  	s16 =	rddreg [dreg:$0x3];
	s12 =	sshrl.u32 s12, $0x3;
	_ =	swait.ge [sflag:s22], $0x3800  }
0x47d: {  	s16 =	smov.u32 @p0 s28;
	s8 =	sadd.s32 s6, s8;
	[sflag:s22] =	ssyncset.done $0x0  }
0x47e: {  	s16 =	smul.u32 $0x1400, s16;
	s25 =	simm.s32 $0x7B00;
	[sflag:s22] =	ssyncadd.s32 $0xFFFFC800  }
0x47f: {  	[hbm4b:s20+s10] =	stream.strided.scatter [tilespmem:s25], [sflag:$0x6], $0x3800, s11, s10, $0x38;
	[tilespmem:$0x15B00] =	vst v63  }
0x480: {  	s28 =	sadd.s32 $0x38, s28;
	s16 =	sshrl.u32 s16, $0x3;
	_ =	swait.ge [sflag:s0], $0x3800  }
0x481: {  	s18 =	smov.u32 s21;
	s15 =	smul.u32 $0x280, s12;
	[sflag:s0] =	ssyncset.done $0x0  }
0x482: {  	s31 =	smov.u32 s13;
	s13 =	simm.s32 $0xB300;
	[sflag:s0] =	ssyncadd.s32 $0xFFFFC800  }
0x483: {  	[hbm4b:s1+s10] =	stream.strided.scatter [tilespmem:s13], [sflag:$0x7], $0x3800, s11, s10, $0x38;
	[tilespmem:$0x15B00] =	vst v63  }
0x484: {  	s12 =	smov.u32 s3;
	s17 =	sadd.s32 s6, s16;
	_ =	swait.ge [sflag:s4], $0x3800  }
0x485: {  	s16 =	smov.u32 s26;
	s26 =	simm.s32 $0xEB00;
	[sflag:s4] =	ssyncset.done $0x0  }
.Ltmp8:
0x486: {  	s17 =	sadd.s32 $0x200, s17;
	[sflag:s4] =	ssyncadd.s32 $0xFFFFC800;
	(pc) =	sbr.rel @p2 .LBB2_18-.Ltmp8, $4  }
0x487: {  	[hbm4b:s17+s10] =	stream.strided.scatter [tilespmem:s26], [sflag:$0x8], $0x3800, s11, s10, $0x38;
	[tilespmem:$0x15B00] =	vst v63  }
0x488: {  	p0 =	por p1, p1;
	s3 =	sadd.s32 s14, s21;
	_ =	swait.ge [sflag:s30], $0x3800  }
0x489: {  	s25 =	smov.u32 s5;
	s20 =	smov.u32 s19;
	[sflag:s30] =	ssyncset.done $0x0  }
0x48a: {  	s19 =	smov.u32 s9;
	s1 =	smov.u32 s8;
	[sflag:s30] =	ssyncadd.s32 $0xFFFFC800  }
0x48b: {  	[hbm4b:s3+s10] =	stream.strided.scatter [tilespmem:s29], [sflag:$0x9], $0x3800, s11, s10, $0x38;
	[tilespmem:$0x15B00] =	vst v63  }
0x48c: {  	s3 =	simm.s32 @p0 $0x6  }
0x48d: {  	_ =	swait.ge @p0 [sflag:s3], $0x3800  }
0x48e: {  	[sflag:s3] =	ssyncset.done @p0 $0x0  }
0x48f: {  	s5 =	simm.s32 @p0 $0x7B00;
	[sflag:s3] =	ssyncadd.s32 @p0 $0xFFFFC800;
	s3 =	simm.s32 @p0 $0x70  }
0x490: {  	[tilespmem:s5], [sflag:$0x2] =	stream.indirect.gather @p0 [hbm4b:s2+s3], $0x80, s16, s3, $0xb8;
	[tilespmem:$0x15B00] =	vst v63  }
0x491: {  	s5 =	simm.s32 @p0 $0x7  }
0x492: {  	_ =	swait.ge @p0 [sflag:s5], $0x3800  }
0x493: {  	[sflag:s5] =	ssyncset.done @p0 $0x0  }
0x494: {  	[sflag:s5] =	ssyncadd.s32 @p0 $0xFFFFC800;
	s5 =	simm.s32 @p0 $0xB300  }
0x495: {  	[tilespmem:s5], [sflag:$0x3] =	stream.indirect.gather @p0 [hbm4b:s2+s3], $0x80, s25, s3, $0xb8;
	[tilespmem:$0x15B00] =	vst v63  }
0x496: {  	s5 =	simm.s32 @p0 $0x8  }
0x497: {  	_ =	swait.ge @p0 [sflag:s5], $0x3800  }
0x498: {  	[sflag:s5] =	ssyncset.done @p0 $0x0  }
0x499: {  	[sflag:s5] =	ssyncadd.s32 @p0 $0xFFFFC800;
	s5 =	simm.s32 @p0 $0xEB00  }
0x49a: {  	[tilespmem:s5], [sflag:$0x4] =	stream.indirect.gather @p0 [hbm4b:s2+s3], $0x80, s12, s3, $0xb8;
	[tilespmem:$0x15B00] =	vst v63  }
0x49b: {  	s3 =	simm.s32 @p0 $0x9  }
0x49c: {  	_ =	swait.ge @p0 [sflag:s3], $0x3800  }
0x49d: {  	s7 =	simm.s32 @!p0 $0x6E80;
	[sflag:s3] =	ssyncset.done @p0 $0x0  }
0x49e: {  	s5 =	simm.s32 @!p0 $0x7B00;
	[sflag:s3] =	ssyncadd.s32 @p0 $0xFFFFC800;
	s3 =	simm.s32 @!p0 $0x70  }
0x49f: {  	[tilespmem:s5], [sflag:$0x2] =	stream.indirect.gather @!p0 [hbm4b:s2+s3], $0x80, s7, s3, $0xb8;
	[tilespmem:$0x15B00] =	vst v63  }
0x4a0: {  	s5 =	simm.s32 @!p0 $0x6EF0;
	s7 =	simm.s32 @!p0 $0xB300  }
0x4a1: {  	[tilespmem:s7], [sflag:$0x3] =	stream.indirect.gather @!p0 [hbm4b:s2+s3], $0x80, s5, s3, $0xb8;
	[tilespmem:$0x15B00] =	vst v63  }
0x4a2: {  	s5 =	simm.s32 @!p0 $0x6F60;
	s7 =	simm.s32 @!p0 $0xEB00  }
0x4a3: {  	[tilespmem:s7], [sflag:$0x4] =	stream.indirect.gather @!p0 [hbm4b:s2+s3], $0x80, s5, s3, $0xb8;
	[tilespmem:$0x15B00] =	vst v63  }
0x4a4: {  	s14 =	sadd.s32 $0x3250, s31;
	s16 =	simm.s32 $0x70  }
0x4a5: {  	[tilespmem:s29], [sflag:$0x5] =	stream.indirect.gather [hbm4b:s2+s16], $0x80, s14, s16, $0xb8;
	[tilespmem:$0x15B00] =	vst v63  }
0x4a6: {  	s3 =	rddreg [dreg:$0x3];
	_ =	swait.ge [sflag:s22], $0x3800  }
0x4a7: {  	[sflag:s22] =	ssyncset.done $0x0  }
0x4a8: {  	s17 =	sadd.s32 s20, s18;
	s20 =	simm.s32 $0x7B00;
	[sflag:s22] =	ssyncadd.s32 $0xFFFFC800  }
0x4a9: {  	[hbm4b:s17+s10] =	stream.strided.scatter [tilespmem:s20], [sflag:$0x6], $0x3800, s11, s10, $0x38;
	[tilespmem:$0x15B00] =	vst v63  }
0x4aa: {  	_ =	swait.ge [sflag:s0], $0x3800  }
0x4ab: {  	s1 =	sadd.s32 $0x200, s1;
	s3 =	smov.u32 @p0 s28;
	[sflag:s0] =	ssyncset.done $0x0  }
0x4ac: {  	s21 =	simm.s32 $0xB300;
	s3 =	smul.u32 $0x1400, s3;
	[sflag:s0] =	ssyncadd.s32 $0xFFFFC800  }
0x4ad: {  	[hbm4b:s1+s10] =	stream.strided.scatter [tilespmem:s21], [sflag:$0x7], $0x3800, s11, s10, $0x38;
	[tilespmem:$0x15B00] =	vst v63  }
0x4ae: {  	s23 =	sshrl.u32 s3, $0x3;
	_ =	swait.ge [sflag:s4], $0x3800  }
0x4af: {  	s1 =	sadd.s32 s6, s23;
	[sflag:s4] =	ssyncset.done $0x0  }
0x4b0: {  	s24 =	simm.s32 $0xEB00;
	s1 =	sadd.s32 $0x200, s1;
	[sflag:s4] =	ssyncadd.s32 $0xFFFFC800  }
0x4b1: {  	[hbm4b:s1+s10] =	stream.strided.scatter [tilespmem:s24], [sflag:$0x8], $0x3800, s11, s10, $0x38;
	[tilespmem:$0x15B00] =	vst v63  }
0x4b2: {  	_ =	swait.ge [sflag:s30], $0x3800  }
0x4b3: {  	[sflag:s30] =	ssyncset.done $0x0  }
0x4b4: {  	s25 =	sadd.s32 s15, s18;
	s21 =	simm.s32 $0x6;
	[sflag:s30] =	ssyncadd.s32 $0xFFFFC800  }
0x4b5: {  	[hbm4b:s25+s10] =	stream.strided.scatter [tilespmem:s29], [sflag:$0x9], $0x3800, s11, s10, $0x38;
	[tilespmem:$0x15B00] =	vst v63  }
0x4b6: {  	_ =	swait.ge [sflag:s21], $0x3800  }
0x4b7: {  	[sflag:s21] =	ssyncset.done $0x0  }
0x4b8: {  	s26 =	simm.s32 $0x7;
	[sflag:s21] =	ssyncadd.s32 $0xFFFFC800  }
0x4b9: {  	_ =	swait.ge [sflag:s26], $0x3800  }
0x4ba: {  	[sflag:s26] =	ssyncset.done $0x0  }
0x4bb: {  	s28 =	simm.s32 $0x8;
	[sflag:s26] =	ssyncadd.s32 $0xFFFFC800  }
0x4bc: {  	_ =	swait.ge [sflag:s28], $0x3800  }
0x4bd: {  	[sflag:s28] =	ssyncset.done $0x0  }
0x4be: {  	s29 =	simm.s32 $0x9;
	[sflag:s28] =	ssyncadd.s32 $0xFFFFC800  }
0x4bf: {  	_ =	swait.ge [sflag:s29], $0x3800  }
0x4c0: {  	s30 =	rddreg [dreg:$0x1d]  }
0x4c1: {  	s31 =	rddreg [dreg:$0x11];
	s3 =	sadd.s32 $0x1, s30  }
0x4c2: {  	p0 =	sne.s32 s3, s31  }
.Ltmp9:
0x4c3: {  	_ = 	snop;
	(pc) =	sbr.rel @p0 .LBB2_1-.Ltmp9, $4  }
0x4c4: {  	_ = 	snop  }
0x4c5: {  	s8 =	simm.s32 $0x70;
	s4 =	simm.s32 $0xEB00  }
0x4c6: {  	s24 =	simm.s32 $0x12300;
	s25 =	simm.s32 $0x4;
	[sflag:s29] =	ssyncset.done $0x0  }
0x4c7: {  	s26 =	simm.s32 $0x7B00;
	s17 =	rddreg [dreg:$0xe];
	[sflag:s29] =	ssyncadd.s32 $0xFFFFC800  }
0x4c8: {  	_ =	sfence.sel $0x180000  }
0x4c9: {  	[bflag:$0x0] =	sbarrier.arrive $0xFFFF  }
0x4ca: {  	_ =	strace $0x9000004A  }
0x4cb: {  	s0 =	stileid.u32;
	[bflag:$0x2] =	sbarrier.arrive $0xFFFF  }
0x4cc: {  	p0 =	sne.s32 s0, $0x0;
	s0 =	rddreg [dreg:$0x2]  }
0x4cd: {  	s0 =	sadd.s32 @!p0 $0x100000, s0  }
0x4ce: {  	[sflag:s0] =	ssyncadd.tile.s32 @!p0 $0x1;
	_ =	shalt  }
.Lfunc_end2:
_tile_overlayer_lowered:
.L_overlay_start_2:
0x4cf: {  	(tag) =	ssettag $0x2  }
0x4d0: {  	s0 =	rddreg [dreg:$0x0];
	s2 =	stileid.u32  }
0x4d1: {  	s1 =	rddreg [dreg:$0x1];
	p0 =	sne.s32 s2, $0x0  }
0x4d2: {  	s3 =	rddreg [dreg:$0x2];
	[bflag:$0x3] =	sbarrier.arrive $0xFFFF;
	s2 =	simm.s32 @!p0 $0x1C0A  }
0x4d3: {  	[timem:s3], [sflag:s2] =	dma.local @!p0 [hbm:s0], s1  }
0x4d4: {  	s0 =	simm.s32 @!p0 $0xA  }
0x4d5: {  	_ =	swait.ge @!p0 [sflag:s0], s1  }
0x4d6: {  	s1 =	ssub.s32 @!p0 $0x0, s1;
	[sflag:s0] =	ssyncset.done @!p0 $0x0  }
0x4d7: {  	[sflag:s0] =	ssyncadd.s32 @!p0 s1  }
0x4d8: {  	[bflag:$0x3] =	sbarrier.arrive $0xFFFF  }
0x4d9: {  	_ =	shalt  }

</sc_bundles>
